<compile_context>
chip_gen: v7x
topology: tpu7x:2x2x1
jax: 0.10.2.dev20260603
libtpu: 0.0.44.dev20260713+nightly
codegen_flags: <defaults>
</compile_context>

<pallas_src>
import jax
import jax.numpy as jnp
from jax import lax
from jax.experimental import pallas as pl
from jax.experimental.pallas import tpu as pltpu
from jax.experimental.pallas import tpu_sc as plsc

VOCAB = 1000000
D = 64
SEQ = 819200
NC, NS, L = 2, 16, 16
NW = NC * NS
PER_W = SEQ // NW
K = 256
NB = PER_W // K
NBUF = 4
RU = 8
CPR = D // L
NACC = 2 * CPR


def _body(table, s1, s2, out, idx_v, bufs, res_v, sem_i, *sems):
    wid = lax.axis_index("s") * NC + lax.axis_index("c")
    base = wid * PER_W
    inv = jnp.full((L,), 1.0 / SEQ, dtype=jnp.float32)

    pltpu.sync_copy(s1.at[pl.ds(base, PER_W)], idx_v.at[0])
    pltpu.async_copy(s2.at[pl.ds(base, PER_W)], idx_v.at[1], sem_i)

    for si in range(2):
        if si == 1:
            pltpu.make_async_copy(s2.at[pl.ds(base, PER_W)], idx_v.at[1],
                                  sem_i).wait()

        for b in range(NBUF):
            pltpu.async_copy(
                table.at[idx_v.at[si, pl.ds(b * K, K)]], bufs.at[b], sems[b]
            )

        def group_body(i, accs, _si=si):
            for b in range(NBUF):
                batch = i * NBUF + b
                pltpu.make_async_copy(
                    table.at[idx_v.at[_si, pl.ds(0, K)]], bufs.at[b], sems[b]
                ).wait()

                def rows_body(r2, accs, _b=b):
                    r = r2 * RU
                    accs = list(accs)
                    for u in range(RU):
                        for c in range(CPR):
                            j = (u % 2) * CPR + c
                            accs[j] = accs[j] + bufs[_b, r + u, pl.ds(c * L, L)]
                    return tuple(accs)

                accs = lax.fori_loop(0, K // RU, rows_body, accs)

                nxt = batch + NBUF

                @pl.when(nxt < NB)
                def _(_b=b, _nxt=nxt, _s=_si):
                    pltpu.async_copy(
                        table.at[idx_v.at[_s, pl.ds(_nxt * K, K)]],
                        bufs.at[_b],
                        sems[_b],
                    )

            return accs

        zero = jnp.zeros((L,), dtype=jnp.float32)
        accs = lax.fori_loop(0, NB // NBUF, group_body, (zero,) * NACC)

        for c in range(CPR):
            res_v[pl.ds(si * D + c * L, L)] = (accs[c] + accs[CPR + c]) * inv

    pltpu.sync_copy(res_v, out.at[wid])


def kernel(pretrained, s1_idx, s2_idx):
    mesh = plsc.VectorSubcoreMesh(core_axis_name="c", subcore_axis_name="s")
    partials = pl.kernel(
        _body,
        out_type=jax.ShapeDtypeStruct((NW, 2 * D), jnp.float32),
        mesh=mesh,
        compiler_params=pltpu.CompilerParams(use_tc_tiling_on_sc=False),
        scratch_types=[
            pltpu.VMEM((2, PER_W), jnp.int32),
            pltpu.VMEM((NBUF, K, D), jnp.float32),
            pltpu.VMEM((2 * D,), jnp.float32),
            pltpu.SemaphoreType.DMA,
        ]
        + [pltpu.SemaphoreType.DMA] * NBUF,
    )(pretrained, s1_idx, s2_idx)
    return jnp.sum(partials, axis=0)

# --- scband reference (transcript-rebuilt; emitter-appended) ---
"""Pipeline reference for scband-emb-aggregation-8418135900700 (READ-ONLY COPY).

The authoritative reference and input builder live on the scoring server;
editing this copy changes nothing except your own understanding.
"""

import jax, jax.numpy as jnp
import numpy as np

VOCAB = 1000000
EMBED_DIM = 64
SEQ = 819200

def setup_inputs(seed: int = 0) -> dict:
    key = jax.random.key(seed)
    k1, k2, k3 = jax.random.split(key, 3)
    pretrained = jax.random.normal(k1, (VOCAB, EMBED_DIM), dtype=jnp.float32)
    s1_idx = jax.random.randint(k2, (SEQ,), 0, VOCAB, dtype=jnp.int64 if jax.config.jax_enable_x64 else jnp.int32)
    s2_idx = jax.random.randint(k3, (SEQ,), 0, VOCAB, dtype=jnp.int64 if jax.config.jax_enable_x64 else jnp.int32)
    return {"pretrained": pretrained, "s1_idx": s1_idx, "s2_idx": s2_idx}

def reference(pretrained, s1_idx, s2_idx):
    # EmbAggregation.forward: embedding lookup for both index sequences,
    # then diff_aggregation: mean over token dim and concat.
    s1_emb = jnp.take(pretrained, s1_idx, axis=0)
    s2_emb = jnp.take(pretrained, s2_idx, axis=0)
    m_1 = jnp.mean(s1_emb, axis=0).astype(jnp.float32)
    m_2 = jnp.mean(s2_emb, axis=0).astype(jnp.float32)
    return jnp.concatenate([m_1, m_2]).astype(jnp.float32)

if __name__ == "__main__":
    import jax
    _d = setup_inputs()
    print(jax.jit(kernel)(*tuple(_d.values())))

</pallas_src>

<mosaic_0001>
#map = affine_map<(d0, d1) -> (0, 0)>
#map1 = affine_map<(d0, d1) -> (0)>
module attributes {stable_mosaic.version = 14 : i64} {
  func.func @_body(%arg0: i32, %arg1: i32, %arg2: memref<1000000x64xf32, #tpu.memory_space<hbm>>, %arg3: memref<819200xi32, #tpu.memory_space<hbm>>, %arg4: memref<819200xi32, #tpu.memory_space<hbm>>, %arg5: memref<32x128xf32, #tpu.memory_space<hbm>>, %arg6: memref<2x25600xi32, #tpu.memory_space<vmem>>, %arg7: memref<4x256x64xf32, #tpu.memory_space<vmem>>, %arg8: memref<128xf32, #tpu.memory_space<vmem>>, %arg9: memref<!tpu.dma_semaphore, #tpu.memory_space<semaphore_mem>>, %arg10: memref<!tpu.dma_semaphore, #tpu.memory_space<semaphore_mem>>, %arg11: memref<!tpu.dma_semaphore, #tpu.memory_space<semaphore_mem>>, %arg12: memref<!tpu.dma_semaphore, #tpu.memory_space<semaphore_mem>>, %arg13: memref<!tpu.dma_semaphore, #tpu.memory_space<semaphore_mem>>) attributes {dimension_semantics = [#tpu.dimension_semantics<core_parallel>, #tpu.dimension_semantics<subcore_parallel>], iteration_bounds = array<i64: 2, 16>, scalar_prefetch = 0 : i64, scratch_operands = 8 : i64, tpu.core_type = #tpu.core_type<sc_vector_subcore>, window_params = [{transform_indices = #map}, {transform_indices = #map1}, {transform_indices = #map1}, {transform_indices = #map}]} {
    %mul3A = arith.constant 2 : i32
    %mul3A_0 = arith.muli %arg1, %mul3A : i32
    %add3A = arith.addi %mul3A_0, %arg0 : i32
    %mul3A_1 = arith.constant 25600 : i32
    %mul3A_2 = arith.muli %add3A, %mul3A_1 : i32
    %broadcast_in_dim3A = arith.constant 1.2207031E-6 : f32
    %broadcast_in_dim3A_3 = vector.broadcast %broadcast_in_dim3A : f32 to vector<16xf32>
    %run_scoped3A = arith.constant 0 : i32
    "tpu.region"() ({
      %run_scoped3A_178 = tpu.sem_alloc : memref<!tpu.dma_semaphore, #tpu.memory_space<semaphore_mem>>
      %dma_start3A_179 = arith.constant 0 : i32
      %dma_start3A_180 = tpu.memref_slice %arg6[%run_scoped3A, %dma_start3A_179] : memref<2x25600xi32, #tpu.memory_space<vmem>> -> memref<1x25600xi32, #tpu.memory_space<vmem>>
      %dma_start3A_181 = tpu.memref_squeeze %dma_start3A_180 : memref<1x25600xi32, #tpu.memory_space<vmem>> -> memref<25600xi32, #tpu.memory_space<vmem>>
      %dma_start3A_182 = tpu.memref_slice %arg3[%mul3A_2] : memref<819200xi32, #tpu.memory_space<hbm>> -> memref<25600xi32, #tpu.memory_space<hbm>>
      %dma_start3A_183 = arith.constant 0 : i32
      %dma_start3A_184 = tpu.memref_slice %arg6[%run_scoped3A, %dma_start3A_183] : memref<2x25600xi32, #tpu.memory_space<vmem>> -> memref<1x25600xi32, #tpu.memory_space<vmem>>
      %dma_start3A_185 = tpu.memref_squeeze %dma_start3A_184 : memref<1x25600xi32, #tpu.memory_space<vmem>> -> memref<25600xi32, #tpu.memory_space<vmem>>
      %dma_start3A_186 = tpu.memref_slice %arg3[%mul3A_2] : memref<819200xi32, #tpu.memory_space<hbm>> -> memref<25600xi32, #tpu.memory_space<hbm>>
      tpu.enqueue_dma source(%dma_start3A_186 : memref<25600xi32, #tpu.memory_space<hbm>>) target(%dma_start3A_185 : memref<25600xi32, #tpu.memory_space<vmem>>) target_semaphore(%run_scoped3A_178 : memref<!tpu.dma_semaphore, #tpu.memory_space<semaphore_mem>>)
      %dma_wait3A_187 = arith.constant 0 : i32
      %dma_wait3A_188 = tpu.memref_slice %arg6[%run_scoped3A, %dma_wait3A_187] : memref<2x25600xi32, #tpu.memory_space<vmem>> -> memref<1x25600xi32, #tpu.memory_space<vmem>>
      %dma_wait3A_189 = tpu.memref_squeeze %dma_wait3A_188 : memref<1x25600xi32, #tpu.memory_space<vmem>> -> memref<25600xi32, #tpu.memory_space<vmem>>
      %dma_wait3A_190 = tpu.memref_slice %arg3[%mul3A_2] : memref<819200xi32, #tpu.memory_space<hbm>> -> memref<25600xi32, #tpu.memory_space<hbm>>
      %dma_wait3A_191 = arith.constant 0 : i32
      %dma_wait3A_192 = tpu.memref_slice %arg6[%run_scoped3A, %dma_wait3A_191] : memref<2x25600xi32, #tpu.memory_space<vmem>> -> memref<1x25600xi32, #tpu.memory_space<vmem>>
      %dma_wait3A_193 = tpu.memref_squeeze %dma_wait3A_192 : memref<1x25600xi32, #tpu.memory_space<vmem>> -> memref<25600xi32, #tpu.memory_space<vmem>>
      %dma_wait3A_194 = tpu.memref_slice %arg3[%mul3A_2] : memref<819200xi32, #tpu.memory_space<hbm>> -> memref<25600xi32, #tpu.memory_space<hbm>>
      tpu.wait_dma2 semaphore(%run_scoped3A_178 : memref<!tpu.dma_semaphore, #tpu.memory_space<semaphore_mem>>) src(%dma_wait3A_194 : memref<25600xi32, #tpu.memory_space<hbm>>) dst(%dma_wait3A_193 : memref<25600xi32, #tpu.memory_space<vmem>>)
      tpu.yield
    }) : () -> ()
    %dma_start3A = arith.constant 1 : i32
    %dma_start3A_4 = arith.constant 0 : i32
    %dma_start3A_5 = tpu.memref_slice %arg6[%dma_start3A, %dma_start3A_4] : memref<2x25600xi32, #tpu.memory_space<vmem>> -> memref<1x25600xi32, #tpu.memory_space<vmem>>
    %dma_start3A_6 = tpu.memref_squeeze %dma_start3A_5 : memref<1x25600xi32, #tpu.memory_space<vmem>> -> memref<25600xi32, #tpu.memory_space<vmem>>
    %dma_start3A_7 = tpu.memref_slice %arg4[%mul3A_2] : memref<819200xi32, #tpu.memory_space<hbm>> -> memref<25600xi32, #tpu.memory_space<hbm>>
    %dma_start3A_8 = arith.constant 0 : i32
    %dma_start3A_9 = tpu.memref_slice %arg6[%dma_start3A, %dma_start3A_8] : memref<2x25600xi32, #tpu.memory_space<vmem>> -> memref<1x25600xi32, #tpu.memory_space<vmem>>
    %dma_start3A_10 = tpu.memref_squeeze %dma_start3A_9 : memref<1x25600xi32, #tpu.memory_space<vmem>> -> memref<25600xi32, #tpu.memory_space<vmem>>
    %dma_start3A_11 = tpu.memref_slice %arg4[%mul3A_2] : memref<819200xi32, #tpu.memory_space<hbm>> -> memref<25600xi32, #tpu.memory_space<hbm>>
    tpu.enqueue_dma source(%dma_start3A_11 : memref<25600xi32, #tpu.memory_space<hbm>>) target(%dma_start3A_10 : memref<25600xi32, #tpu.memory_space<vmem>>) target_semaphore(%arg9 : memref<!tpu.dma_semaphore, #tpu.memory_space<semaphore_mem>>)
    %dma_start3A_12 = arith.constant 0 : i32
    %dma_start3A_13 = arith.constant 0 : i32
    %dma_start3A_14 = arith.constant 0 : i32
    %dma_start3A_15 = arith.constant 0 : i32
    %dma_start3A_16 = tpu.memref_slice %arg7[%dma_start3A_13, %dma_start3A_14, %dma_start3A_15] : memref<4x256x64xf32, #tpu.memory_space<vmem>> -> memref<1x256x64xf32, #tpu.memory_space<vmem>>
    %dma_start3A_17 = tpu.memref_squeeze %dma_start3A_16 : memref<1x256x64xf32, #tpu.memory_space<vmem>> -> memref<256x64xf32, #tpu.memory_space<vmem>>
    %dma_start3A_18 = arith.constant 0 : i32
    %dma_start3A_19 = tpu.memref_slice %arg6[%dma_start3A_12, %dma_start3A_18] : memref<2x25600xi32, #tpu.memory_space<vmem>> -> memref<1x256xi32, #tpu.memory_space<vmem>>
    %dma_start3A_20 = tpu.memref_squeeze %dma_start3A_19 : memref<1x256xi32, #tpu.memory_space<vmem>> -> memref<256xi32, #tpu.memory_space<vmem>>
    %dma_start3A_21 = arith.constant 0 : i32
    %dma_start3A_22 = arith.constant 0 : i32
    %dma_start3A_23 = tpu.memref_slice %arg2[%dma_start3A_21, %dma_start3A_22] : memref<1000000x64xf32, #tpu.memory_space<hbm>> -> memref<1000000x64xf32, #tpu.memory_space<hbm>>
    tpu.enqueue_indirect_dma source(%dma_start3A_23 : memref<1000000x64xf32, #tpu.memory_space<hbm>>) target(%dma_start3A_17 : memref<256x64xf32, #tpu.memory_space<vmem>>) offsets(%dma_start3A_20 : memref<256xi32, #tpu.memory_space<vmem>>) semaphore(%arg10 : memref<!tpu.dma_semaphore, #tpu.memory_space<semaphore_mem>>)
    %dma_start3A_24 = arith.constant 0 : i32
    %dma_start3A_25 = arith.constant 1 : i32
    %dma_start3A_26 = arith.constant 0 : i32
    %dma_start3A_27 = arith.constant 0 : i32
    %dma_start3A_28 = tpu.memref_slice %arg7[%dma_start3A_25, %dma_start3A_26, %dma_start3A_27] : memref<4x256x64xf32, #tpu.memory_space<vmem>> -> memref<1x256x64xf32, #tpu.memory_space<vmem>>
    %dma_start3A_29 = tpu.memref_squeeze %dma_start3A_28 : memref<1x256x64xf32, #tpu.memory_space<vmem>> -> memref<256x64xf32, #tpu.memory_space<vmem>>
    %dma_start3A_30 = arith.constant 256 : i32
    %dma_start3A_31 = tpu.memref_slice %arg6[%dma_start3A_24, %dma_start3A_30] : memref<2x25600xi32, #tpu.memory_space<vmem>> -> memref<1x256xi32, #tpu.memory_space<vmem>>
    %dma_start3A_32 = tpu.memref_squeeze %dma_start3A_31 : memref<1x256xi32, #tpu.memory_space<vmem>> -> memref<256xi32, #tpu.memory_space<vmem>>
    %dma_start3A_33 = arith.constant 0 : i32
    %dma_start3A_34 = arith.constant 0 : i32
    %dma_start3A_35 = tpu.memref_slice %arg2[%dma_start3A_33, %dma_start3A_34] : memref<1000000x64xf32, #tpu.memory_space<hbm>> -> memref<1000000x64xf32, #tpu.memory_space<hbm>>
    tpu.enqueue_indirect_dma source(%dma_start3A_35 : memref<1000000x64xf32, #tpu.memory_space<hbm>>) target(%dma_start3A_29 : memref<256x64xf32, #tpu.memory_space<vmem>>) offsets(%dma_start3A_32 : memref<256xi32, #tpu.memory_space<vmem>>) semaphore(%arg11 : memref<!tpu.dma_semaphore, #tpu.memory_space<semaphore_mem>>)
    %dma_start3A_36 = arith.constant 0 : i32
    %dma_start3A_37 = arith.constant 2 : i32
    %dma_start3A_38 = arith.constant 0 : i32
    %dma_start3A_39 = arith.constant 0 : i32
    %dma_start3A_40 = tpu.memref_slice %arg7[%dma_start3A_37, %dma_start3A_38, %dma_start3A_39] : memref<4x256x64xf32, #tpu.memory_space<vmem>> -> memref<1x256x64xf32, #tpu.memory_space<vmem>>
    %dma_start3A_41 = tpu.memref_squeeze %dma_start3A_40 : memref<1x256x64xf32, #tpu.memory_space<vmem>> -> memref<256x64xf32, #tpu.memory_space<vmem>>
    %dma_start3A_42 = arith.constant 512 : i32
    %dma_start3A_43 = tpu.memref_slice %arg6[%dma_start3A_36, %dma_start3A_42] : memref<2x25600xi32, #tpu.memory_space<vmem>> -> memref<1x256xi32, #tpu.memory_space<vmem>>
    %dma_start3A_44 = tpu.memref_squeeze %dma_start3A_43 : memref<1x256xi32, #tpu.memory_space<vmem>> -> memref<256xi32, #tpu.memory_space<vmem>>
    %dma_start3A_45 = arith.constant 0 : i32
    %dma_start3A_46 = arith.constant 0 : i32
    %dma_start3A_47 = tpu.memref_slice %arg2[%dma_start3A_45, %dma_start3A_46] : memref<1000000x64xf32, #tpu.memory_space<hbm>> -> memref<1000000x64xf32, #tpu.memory_space<hbm>>
    tpu.enqueue_indirect_dma source(%dma_start3A_47 : memref<1000000x64xf32, #tpu.memory_space<hbm>>) target(%dma_start3A_41 : memref<256x64xf32, #tpu.memory_space<vmem>>) offsets(%dma_start3A_44 : memref<256xi32, #tpu.memory_space<vmem>>) semaphore(%arg12 : memref<!tpu.dma_semaphore, #tpu.memory_space<semaphore_mem>>)
    %dma_start3A_48 = arith.constant 0 : i32
    %dma_start3A_49 = arith.constant 3 : i32
    %dma_start3A_50 = arith.constant 0 : i32
    %dma_start3A_51 = arith.constant 0 : i32
    %dma_start3A_52 = tpu.memref_slice %arg7[%dma_start3A_49, %dma_start3A_50, %dma_start3A_51] : memref<4x256x64xf32, #tpu.memory_space<vmem>> -> memref<1x256x64xf32, #tpu.memory_space<vmem>>
    %dma_start3A_53 = tpu.memref_squeeze %dma_start3A_52 : memref<1x256x64xf32, #tpu.memory_space<vmem>> -> memref<256x64xf32, #tpu.memory_space<vmem>>
    %dma_start3A_54 = arith.constant 768 : i32
    %dma_start3A_55 = tpu.memref_slice %arg6[%dma_start3A_48, %dma_start3A_54] : memref<2x25600xi32, #tpu.memory_space<vmem>> -> memref<1x256xi32, #tpu.memory_space<vmem>>
    %dma_start3A_56 = tpu.memref_squeeze %dma_start3A_55 : memref<1x256xi32, #tpu.memory_space<vmem>> -> memref<256xi32, #tpu.memory_space<vmem>>
    %dma_start3A_57 = arith.constant 0 : i32
    %dma_start3A_58 = arith.constant 0 : i32
    %dma_start3A_59 = tpu.memref_slice %arg2[%dma_start3A_57, %dma_start3A_58] : memref<1000000x64xf32, #tpu.memory_space<hbm>> -> memref<1000000x64xf32, #tpu.memory_space<hbm>>
    tpu.enqueue_indirect_dma source(%dma_start3A_59 : memref<1000000x64xf32, #tpu.memory_space<hbm>>) target(%dma_start3A_53 : memref<256x64xf32, #tpu.memory_space<vmem>>) offsets(%dma_start3A_56 : memref<256xi32, #tpu.memory_space<vmem>>) semaphore(%arg13 : memref<!tpu.dma_semaphore, #tpu.memory_space<semaphore_mem>>)
    %broadcast_in_dim3A_60 = arith.constant 0.000000e+00 : f32
    %broadcast_in_dim3A_61 = vector.broadcast %broadcast_in_dim3A_60 : f32 to vector<16xf32>
    %scan3A = arith.constant 0 : i32
    %scan3A_62 = arith.constant 25 : i32
    %scan3A_63 = arith.addi %scan3A, %scan3A_62 : i32
    %scan3A_64 = arith.constant 1 : i32
    %scan3A_65:8 = scf.for %scan3A_178 = %scan3A to %scan3A_63 step %scan3A_64 iter_args(%scan3A_179 = %broadcast_in_dim3A_61, %scan3A_180 = %broadcast_in_dim3A_61, %scan3A_181 = %broadcast_in_dim3A_61, %scan3A_182 = %broadcast_in_dim3A_61, %scan3A_183 = %broadcast_in_dim3A_61, %scan3A_184 = %broadcast_in_dim3A_61, %scan3A_185 = %broadcast_in_dim3A_61, %scan3A_186 = %broadcast_in_dim3A_61) -> (vector<16xf32>, vector<16xf32>, vector<16xf32>, vector<16xf32>, vector<16xf32>, vector<16xf32>, vector<16xf32>, vector<16xf32>)  : i32 {
      %mul3A_187 = arith.constant 4 : i32
      %mul3A_188 = arith.muli %scan3A_178, %mul3A_187 : i32
      %add3A_189 = arith.constant 0 : i32
      %add3A_190 = arith.addi %mul3A_188, %add3A_189 : i32
      %dma_wait3A_191 = arith.constant 0 : i32
      %dma_wait3A_192 = arith.constant 0 : i32
      %dma_wait3A_193 = arith.constant 0 : i32
      %dma_wait3A_194 = arith.constant 0 : i32
      %dma_wait3A_195 = tpu.memref_slice %arg7[%dma_wait3A_192, %dma_wait3A_193, %dma_wait3A_194] : memref<4x256x64xf32, #tpu.memory_space<vmem>> -> memref<1x256x64xf32, #tpu.memory_space<vmem>>
      %dma_wait3A_196 = tpu.memref_squeeze %dma_wait3A_195 : memref<1x256x64xf32, #tpu.memory_space<vmem>> -> memref<256x64xf32, #tpu.memory_space<vmem>>
      %dma_wait3A_197 = arith.constant 0 : i32
      %dma_wait3A_198 = tpu.memref_slice %arg6[%dma_wait3A_191, %dma_wait3A_197] : memref<2x25600xi32, #tpu.memory_space<vmem>> -> memref<1x256xi32, #tpu.memory_space<vmem>>
      %dma_wait3A_199 = tpu.memref_squeeze %dma_wait3A_198 : memref<1x256xi32, #tpu.memory_space<vmem>> -> memref<256xi32, #tpu.memory_space<vmem>>
      %dma_wait3A_200 = arith.constant 0 : i32
      %dma_wait3A_201 = arith.constant 0 : i32
      %dma_wait3A_202 = tpu.memref_slice %arg2[%dma_wait3A_200, %dma_wait3A_201] : memref<1000000x64xf32, #tpu.memory_space<hbm>> -> memref<1000000x64xf32, #tpu.memory_space<hbm>>
      tpu.wait_indirect_dma semaphore(%arg10 : memref<!tpu.dma_semaphore, #tpu.memory_space<semaphore_mem>>) src(%dma_wait3A_202 : memref<1000000x64xf32, #tpu.memory_space<hbm>>) dst(%dma_wait3A_196 : memref<256x64xf32, #tpu.memory_space<vmem>>)
      %scan3A_203 = arith.constant 0 : i32
      %scan3A_204 = arith.constant 32 : i32
      %scan3A_205 = arith.addi %scan3A_203, %scan3A_204 : i32
      %scan3A_206 = arith.constant 1 : i32
      %scan3A_207:8 = scf.for %scan3A_300 = %scan3A_203 to %scan3A_205 step %scan3A_206 iter_args(%scan3A_301 = %scan3A_179, %scan3A_302 = %scan3A_180, %scan3A_303 = %scan3A_181, %scan3A_304 = %scan3A_182, %scan3A_305 = %scan3A_183, %scan3A_306 = %scan3A_184, %scan3A_307 = %scan3A_185, %scan3A_308 = %scan3A_186) -> (vector<16xf32>, vector<16xf32>, vector<16xf32>, vector<16xf32>, vector<16xf32>, vector<16xf32>, vector<16xf32>, vector<16xf32>)  : i32 {
        %mul3A_309 = arith.constant 8 : i32
        %mul3A_310 = arith.muli %scan3A_300, %mul3A_309 : i32
        %add3A_311 = arith.constant 0 : i32
        %add3A_312 = arith.addi %mul3A_310, %add3A_311 : i32
        %get3A = arith.constant 0 : i32
        %get3A_313 = arith.index_cast %get3A : i32 to index
        %get3A_314 = arith.index_cast %add3A_312 : i32 to index
        %get3A_315 = arith.constant 0 : index
        %get3A_316 = tpu.vector_load %arg7[%get3A_313, %get3A_314, %get3A_315] {strides = array<i32>} : memref<4x256x64xf32, #tpu.memory_space<vmem>>, vector<1x1x16xf32>,
        %get3A_317 = vector.shape_cast %get3A_316 : vector<1x1x16xf32> to vector<16xf32>
        %add3A_318 = arith.addf %scan3A_301, %get3A_317 : vector<16xf32>
        %add3A_319 = arith.constant 0 : i32
        %add3A_320 = arith.addi %mul3A_310, %add3A_319 : i32
        %get3A_321 = arith.constant 0 : i32
        %get3A_322 = arith.index_cast %get3A_321 : i32 to index
        %get3A_323 = arith.index_cast %add3A_320 : i32 to index
        %get3A_324 = arith.constant 16 : index
        %get3A_325 = tpu.vector_load %arg7[%get3A_322, %get3A_323, %get3A_324] {strides = array<i32>} : memref<4x256x64xf32, #tpu.memory_space<vmem>>, vector<1x1x16xf32>,
        %get3A_326 = vector.shape_cast %get3A_325 : vector<1x1x16xf32> to vector<16xf32>
        %add3A_327 = arith.addf %scan3A_302, %get3A_326 : vector<16xf32>
        %add3A_328 = arith.constant 0 : i32
        %add3A_329 = arith.addi %mul3A_310, %add3A_328 : i32
        %get3A_330 = arith.constant 0 : i32
        %get3A_331 = arith.index_cast %get3A_330 : i32 to index
        %get3A_332 = arith.index_cast %add3A_329 : i32 to index
        %get3A_333 = arith.constant 32 : index
        %get3A_334 = tpu.vector_load %arg7[%get3A_331, %get3A_332, %get3A_333] {strides = array<i32>} : memref<4x256x64xf32, #tpu.memory_space<vmem>>, vector<1x1x16xf32>,
        %get3A_335 = vector.shape_cast %get3A_334 : vector<1x1x16xf32> to vector<16xf32>
        %add3A_336 = arith.addf %scan3A_303, %get3A_335 : vector<16xf32>
        %add3A_337 = arith.constant 0 : i32
        %add3A_338 = arith.addi %mul3A_310, %add3A_337 : i32
        %get3A_339 = arith.constant 0 : i32
        %get3A_340 = arith.index_cast %get3A_339 : i32 to index
        %get3A_341 = arith.index_cast %add3A_338 : i32 to index
        %get3A_342 = arith.constant 48 : index
        %get3A_343 = tpu.vector_load %arg7[%get3A_340, %get3A_341, %get3A_342] {strides = array<i32>} : memref<4x256x64xf32, #tpu.memory_space<vmem>>, vector<1x1x16xf32>,
        %get3A_344 = vector.shape_cast %get3A_343 : vector<1x1x16xf32> to vector<16xf32>
        %add3A_345 = arith.addf %scan3A_304, %get3A_344 : vector<16xf32>
        %add3A_346 = arith.constant 1 : i32
        %add3A_347 = arith.addi %mul3A_310, %add3A_346 : i32
        %get3A_348 = arith.constant 0 : i32
        %get3A_349 = arith.index_cast %get3A_348 : i32 to index
        %get3A_350 = arith.index_cast %add3A_347 : i32 to index
        %get3A_351 = arith.constant 0 : index
        %get3A_352 = tpu.vector_load %arg7[%get3A_349, %get3A_350, %get3A_351] {strides = array<i32>} : memref<4x256x64xf32, #tpu.memory_space<vmem>>, vector<1x1x16xf32>,
        %get3A_353 = vector.shape_cast %get3A_352 : vector<1x1x16xf32> to vector<16xf32>
        %add3A_354 = arith.addf %scan3A_305, %get3A_353 : vector<16xf32>
        %add3A_355 = arith.constant 1 : i32
        %add3A_356 = arith.addi %mul3A_310, %add3A_355 : i32
        %get3A_357 = arith.constant 0 : i32
        %get3A_358 = arith.index_cast %get3A_357 : i32 to index
        %get3A_359 = arith.index_cast %add3A_356 : i32 to index
        %get3A_360 = arith.constant 16 : index
        %get3A_361 = tpu.vector_load %arg7[%get3A_358, %get3A_359, %get3A_360] {strides = array<i32>} : memref<4x256x64xf32, #tpu.memory_space<vmem>>, vector<1x1x16xf32>,
        %get3A_362 = vector.shape_cast %get3A_361 : vector<1x1x16xf32> to vector<16xf32>
        %add3A_363 = arith.addf %scan3A_306, %get3A_362 : vector<16xf32>
        %add3A_364 = arith.constant 1 : i32
        %add3A_365 = arith.addi %mul3A_310, %add3A_364 : i32
        %get3A_366 = arith.constant 0 : i32
        %get3A_367 = arith.index_cast %get3A_366 : i32 to index
        %get3A_368 = arith.index_cast %add3A_365 : i32 to index
        %get3A_369 = arith.constant 32 : index
        %get3A_370 = tpu.vector_load %arg7[%get3A_367, %get3A_368, %get3A_369] {strides = array<i32>} : memref<4x256x64xf32, #tpu.memory_space<vmem>>, vector<1x1x16xf32>,
        %get3A_371 = vector.shape_cast %get3A_370 : vector<1x1x16xf32> to vector<16xf32>
        %add3A_372 = arith.addf %scan3A_307, %get3A_371 : vector<16xf32>
        %add3A_373 = arith.constant 1 : i32
        %add3A_374 = arith.addi %mul3A_310, %add3A_373 : i32
        %get3A_375 = arith.constant 0 : i32
        %get3A_376 = arith.index_cast %get3A_375 : i32 to index
        %get3A_377 = arith.index_cast %add3A_374 : i32 to index
        %get3A_378 = arith.constant 48 : index
        %get3A_379 = tpu.vector_load %arg7[%get3A_376, %get3A_377, %get3A_378] {strides = array<i32>} : memref<4x256x64xf32, #tpu.memory_space<vmem>>, vector<1x1x16xf32>,
        %get3A_380 = vector.shape_cast %get3A_379 : vector<1x1x16xf32> to vector<16xf32>
        %add3A_381 = arith.addf %scan3A_308, %get3A_380 : vector<16xf32>
        %add3A_382 = arith.constant 2 : i32
        %add3A_383 = arith.addi %mul3A_310, %add3A_382 : i32
        %get3A_384 = arith.constant 0 : i32
        %get3A_385 = arith.index_cast %get3A_384 : i32 to index
        %get3A_386 = arith.index_cast %add3A_383 : i32 to index
        %get3A_387 = arith.constant 0 : index
        %get3A_388 = tpu.vector_load %arg7[%get3A_385, %get3A_386, %get3A_387] {strides = array<i32>} : memref<4x256x64xf32, #tpu.memory_space<vmem>>, vector<1x1x16xf32>,
        %get3A_389 = vector.shape_cast %get3A_388 : vector<1x1x16xf32> to vector<16xf32>
        %add3A_390 = arith.addf %add3A_318, %get3A_389 : vector<16xf32>
        %add3A_391 = arith.constant 2 : i32
        %add3A_392 = arith.addi %mul3A_310, %add3A_391 : i32
        %get3A_393 = arith.constant 0 : i32
        %get3A_394 = arith.index_cast %get3A_393 : i32 to index
        %get3A_395 = arith.index_cast %add3A_392 : i32 to index
        %get3A_396 = arith.constant 16 : index
        %get3A_397 = tpu.vector_load %arg7[%get3A_394, %get3A_395, %get3A_396] {strides = array<i32>} : memref<4x256x64xf32, #tpu.memory_space<vmem>>, vector<1x1x16xf32>,
        %get3A_398 = vector.shape_cast %get3A_397 : vector<1x1x16xf32> to vector<16xf32>
        %add3A_399 = arith.addf %add3A_327, %get3A_398 : vector<16xf32>
        %add3A_400 = arith.constant 2 : i32
        %add3A_401 = arith.addi %mul3A_310, %add3A_400 : i32
        %get3A_402 = arith.constant 0 : i32
        %get3A_403 = arith.index_cast %get3A_402 : i32 to index
        %get3A_404 = arith.index_cast %add3A_401 : i32 to index
        %get3A_405 = arith.constant 32 : index
        %get3A_406 = tpu.vector_load %arg7[%get3A_403, %get3A_404, %get3A_405] {strides = array<i32>} : memref<4x256x64xf32, #tpu.memory_space<vmem>>, vector<1x1x16xf32>,
        %get3A_407 = vector.shape_cast %get3A_406 : vector<1x1x16xf32> to vector<16xf32>
        %add3A_408 = arith.addf %add3A_336, %get3A_407 : vector<16xf32>
        %add3A_409 = arith.constant 2 : i32
        %add3A_410 = arith.addi %mul3A_310, %add3A_409 : i32
        %get3A_411 = arith.constant 0 : i32
        %get3A_412 = arith.index_cast %get3A_411 : i32 to index
        %get3A_413 = arith.index_cast %add3A_410 : i32 to index
        %get3A_414 = arith.constant 48 : index
        %get3A_415 = tpu.vector_load %arg7[%get3A_412, %get3A_413, %get3A_414] {strides = array<i32>} : memref<4x256x64xf32, #tpu.memory_space<vmem>>, vector<1x1x16xf32>,
        %get3A_416 = vector.shape_cast %get3A_415 : vector<1x1x16xf32> to vector<16xf32>
        %add3A_417 = arith.addf %add3A_345, %get3A_416 : vector<16xf32>
        %add3A_418 = arith.constant 3 : i32
        %add3A_419 = arith.addi %mul3A_310, %add3A_418 : i32
        %get3A_420 = arith.constant 0 : i32
        %get3A_421 = arith.index_cast %get3A_420 : i32 to index
        %get3A_422 = arith.index_cast %add3A_419 : i32 to index
        %get3A_423 = arith.constant 0 : index
        %get3A_424 = tpu.vector_load %arg7[%get3A_421, %get3A_422, %get3A_423] {strides = array<i32>} : memref<4x256x64xf32, #tpu.memory_space<vmem>>, vector<1x1x16xf32>,
        %get3A_425 = vector.shape_cast %get3A_424 : vector<1x1x16xf32> to vector<16xf32>
        %add3A_426 = arith.addf %add3A_354, %get3A_425 : vector<16xf32>
        %add3A_427 = arith.constant 3 : i32
        %add3A_428 = arith.addi %mul3A_310, %add3A_427 : i32
        %get3A_429 = arith.constant 0 : i32
        %get3A_430 = arith.index_cast %get3A_429 : i32 to index
        %get3A_431 = arith.index_cast %add3A_428 : i32 to index
        %get3A_432 = arith.constant 16 : index
        %get3A_433 = tpu.vector_load %arg7[%get3A_430, %get3A_431, %get3A_432] {strides = array<i32>} : memref<4x256x64xf32, #tpu.memory_space<vmem>>, vector<1x1x16xf32>,
        %get3A_434 = vector.shape_cast %get3A_433 : vector<1x1x16xf32> to vector<16xf32>
        %add3A_435 = arith.addf %add3A_363, %get3A_434 : vector<16xf32>
        %add3A_436 = arith.constant 3 : i32
        %add3A_437 = arith.addi %mul3A_310, %add3A_436 : i32
        %get3A_438 = arith.constant 0 : i32
        %get3A_439 = arith.index_cast %get3A_438 : i32 to index
        %get3A_440 = arith.index_cast %add3A_437 : i32 to index
        %get3A_441 = arith.constant 32 : index
        %get3A_442 = tpu.vector_load %arg7[%get3A_439, %get3A_440, %get3A_441] {strides = array<i32>} : memref<4x256x64xf32, #tpu.memory_space<vmem>>, vector<1x1x16xf32>,
        %get3A_443 = vector.shape_cast %get3A_442 : vector<1x1x16xf32> to vector<16xf32>
        %add3A_444 = arith.addf %add3A_372, %get3A_443 : vector<16xf32>
        %add3A_445 = arith.constant 3 : i32
        %add3A_446 = arith.addi %mul3A_310, %add3A_445 : i32
        %get3A_447 = arith.constant 0 : i32
        %get3A_448 = arith.index_cast %get3A_447 : i32 to index
        %get3A_449 = arith.index_cast %add3A_446 : i32 to index
        %get3A_450 = arith.constant 48 : index
        %get3A_451 = tpu.vector_load %arg7[%get3A_448, %get3A_449, %get3A_450] {strides = array<i32>} : memref<4x256x64xf32, #tpu.memory_space<vmem>>, vector<1x1x16xf32>,
        %get3A_452 = vector.shape_cast %get3A_451 : vector<1x1x16xf32> to vector<16xf32>
        %add3A_453 = arith.addf %add3A_381, %get3A_452 : vector<16xf32>
        %add3A_454 = arith.constant 4 : i32
        %add3A_455 = arith.addi %mul3A_310, %add3A_454 : i32
        %get3A_456 = arith.constant 0 : i32
        %get3A_457 = arith.index_cast %get3A_456 : i32 to index
        %get3A_458 = arith.index_cast %add3A_455 : i32 to index
        %get3A_459 = arith.constant 0 : index
        %get3A_460 = tpu.vector_load %arg7[%get3A_457, %get3A_458, %get3A_459] {strides = array<i32>} : memref<4x256x64xf32, #tpu.memory_space<vmem>>, vector<1x1x16xf32>,
        %get3A_461 = vector.shape_cast %get3A_460 : vector<1x1x16xf32> to vector<16xf32>
        %add3A_462 = arith.addf %add3A_390, %get3A_461 : vector<16xf32>
        %add3A_463 = arith.constant 4 : i32
        %add3A_464 = arith.addi %mul3A_310, %add3A_463 : i32
        %get3A_465 = arith.constant 0 : i32
        %get3A_466 = arith.index_cast %get3A_465 : i32 to index
        %get3A_467 = arith.index_cast %add3A_464 : i32 to index
        %get3A_468 = arith.constant 16 : index
        %get3A_469 = tpu.vector_load %arg7[%get3A_466, %get3A_467, %get3A_468] {strides = array<i32>} : memref<4x256x64xf32, #tpu.memory_space<vmem>>, vector<1x1x16xf32>,
        %get3A_470 = vector.shape_cast %get3A_469 : vector<1x1x16xf32> to vector<16xf32>
        %add3A_471 = arith.addf %add3A_399, %get3A_470 : vector<16xf32>
        %add3A_472 = arith.constant 4 : i32
        %add3A_473 = arith.addi %mul3A_310, %add3A_472 : i32
        %get3A_474 = arith.constant 0 : i32
        %get3A_475 = arith.index_cast %get3A_474 : i32 to index
        %get3A_476 = arith.index_cast %add3A_473 : i32 to index
        %get3A_477 = arith.constant 32 : index
        %get3A_478 = tpu.vector_load %arg7[%get3A_475, %get3A_476, %get3A_477] {strides = array<i32>} : memref<4x256x64xf32, #tpu.memory_space<vmem>>, vector<1x1x16xf32>,
        %get3A_479 = vector.shape_cast %get3A_478 : vector<1x1x16xf32> to vector<16xf32>
        %add3A_480 = arith.addf %add3A_408, %get3A_479 : vector<16xf32>
        %add3A_481 = arith.constant 4 : i32
        %add3A_482 = arith.addi %mul3A_310, %add3A_481 : i32
        %get3A_483 = arith.constant 0 : i32
        %get3A_484 = arith.index_cast %get3A_483 : i32 to index
        %get3A_485 = arith.index_cast %add3A_482 : i32 to index
        %get3A_486 = arith.constant 48 : index
        %get3A_487 = tpu.vector_load %arg7[%get3A_484, %get3A_485, %get3A_486] {strides = array<i32>} : memref<4x256x64xf32, #tpu.memory_space<vmem>>, vector<1x1x16xf32>,
        %get3A_488 = vector.shape_cast %get3A_487 : vector<1x1x16xf32> to vector<16xf32>
        %add3A_489 = arith.addf %add3A_417, %get3A_488 : vector<16xf32>
        %add3A_490 = arith.constant 5 : i32
        %add3A_491 = arith.addi %mul3A_310, %add3A_490 : i32
        %get3A_492 = arith.constant 0 : i32
        %get3A_493 = arith.index_cast %get3A_492 : i32 to index
        %get3A_494 = arith.index_cast %add3A_491 : i32 to index
        %get3A_495 = arith.constant 0 : index
        %get3A_496 = tpu.vector_load %arg7[%get3A_493, %get3A_494, %get3A_495] {strides = array<i32>} : memref<4x256x64xf32, #tpu.memory_space<vmem>>, vector<1x1x16xf32>,
        %get3A_497 = vector.shape_cast %get3A_496 : vector<1x1x16xf32> to vector<16xf32>
        %add3A_498 = arith.addf %add3A_426, %get3A_497 : vector<16xf32>
        %add3A_499 = arith.constant 5 : i32
        %add3A_500 = arith.addi %mul3A_310, %add3A_499 : i32
        %get3A_501 = arith.constant 0 : i32
        %get3A_502 = arith.index_cast %get3A_501 : i32 to index
        %get3A_503 = arith.index_cast %add3A_500 : i32 to index
        %get3A_504 = arith.constant 16 : index
        %get3A_505 = tpu.vector_load %arg7[%get3A_502, %get3A_503, %get3A_504] {strides = array<i32>} : memref<4x256x64xf32, #tpu.memory_space<vmem>>, vector<1x1x16xf32>,
        %get3A_506 = vector.shape_cast %get3A_505 : vector<1x1x16xf32> to vector<16xf32>
        %add3A_507 = arith.addf %add3A_435, %get3A_506 : vector<16xf32>
        %add3A_508 = arith.constant 5 : i32
        %add3A_509 = arith.addi %mul3A_310, %add3A_508 : i32
        %get3A_510 = arith.constant 0 : i32
        %get3A_511 = arith.index_cast %get3A_510 : i32 to index
        %get3A_512 = arith.index_cast %add3A_509 : i32 to index
        %get3A_513 = arith.constant 32 : index
        %get3A_514 = tpu.vector_load %arg7[%get3A_511, %get3A_512, %get3A_513] {strides = array<i32>} : memref<4x256x64xf32, #tpu.memory_space<vmem>>, vector<1x1x16xf32>,
        %get3A_515 = vector.shape_cast %get3A_514 : vector<1x1x16xf32> to vector<16xf32>
        %add3A_516 = arith.addf %add3A_444, %get3A_515 : vector<16xf32>
        %add3A_517 = arith.constant 5 : i32
        %add3A_518 = arith.addi %mul3A_310, %add3A_517 : i32
        %get3A_519 = arith.constant 0 : i32
        %get3A_520 = arith.index_cast %get3A_519 : i32 to index
        %get3A_521 = arith.index_cast %add3A_518 : i32 to index
        %get3A_522 = arith.constant 48 : index
        %get3A_523 = tpu.vector_load %arg7[%get3A_520, %get3A_521, %get3A_522] {strides = array<i32>} : memref<4x256x64xf32, #tpu.memory_space<vmem>>, vector<1x1x16xf32>,
        %get3A_524 = vector.shape_cast %get3A_523 : vector<1x1x16xf32> to vector<16xf32>
        %add3A_525 = arith.addf %add3A_453, %get3A_524 : vector<16xf32>
        %add3A_526 = arith.constant 6 : i32
        %add3A_527 = arith.addi %mul3A_310, %add3A_526 : i32
        %get3A_528 = arith.constant 0 : i32
        %get3A_529 = arith.index_cast %get3A_528 : i32 to index
        %get3A_530 = arith.index_cast %add3A_527 : i32 to index
        %get3A_531 = arith.constant 0 : index
        %get3A_532 = tpu.vector_load %arg7[%get3A_529, %get3A_530, %get3A_531] {strides = array<i32>} : memref<4x256x64xf32, #tpu.memory_space<vmem>>, vector<1x1x16xf32>,
        %get3A_533 = vector.shape_cast %get3A_532 : vector<1x1x16xf32> to vector<16xf32>
        %add3A_534 = arith.addf %add3A_462, %get3A_533 : vector<16xf32>
        %add3A_535 = arith.constant 6 : i32
        %add3A_536 = arith.addi %mul3A_310, %add3A_535 : i32
        %get3A_537 = arith.constant 0 : i32
        %get3A_538 = arith.index_cast %get3A_537 : i32 to index
        %get3A_539 = arith.index_cast %add3A_536 : i32 to index
        %get3A_540 = arith.constant 16 : index
        %get3A_541 = tpu.vector_load %arg7[%get3A_538, %get3A_539, %get3A_540] {strides = array<i32>} : memref<4x256x64xf32, #tpu.memory_space<vmem>>, vector<1x1x16xf32>,
        %get3A_542 = vector.shape_cast %get3A_541 : vector<1x1x16xf32> to vector<16xf32>
        %add3A_543 = arith.addf %add3A_471, %get3A_542 : vector<16xf32>
        %add3A_544 = arith.constant 6 : i32
        %add3A_545 = arith.addi %mul3A_310, %add3A_544 : i32
        %get3A_546 = arith.constant 0 : i32
        %get3A_547 = arith.index_cast %get3A_546 : i32 to index
        %get3A_548 = arith.index_cast %add3A_545 : i32 to index
        %get3A_549 = arith.constant 32 : index
        %get3A_550 = tpu.vector_load %arg7[%get3A_547, %get3A_548, %get3A_549] {strides = array<i32>} : memref<4x256x64xf32, #tpu.memory_space<vmem>>, vector<1x1x16xf32>,
        %get3A_551 = vector.shape_cast %get3A_550 : vector<1x1x16xf32> to vector<16xf32>
        %add3A_552 = arith.addf %add3A_480, %get3A_551 : vector<16xf32>
        %add3A_553 = arith.constant 6 : i32
        %add3A_554 = arith.addi %mul3A_310, %add3A_553 : i32
        %get3A_555 = arith.constant 0 : i32
        %get3A_556 = arith.index_cast %get3A_555 : i32 to index
        %get3A_557 = arith.index_cast %add3A_554 : i32 to index
        %get3A_558 = arith.constant 48 : index
        %get3A_559 = tpu.vector_load %arg7[%get3A_556, %get3A_557, %get3A_558] {strides = array<i32>} : memref<4x256x64xf32, #tpu.memory_space<vmem>>, vector<1x1x16xf32>,
        %get3A_560 = vector.shape_cast %get3A_559 : vector<1x1x16xf32> to vector<16xf32>
        %add3A_561 = arith.addf %add3A_489, %get3A_560 : vector<16xf32>
        %add3A_562 = arith.constant 7 : i32
        %add3A_563 = arith.addi %mul3A_310, %add3A_562 : i32
        %get3A_564 = arith.constant 0 : i32
        %get3A_565 = arith.index_cast %get3A_564 : i32 to index
        %get3A_566 = arith.index_cast %add3A_563 : i32 to index
        %get3A_567 = arith.constant 0 : index
        %get3A_568 = tpu.vector_load %arg7[%get3A_565, %get3A_566, %get3A_567] {strides = array<i32>} : memref<4x256x64xf32, #tpu.memory_space<vmem>>, vector<1x1x16xf32>,
        %get3A_569 = vector.shape_cast %get3A_568 : vector<1x1x16xf32> to vector<16xf32>
        %add3A_570 = arith.addf %add3A_498, %get3A_569 : vector<16xf32>
        %add3A_571 = arith.constant 7 : i32
        %add3A_572 = arith.addi %mul3A_310, %add3A_571 : i32
        %get3A_573 = arith.constant 0 : i32
        %get3A_574 = arith.index_cast %get3A_573 : i32 to index
        %get3A_575 = arith.index_cast %add3A_572 : i32 to index
        %get3A_576 = arith.constant 16 : index
        %get3A_577 = tpu.vector_load %arg7[%get3A_574, %get3A_575, %get3A_576] {strides = array<i32>} : memref<4x256x64xf32, #tpu.memory_space<vmem>>, vector<1x1x16xf32>,
        %get3A_578 = vector.shape_cast %get3A_577 : vector<1x1x16xf32> to vector<16xf32>
        %add3A_579 = arith.addf %add3A_507, %get3A_578 : vector<16xf32>
        %add3A_580 = arith.constant 7 : i32
        %add3A_581 = arith.addi %mul3A_310, %add3A_580 : i32
        %get3A_582 = arith.constant 0 : i32
        %get3A_583 = arith.index_cast %get3A_582 : i32 to index
        %get3A_584 = arith.index_cast %add3A_581 : i32 to index
        %get3A_585 = arith.constant 32 : index
        %get3A_586 = tpu.vector_load %arg7[%get3A_583, %get3A_584, %get3A_585] {strides = array<i32>} : memref<4x256x64xf32, #tpu.memory_space<vmem>>, vector<1x1x16xf32>,
        %get3A_587 = vector.shape_cast %get3A_586 : vector<1x1x16xf32> to vector<16xf32>
        %add3A_588 = arith.addf %add3A_516, %get3A_587 : vector<16xf32>
        %add3A_589 = arith.constant 7 : i32
        %add3A_590 = arith.addi %mul3A_310, %add3A_589 : i32
        %get3A_591 = arith.constant 0 : i32
        %get3A_592 = arith.index_cast %get3A_591 : i32 to index
        %get3A_593 = arith.index_cast %add3A_590 : i32 to index
        %get3A_594 = arith.constant 48 : index
        %get3A_595 = tpu.vector_load %arg7[%get3A_592, %get3A_593, %get3A_594] {strides = array<i32>} : memref<4x256x64xf32, #tpu.memory_space<vmem>>, vector<1x1x16xf32>,
        %get3A_596 = vector.shape_cast %get3A_595 : vector<1x1x16xf32> to vector<16xf32>
        %add3A_597 = arith.addf %add3A_525, %get3A_596 : vector<16xf32>
        scf.yield %add3A_534, %add3A_543, %add3A_552, %add3A_561, %add3A_570, %add3A_579, %add3A_588, %add3A_597 : vector<16xf32>, vector<16xf32>, vector<16xf32>, vector<16xf32>, vector<16xf32>, vector<16xf32>, vector<16xf32>, vector<16xf32>
      }
      %scan3A_208 = arith.constant 32 : i32
      %add3A_209 = arith.constant 4 : i32
      %add3A_210 = arith.addi %add3A_190, %add3A_209 : i32
      %lt3A = arith.constant 100 : i32
      %lt3A_211 = arith.cmpi slt, %add3A_210, %lt3A : i32
      %convert_element_type3A = arith.extui %lt3A_211 : i1 to i32
      %cond3A = arith.constant 0 : i32
      %cond3A_212 = arith.cmpi ne, %convert_element_type3A, %cond3A : i32
      scf.if %cond3A_212 {
        %mul3A_300 = arith.constant 256 : i32
        %mul3A_301 = arith.muli %add3A_210, %mul3A_300 : i32
        %dma_start3A_302 = arith.constant 0 : i32
        %dma_start3A_303 = arith.constant 0 : i32
        %dma_start3A_304 = arith.constant 0 : i32
        %dma_start3A_305 = arith.constant 0 : i32
        %dma_start3A_306 = tpu.memref_slice %arg7[%dma_start3A_303, %dma_start3A_304, %dma_start3A_305] : memref<4x256x64xf32, #tpu.memory_space<vmem>> -> memref<1x256x64xf32, #tpu.memory_space<vmem>>
        %dma_start3A_307 = tpu.memref_squeeze %dma_start3A_306 : memref<1x256x64xf32, #tpu.memory_space<vmem>> -> memref<256x64xf32, #tpu.memory_space<vmem>>
        %dma_start3A_308 = tpu.memref_slice %arg6[%dma_start3A_302, %mul3A_301] : memref<2x25600xi32, #tpu.memory_space<vmem>> -> memref<1x256xi32, #tpu.memory_space<vmem>>
        %dma_start3A_309 = tpu.memref_squeeze %dma_start3A_308 : memref<1x256xi32, #tpu.memory_space<vmem>> -> memref<256xi32, #tpu.memory_space<vmem>>
        %dma_start3A_310 = arith.constant 0 : i32
        %dma_start3A_311 = arith.constant 0 : i32
        %dma_start3A_312 = tpu.memref_slice %arg2[%dma_start3A_310, %dma_start3A_311] : memref<1000000x64xf32, #tpu.memory_space<hbm>> -> memref<1000000x64xf32, #tpu.memory_space<hbm>>
        tpu.enqueue_indirect_dma source(%dma_start3A_312 : memref<1000000x64xf32, #tpu.memory_space<hbm>>) target(%dma_start3A_307 : memref<256x64xf32, #tpu.memory_space<vmem>>) offsets(%dma_start3A_309 : memref<256xi32, #tpu.memory_space<vmem>>) semaphore(%arg10 : memref<!tpu.dma_semaphore, #tpu.memory_space<semaphore_mem>>)
      } else {
      }
      %mul3A_213 = arith.constant 4 : i32
      %mul3A_214 = arith.muli %scan3A_178, %mul3A_213 : i32
      %add3A_215 = arith.constant 1 : i32
      %add3A_216 = arith.addi %mul3A_214, %add3A_215 : i32
      %dma_wait3A_217 = arith.constant 0 : i32
      %dma_wait3A_218 = arith.constant 1 : i32
      %dma_wait3A_219 = arith.constant 0 : i32
      %dma_wait3A_220 = arith.constant 0 : i32
      %dma_wait3A_221 = tpu.memref_slice %arg7[%dma_wait3A_218, %dma_wait3A_219, %dma_wait3A_220] : memref<4x256x64xf32, #tpu.memory_space<vmem>> -> memref<1x256x64xf32, #tpu.memory_space<vmem>>
      %dma_wait3A_222 = tpu.memref_squeeze %dma_wait3A_221 : memref<1x256x64xf32, #tpu.memory_space<vmem>> -> memref<256x64xf32, #tpu.memory_space<vmem>>
      %dma_wait3A_223 = arith.constant 0 : i32
      %dma_wait3A_224 = tpu.memref_slice %arg6[%dma_wait3A_217, %dma_wait3A_223] : memref<2x25600xi32, #tpu.memory_space<vmem>> -> memref<1x256xi32, #tpu.memory_space<vmem>>
      %dma_wait3A_225 = tpu.memref_squeeze %dma_wait3A_224 : memref<1x256xi32, #tpu.memory_space<vmem>> -> memref<256xi32, #tpu.memory_space<vmem>>
      %dma_wait3A_226 = arith.constant 0 : i32
      %dma_wait3A_227 = arith.constant 0 : i32
      %dma_wait3A_228 = tpu.memref_slice %arg2[%dma_wait3A_226, %dma_wait3A_227] : memref<1000000x64xf32, #tpu.memory_space<hbm>> -> memref<1000000x64xf32, #tpu.memory_space<hbm>>
      tpu.wait_indirect_dma semaphore(%arg11 : memref<!tpu.dma_semaphore, #tpu.memory_space<semaphore_mem>>) src(%dma_wait3A_228 : memref<1000000x64xf32, #tpu.memory_space<hbm>>) dst(%dma_wait3A_222 : memref<256x64xf32, #tpu.memory_space<vmem>>)
      %scan3A_229 = arith.constant 0 : i32
      %scan3A_230 = arith.constant 32 : i32
      %scan3A_231 = arith.addi %scan3A_229, %scan3A_230 : i32
      %scan3A_232 = arith.constant 1 : i32
      %scan3A_233:8 = scf.for %scan3A_300 = %scan3A_229 to %scan3A_231 step %scan3A_232 iter_args(%scan3A_301 = %scan3A_207#0, %scan3A_302 = %scan3A_207#1, %scan3A_303 = %scan3A_207#2, %scan3A_304 = %scan3A_207#3, %scan3A_305 = %scan3A_207#4, %scan3A_306 = %scan3A_207#5, %scan3A_307 = %scan3A_207#6, %scan3A_308 = %scan3A_207#7) -> (vector<16xf32>, vector<16xf32>, vector<16xf32>, vector<16xf32>, vector<16xf32>, vector<16xf32>, vector<16xf32>, vector<16xf32>)  : i32 {
        %mul3A_309 = arith.constant 8 : i32
        %mul3A_310 = arith.muli %scan3A_300, %mul3A_309 : i32
        %add3A_311 = arith.constant 0 : i32
        %add3A_312 = arith.addi %mul3A_310, %add3A_311 : i32
        %get3A = arith.constant 1 : i32
        %get3A_313 = arith.index_cast %get3A : i32 to index
        %get3A_314 = arith.index_cast %add3A_312 : i32 to index
        %get3A_315 = arith.constant 0 : index
        %get3A_316 = tpu.vector_load %arg7[%get3A_313, %get3A_314, %get3A_315] {strides = array<i32>} : memref<4x256x64xf32, #tpu.memory_space<vmem>>, vector<1x1x16xf32>,
        %get3A_317 = vector.shape_cast %get3A_316 : vector<1x1x16xf32> to vector<16xf32>
        %add3A_318 = arith.addf %scan3A_301, %get3A_317 : vector<16xf32>
        %add3A_319 = arith.constant 0 : i32
        %add3A_320 = arith.addi %mul3A_310, %add3A_319 : i32
        %get3A_321 = arith.constant 1 : i32
        %get3A_322 = arith.index_cast %get3A_321 : i32 to index
        %get3A_323 = arith.index_cast %add3A_320 : i32 to index
        %get3A_324 = arith.constant 16 : index
        %get3A_325 = tpu.vector_load %arg7[%get3A_322, %get3A_323, %get3A_324] {strides = array<i32>} : memref<4x256x64xf32, #tpu.memory_space<vmem>>, vector<1x1x16xf32>,
        %get3A_326 = vector.shape_cast %get3A_325 : vector<1x1x16xf32> to vector<16xf32>
        %add3A_327 = arith.addf %scan3A_302, %get3A_326 : vector<16xf32>
        %add3A_328 = arith.constant 0 : i32
        %add3A_329 = arith.addi %mul3A_310, %add3A_328 : i32
        %get3A_330 = arith.constant 1 : i32
        %get3A_331 = arith.index_cast %get3A_330 : i32 to index
        %get3A_332 = arith.index_cast %add3A_329 : i32 to index
        %get3A_333 = arith.constant 32 : index
        %get3A_334 = tpu.vector_load %arg7[%get3A_331, %get3A_332, %get3A_333] {strides = array<i32>} : memref<4x256x64xf32, #tpu.memory_space<vmem>>, vector<1x1x16xf32>,
        %get3A_335 = vector.shape_cast %get3A_334 : vector<1x1x16xf32> to vector<16xf32>
        %add3A_336 = arith.addf %scan3A_303, %get3A_335 : vector<16xf32>
        %add3A_337 = arith.constant 0 : i32
        %add3A_338 = arith.addi %mul3A_310, %add3A_337 : i32
        %get3A_339 = arith.constant 1 : i32
        %get3A_340 = arith.index_cast %get3A_339 : i32 to index
        %get3A_341 = arith.index_cast %add3A_338 : i32 to index
        %get3A_342 = arith.constant 48 : index
        %get3A_343 = tpu.vector_load %arg7[%get3A_340, %get3A_341, %get3A_342] {strides = array<i32>} : memref<4x256x64xf32, #tpu.memory_space<vmem>>, vector<1x1x16xf32>,
        %get3A_344 = vector.shape_cast %get3A_343 : vector<1x1x16xf32> to vector<16xf32>
        %add3A_345 = arith.addf %scan3A_304, %get3A_344 : vector<16xf32>
        %add3A_346 = arith.constant 1 : i32
        %add3A_347 = arith.addi %mul3A_310, %add3A_346 : i32
        %get3A_348 = arith.constant 1 : i32
        %get3A_349 = arith.index_cast %get3A_348 : i32 to index
        %get3A_350 = arith.index_cast %add3A_347 : i32 to index
        %get3A_351 = arith.constant 0 : index
        %get3A_352 = tpu.vector_load %arg7[%get3A_349, %get3A_350, %get3A_351] {strides = array<i32>} : memref<4x256x64xf32, #tpu.memory_space<vmem>>, vector<1x1x16xf32>,
        %get3A_353 = vector.shape_cast %get3A_352 : vector<1x1x16xf32> to vector<16xf32>
        %add3A_354 = arith.addf %scan3A_305, %get3A_353 : vector<16xf32>
        %add3A_355 = arith.constant 1 : i32
        %add3A_356 = arith.addi %mul3A_310, %add3A_355 : i32
        %get3A_357 = arith.constant 1 : i32
        %get3A_358 = arith.index_cast %get3A_357 : i32 to index
        %get3A_359 = arith.index_cast %add3A_356 : i32 to index
        %get3A_360 = arith.constant 16 : index
        %get3A_361 = tpu.vector_load %arg7[%get3A_358, %get3A_359, %get3A_360] {strides = array<i32>} : memref<4x256x64xf32, #tpu.memory_space<vmem>>, vector<1x1x16xf32>,
        %get3A_362 = vector.shape_cast %get3A_361 : vector<1x1x16xf32> to vector<16xf32>
        %add3A_363 = arith.addf %scan3A_306, %get3A_362 : vector<16xf32>
        %add3A_364 = arith.constant 1 : i32
        %add3A_365 = arith.addi %mul3A_310, %add3A_364 : i32
        %get3A_366 = arith.constant 1 : i32
        %get3A_367 = arith.index_cast %get3A_366 : i32 to index
        %get3A_368 = arith.index_cast %add3A_365 : i32 to index
        %get3A_369 = arith.constant 32 : index
        %get3A_370 = tpu.vector_load %arg7[%get3A_367, %get3A_368, %get3A_369] {strides = array<i32>} : memref<4x256x64xf32, #tpu.memory_space<vmem>>, vector<1x1x16xf32>,
        %get3A_371 = vector.shape_cast %get3A_370 : vector<1x1x16xf32> to vector<16xf32>
        %add3A_372 = arith.addf %scan3A_307, %get3A_371 : vector<16xf32>
        %add3A_373 = arith.constant 1 : i32
        %add3A_374 = arith.addi %mul3A_310, %add3A_373 : i32
        %get3A_375 = arith.constant 1 : i32
        %get3A_376 = arith.index_cast %get3A_375 : i32 to index
        %get3A_377 = arith.index_cast %add3A_374 : i32 to index
        %get3A_378 = arith.constant 48 : index
        %get3A_379 = tpu.vector_load %arg7[%get3A_376, %get3A_377, %get3A_378] {strides = array<i32>} : memref<4x256x64xf32, #tpu.memory_space<vmem>>, vector<1x1x16xf32>,
        %get3A_380 = vector.shape_cast %get3A_379 : vector<1x1x16xf32> to vector<16xf32>
        %add3A_381 = arith.addf %scan3A_308, %get3A_380 : vector<16xf32>
        %add3A_382 = arith.constant 2 : i32
        %add3A_383 = arith.addi %mul3A_310, %add3A_382 : i32
        %get3A_384 = arith.constant 1 : i32
        %get3A_385 = arith.index_cast %get3A_384 : i32 to index
        %get3A_386 = arith.index_cast %add3A_383 : i32 to index
        %get3A_387 = arith.constant 0 : index
        %get3A_388 = tpu.vector_load %arg7[%get3A_385, %get3A_386, %get3A_387] {strides = array<i32>} : memref<4x256x64xf32, #tpu.memory_space<vmem>>, vector<1x1x16xf32>,
        %get3A_389 = vector.shape_cast %get3A_388 : vector<1x1x16xf32> to vector<16xf32>
        %add3A_390 = arith.addf %add3A_318, %get3A_389 : vector<16xf32>
        %add3A_391 = arith.constant 2 : i32
        %add3A_392 = arith.addi %mul3A_310, %add3A_391 : i32
        %get3A_393 = arith.constant 1 : i32
        %get3A_394 = arith.index_cast %get3A_393 : i32 to index
        %get3A_395 = arith.index_cast %add3A_392 : i32 to index
        %get3A_396 = arith.constant 16 : index
        %get3A_397 = tpu.vector_load %arg7[%get3A_394, %get3A_395, %get3A_396] {strides = array<i32>} : memref<4x256x64xf32, #tpu.memory_space<vmem>>, vector<1x1x16xf32>,
        %get3A_398 = vector.shape_cast %get3A_397 : vector<1x1x16xf32> to vector<16xf32>
        %add3A_399 = arith.addf %add3A_327, %get3A_398 : vector<16xf32>
        %add3A_400 = arith.constant 2 : i32
        %add3A_401 = arith.addi %mul3A_310, %add3A_400 : i32
        %get3A_402 = arith.constant 1 : i32
        %get3A_403 = arith.index_cast %get3A_402 : i32 to index
        %get3A_404 = arith.index_cast %add3A_401 : i32 to index
        %get3A_405 = arith.constant 32 : index
        %get3A_406 = tpu.vector_load %arg7[%get3A_403, %get3A_404, %get3A_405] {strides = array<i32>} : memref<4x256x64xf32, #tpu.memory_space<vmem>>, vector<1x1x16xf32>,
        %get3A_407 = vector.shape_cast %get3A_406 : vector<1x1x16xf32> to vector<16xf32>
        %add3A_408 = arith.addf %add3A_336, %get3A_407 : vector<16xf32>
        %add3A_409 = arith.constant 2 : i32
        %add3A_410 = arith.addi %mul3A_310, %add3A_409 : i32
        %get3A_411 = arith.constant 1 : i32
        %get3A_412 = arith.index_cast %get3A_411 : i32 to index
        %get3A_413 = arith.index_cast %add3A_410 : i32 to index
        %get3A_414 = arith.constant 48 : index
        %get3A_415 = tpu.vector_load %arg7[%get3A_412, %get3A_413, %get3A_414] {strides = array<i32>} : memref<4x256x64xf32, #tpu.memory_space<vmem>>, vector<1x1x16xf32>,
        %get3A_416 = vector.shape_cast %get3A_415 : vector<1x1x16xf32> to vector<16xf32>
        %add3A_417 = arith.addf %add3A_345, %get3A_416 : vector<16xf32>
        %add3A_418 = arith.constant 3 : i32
        %add3A_419 = arith.addi %mul3A_310, %add3A_418 : i32
        %get3A_420 = arith.constant 1 : i32
        %get3A_421 = arith.index_cast %get3A_420 : i32 to index
        %get3A_422 = arith.index_cast %add3A_419 : i32 to index
        %get3A_423 = arith.constant 0 : index
        %get3A_424 = tpu.vector_load %arg7[%get3A_421, %get3A_422, %get3A_423] {strides = array<i32>} : memref<4x256x64xf32, #tpu.memory_space<vmem>>, vector<1x1x16xf32>,
        %get3A_425 = vector.shape_cast %get3A_424 : vector<1x1x16xf32> to vector<16xf32>
        %add3A_426 = arith.addf %add3A_354, %get3A_425 : vector<16xf32>
        %add3A_427 = arith.constant 3 : i32
        %add3A_428 = arith.addi %mul3A_310, %add3A_427 : i32
        %get3A_429 = arith.constant 1 : i32
        %get3A_430 = arith.index_cast %get3A_429 : i32 to index
        %get3A_431 = arith.index_cast %add3A_428 : i32 to index
        %get3A_432 = arith.constant 16 : index
        %get3A_433 = tpu.vector_load %arg7[%get3A_430, %get3A_431, %get3A_432] {strides = array<i32>} : memref<4x256x64xf32, #tpu.memory_space<vmem>>, vector<1x1x16xf32>,
        %get3A_434 = vector.shape_cast %get3A_433 : vector<1x1x16xf32> to vector<16xf32>
        %add3A_435 = arith.addf %add3A_363, %get3A_434 : vector<16xf32>
        %add3A_436 = arith.constant 3 : i32
        %add3A_437 = arith.addi %mul3A_310, %add3A_436 : i32
        %get3A_438 = arith.constant 1 : i32
        %get3A_439 = arith.index_cast %get3A_438 : i32 to index
        %get3A_440 = arith.index_cast %add3A_437 : i32 to index
        %get3A_441 = arith.constant 32 : index
        %get3A_442 = tpu.vector_load %arg7[%get3A_439, %get3A_440, %get3A_441] {strides = array<i32>} : memref<4x256x64xf32, #tpu.memory_space<vmem>>, vector<1x1x16xf32>,
        %get3A_443 = vector.shape_cast %get3A_442 : vector<1x1x16xf32> to vector<16xf32>
        %add3A_444 = arith.addf %add3A_372, %get3A_443 : vector<16xf32>
        %add3A_445 = arith.constant 3 : i32
        %add3A_446 = arith.addi %mul3A_310, %add3A_445 : i32
        %get3A_447 = arith.constant 1 : i32
        %get3A_448 = arith.index_cast %get3A_447 : i32 to index
        %get3A_449 = arith.index_cast %add3A_446 : i32 to index
        %get3A_450 = arith.constant 48 : index
        %get3A_451 = tpu.vector_load %arg7[%get3A_448, %get3A_449, %get3A_450] {strides = array<i32>} : memref<4x256x64xf32, #tpu.memory_space<vmem>>, vector<1x1x16xf32>,
        %get3A_452 = vector.shape_cast %get3A_451 : vector<1x1x16xf32> to vector<16xf32>
        %add3A_453 = arith.addf %add3A_381, %get3A_452 : vector<16xf32>
        %add3A_454 = arith.constant 4 : i32
        %add3A_455 = arith.addi %mul3A_310, %add3A_454 : i32
        %get3A_456 = arith.constant 1 : i32
        %get3A_457 = arith.index_cast %get3A_456 : i32 to index
        %get3A_458 = arith.index_cast %add3A_455 : i32 to index
        %get3A_459 = arith.constant 0 : index
        %get3A_460 = tpu.vector_load %arg7[%get3A_457, %get3A_458, %get3A_459] {strides = array<i32>} : memref<4x256x64xf32, #tpu.memory_space<vmem>>, vector<1x1x16xf32>,
        %get3A_461 = vector.shape_cast %get3A_460 : vector<1x1x16xf32> to vector<16xf32>
        %add3A_462 = arith.addf %add3A_390, %get3A_461 : vector<16xf32>
        %add3A_463 = arith.constant 4 : i32
        %add3A_464 = arith.addi %mul3A_310, %add3A_463 : i32
        %get3A_465 = arith.constant 1 : i32
        %get3A_466 = arith.index_cast %get3A_465 : i32 to index
        %get3A_467 = arith.index_cast %add3A_464 : i32 to index
        %get3A_468 = arith.constant 16 : index
        %get3A_469 = tpu.vector_load %arg7[%get3A_466, %get3A_467, %get3A_468] {strides = array<i32>} : memref<4x256x64xf32, #tpu.memory_space<vmem>>, vector<1x1x16xf32>,
        %get3A_470 = vector.shape_cast %get3A_469 : vector<1x1x16xf32> to vector<16xf32>
        %add3A_471 = arith.addf %add3A_399, %get3A_470 : vector<16xf32>
        %add3A_472 = arith.constant 4 : i32
        %add3A_473 = arith.addi %mul3A_310, %add3A_472 : i32
        %get3A_474 = arith.constant 1 : i32
        %get3A_475 = arith.index_cast %get3A_474 : i32 to index
        %get3A_476 = arith.index_cast %add3A_473 : i32 to index
        %get3A_477 = arith.constant 32 : index
        %get3A_478 = tpu.vector_load %arg7[%get3A_475, %get3A_476, %get3A_477] {strides = array<i32>} : memref<4x256x64xf32, #tpu.memory_space<vmem>>, vector<1x1x16xf32>,
        %get3A_479 = vector.shape_cast %get3A_478 : vector<1x1x16xf32> to vector<16xf32>
        %add3A_480 = arith.addf %add3A_408, %get3A_479 : vector<16xf32>
        %add3A_481 = arith.constant 4 : i32
        %add3A_482 = arith.addi %mul3A_310, %add3A_481 : i32
        %get3A_483 = arith.constant 1 : i32
        %get3A_484 = arith.index_cast %get3A_483 : i32 to index
        %get3A_485 = arith.index_cast %add3A_482 : i32 to index
        %get3A_486 = arith.constant 48 : index
        %get3A_487 = tpu.vector_load %arg7[%get3A_484, %get3A_485, %get3A_486] {strides = array<i32>} : memref<4x256x64xf32, #tpu.memory_space<vmem>>, vector<1x1x16xf32>,
        %get3A_488 = vector.shape_cast %get3A_487 : vector<1x1x16xf32> to vector<16xf32>
        %add3A_489 = arith.addf %add3A_417, %get3A_488 : vector<16xf32>
        %add3A_490 = arith.constant 5 : i32
        %add3A_491 = arith.addi %mul3A_310, %add3A_490 : i32
        %get3A_492 = arith.constant 1 : i32
        %get3A_493 = arith.index_cast %get3A_492 : i32 to index
        %get3A_494 = arith.index_cast %add3A_491 : i32 to index
        %get3A_495 = arith.constant 0 : index
        %get3A_496 = tpu.vector_load %arg7[%get3A_493, %get3A_494, %get3A_495] {strides = array<i32>} : memref<4x256x64xf32, #tpu.memory_space<vmem>>, vector<1x1x16xf32>,
        %get3A_497 = vector.shape_cast %get3A_496 : vector<1x1x16xf32> to vector<16xf32>
        %add3A_498 = arith.addf %add3A_426, %get3A_497 : vector<16xf32>
        %add3A_499 = arith.constant 5 : i32
        %add3A_500 = arith.addi %mul3A_310, %add3A_499 : i32
        %get3A_501 = arith.constant 1 : i32
        %get3A_502 = arith.index_cast %get3A_501 : i32 to index
        %get3A_503 = arith.index_cast %add3A_500 : i32 to index
        %get3A_504 = arith.constant 16 : index
        %get3A_505 = tpu.vector_load %arg7[%get3A_502, %get3A_503, %get3A_504] {strides = array<i32>} : memref<4x256x64xf32, #tpu.memory_space<vmem>>, vector<1x1x16xf32>,
        %get3A_506 = vector.shape_cast %get3A_505 : vector<1x1x16xf32> to vector<16xf32>
        %add3A_507 = arith.addf %add3A_435, %get3A_506 : vector<16xf32>
        %add3A_508 = arith.constant 5 : i32
        %add3A_509 = arith.addi %mul3A_310, %add3A_508 : i32
        %get3A_510 = arith.constant 1 : i32
        %get3A_511 = arith.index_cast %get3A_510 : i32 to index
        %get3A_512 = arith.index_cast %add3A_509 : i32 to index
        %get3A_513 = arith.constant 32 : index
        %get3A_514 = tpu.vector_load %arg7[%get3A_511, %get3A_512, %get3A_513] {strides = array<i32>} : memref<4x256x64xf32, #tpu.memory_space<vmem>>, vector<1x1x16xf32>,
        %get3A_515 = vector.shape_cast %get3A_514 : vector<1x1x16xf32> to vector<16xf32>
        %add3A_516 = arith.addf %add3A_444, %get3A_515 : vector<16xf32>
        %add3A_517 = arith.constant 5 : i32
        %add3A_518 = arith.addi %mul3A_310, %add3A_517 : i32
        %get3A_519 = arith.constant 1 : i32
        %get3A_520 = arith.index_cast %get3A_519 : i32 to index
        %get3A_521 = arith.index_cast %add3A_518 : i32 to index
        %get3A_522 = arith.constant 48 : index
        %get3A_523 = tpu.vector_load %arg7[%get3A_520, %get3A_521, %get3A_522] {strides = array<i32>} : memref<4x256x64xf32, #tpu.memory_space<vmem>>, vector<1x1x16xf32>,
        %get3A_524 = vector.shape_cast %get3A_523 : vector<1x1x16xf32> to vector<16xf32>
        %add3A_525 = arith.addf %add3A_453, %get3A_524 : vector<16xf32>
        %add3A_526 = arith.constant 6 : i32
        %add3A_527 = arith.addi %mul3A_310, %add3A_526 : i32
        %get3A_528 = arith.constant 1 : i32
        %get3A_529 = arith.index_cast %get3A_528 : i32 to index
        %get3A_530 = arith.index_cast %add3A_527 : i32 to index
        %get3A_531 = arith.constant 0 : index
        %get3A_532 = tpu.vector_load %arg7[%get3A_529, %get3A_530, %get3A_531] {strides = array<i32>} : memref<4x256x64xf32, #tpu.memory_space<vmem>>, vector<1x1x16xf32>,
        %get3A_533 = vector.shape_cast %get3A_532 : vector<1x1x16xf32> to vector<16xf32>
        %add3A_534 = arith.addf %add3A_462, %get3A_533 : vector<16xf32>
        %add3A_535 = arith.constant 6 : i32
        %add3A_536 = arith.addi %mul3A_310, %add3A_535 : i32
        %get3A_537 = arith.constant 1 : i32
        %get3A_538 = arith.index_cast %get3A_537 : i32 to index
        %get3A_539 = arith.index_cast %add3A_536 : i32 to index
        %get3A_540 = arith.constant 16 : index
        %get3A_541 = tpu.vector_load %arg7[%get3A_538, %get3A_539, %get3A_540] {strides = array<i32>} : memref<4x256x64xf32, #tpu.memory_space<vmem>>, vector<1x1x16xf32>,
        %get3A_542 = vector.shape_cast %get3A_541 : vector<1x1x16xf32> to vector<16xf32>
        %add3A_543 = arith.addf %add3A_471, %get3A_542 : vector<16xf32>
        %add3A_544 = arith.constant 6 : i32
        %add3A_545 = arith.addi %mul3A_310, %add3A_544 : i32
        %get3A_546 = arith.constant 1 : i32
        %get3A_547 = arith.index_cast %get3A_546 : i32 to index
        %get3A_548 = arith.index_cast %add3A_545 : i32 to index
        %get3A_549 = arith.constant 32 : index
        %get3A_550 = tpu.vector_load %arg7[%get3A_547, %get3A_548, %get3A_549] {strides = array<i32>} : memref<4x256x64xf32, #tpu.memory_space<vmem>>, vector<1x1x16xf32>,
        %get3A_551 = vector.shape_cast %get3A_550 : vector<1x1x16xf32> to vector<16xf32>
        %add3A_552 = arith.addf %add3A_480, %get3A_551 : vector<16xf32>
        %add3A_553 = arith.constant 6 : i32
        %add3A_554 = arith.addi %mul3A_310, %add3A_553 : i32
        %get3A_555 = arith.constant 1 : i32
        %get3A_556 = arith.index_cast %get3A_555 : i32 to index
        %get3A_557 = arith.index_cast %add3A_554 : i32 to index
        %get3A_558 = arith.constant 48 : index
        %get3A_559 = tpu.vector_load %arg7[%get3A_556, %get3A_557, %get3A_558] {strides = array<i32>} : memref<4x256x64xf32, #tpu.memory_space<vmem>>, vector<1x1x16xf32>,
        %get3A_560 = vector.shape_cast %get3A_559 : vector<1x1x16xf32> to vector<16xf32>
        %add3A_561 = arith.addf %add3A_489, %get3A_560 : vector<16xf32>
        %add3A_562 = arith.constant 7 : i32
        %add3A_563 = arith.addi %mul3A_310, %add3A_562 : i32
        %get3A_564 = arith.constant 1 : i32
        %get3A_565 = arith.index_cast %get3A_564 : i32 to index
        %get3A_566 = arith.index_cast %add3A_563 : i32 to index
        %get3A_567 = arith.constant 0 : index
        %get3A_568 = tpu.vector_load %arg7[%get3A_565, %get3A_566, %get3A_567] {strides = array<i32>} : memref<4x256x64xf32, #tpu.memory_space<vmem>>, vector<1x1x16xf32>,
        %get3A_569 = vector.shape_cast %get3A_568 : vector<1x1x16xf32> to vector<16xf32>
        %add3A_570 = arith.addf %add3A_498, %get3A_569 : vector<16xf32>
        %add3A_571 = arith.constant 7 : i32
        %add3A_572 = arith.addi %mul3A_310, %add3A_571 : i32
        %get3A_573 = arith.constant 1 : i32
        %get3A_574 = arith.index_cast %get3A_573 : i32 to index
        %get3A_575 = arith.index_cast %add3A_572 : i32 to index
        %get3A_576 = arith.constant 16 : index
        %get3A_577 = tpu.vector_load %arg7[%get3A_574, %get3A_575, %get3A_576] {strides = array<i32>} : memref<4x256x64xf32, #tpu.memory_space<vmem>>, vector<1x1x16xf32>,
        %get3A_578 = vector.shape_cast %get3A_577 : vector<1x1x16xf32> to vector<16xf32>
        %add3A_579 = arith.addf %add3A_507, %get3A_578 : vector<16xf32>
        %add3A_580 = arith.constant 7 : i32
        %add3A_581 = arith.addi %mul3A_310, %add3A_580 : i32
        %get3A_582 = arith.constant 1 : i32
        %get3A_583 = arith.index_cast %get3A_582 : i32 to index
        %get3A_584 = arith.index_cast %add3A_581 : i32 to index
        %get3A_585 = arith.constant 32 : index
        %get3A_586 = tpu.vector_load %arg7[%get3A_583, %get3A_584, %get3A_585] {strides = array<i32>} : memref<4x256x64xf32, #tpu.memory_space<vmem>>, vector<1x1x16xf32>,
        %get3A_587 = vector.shape_cast %get3A_586 : vector<1x1x16xf32> to vector<16xf32>
        %add3A_588 = arith.addf %add3A_516, %get3A_587 : vector<16xf32>
        %add3A_589 = arith.constant 7 : i32
        %add3A_590 = arith.addi %mul3A_310, %add3A_589 : i32
        %get3A_591 = arith.constant 1 : i32
        %get3A_592 = arith.index_cast %get3A_591 : i32 to index
        %get3A_593 = arith.index_cast %add3A_590 : i32 to index
        %get3A_594 = arith.constant 48 : index
        %get3A_595 = tpu.vector_load %arg7[%get3A_592, %get3A_593, %get3A_594] {strides = array<i32>} : memref<4x256x64xf32, #tpu.memory_space<vmem>>, vector<1x1x16xf32>,
        %get3A_596 = vector.shape_cast %get3A_595 : vector<1x1x16xf32> to vector<16xf32>
        %add3A_597 = arith.addf %add3A_525, %get3A_596 : vector<16xf32>
        scf.yield %add3A_534, %add3A_543, %add3A_552, %add3A_561, %add3A_570, %add3A_579, %add3A_588, %add3A_597 : vector<16xf32>, vector<16xf32>, vector<16xf32>, vector<16xf32>, vector<16xf32>, vector<16xf32>, vector<16xf32>, vector<16xf32>
      }
      %scan3A_234 = arith.constant 32 : i32
      %add3A_235 = arith.constant 4 : i32
      %add3A_236 = arith.addi %add3A_216, %add3A_235 : i32
      %lt3A_237 = arith.constant 100 : i32
      %lt3A_238 = arith.cmpi slt, %add3A_236, %lt3A_237 : i32
      %convert_element_type3A_239 = arith.extui %lt3A_238 : i1 to i32
      %cond3A_240 = arith.constant 0 : i32
      %cond3A_241 = arith.cmpi ne, %convert_element_type3A_239, %cond3A_240 : i32
      scf.if %cond3A_241 {
        %mul3A_300 = arith.constant 256 : i32
        %mul3A_301 = arith.muli %add3A_236, %mul3A_300 : i32
        %dma_start3A_302 = arith.constant 0 : i32
        %dma_start3A_303 = arith.constant 1 : i32
        %dma_start3A_304 = arith.constant 0 : i32
        %dma_start3A_305 = arith.constant 0 : i32
        %dma_start3A_306 = tpu.memref_slice %arg7[%dma_start3A_303, %dma_start3A_304, %dma_start3A_305] : memref<4x256x64xf32, #tpu.memory_space<vmem>> -> memref<1x256x64xf32, #tpu.memory_space<vmem>>
        %dma_start3A_307 = tpu.memref_squeeze %dma_start3A_306 : memref<1x256x64xf32, #tpu.memory_space<vmem>> -> memref<256x64xf32, #tpu.memory_space<vmem>>
        %dma_start3A_308 = tpu.memref_slice %arg6[%dma_start3A_302, %mul3A_301] : memref<2x25600xi32, #tpu.memory_space<vmem>> -> memref<1x256xi32, #tpu.memory_space<vmem>>
        %dma_start3A_309 = tpu.memref_squeeze %dma_start3A_308 : memref<1x256xi32, #tpu.memory_space<vmem>> -> memref<256xi32, #tpu.memory_space<vmem>>
        %dma_start3A_310 = arith.constant 0 : i32
        %dma_start3A_311 = arith.constant 0 : i32
        %dma_start3A_312 = tpu.memref_slice %arg2[%dma_start3A_310, %dma_start3A_311] : memref<1000000x64xf32, #tpu.memory_space<hbm>> -> memref<1000000x64xf32, #tpu.memory_space<hbm>>
        tpu.enqueue_indirect_dma source(%dma_start3A_312 : memref<1000000x64xf32, #tpu.memory_space<hbm>>) target(%dma_start3A_307 : memref<256x64xf32, #tpu.memory_space<vmem>>) offsets(%dma_start3A_309 : memref<256xi32, #tpu.memory_space<vmem>>) semaphore(%arg11 : memref<!tpu.dma_semaphore, #tpu.memory_space<semaphore_mem>>)
      } else {
      }
      %mul3A_242 = arith.constant 4 : i32
      %mul3A_243 = arith.muli %scan3A_178, %mul3A_242 : i32
      %add3A_244 = arith.constant 2 : i32
      %add3A_245 = arith.addi %mul3A_243, %add3A_244 : i32
      %dma_wait3A_246 = arith.constant 0 : i32
      %dma_wait3A_247 = arith.constant 2 : i32
      %dma_wait3A_248 = arith.constant 0 : i32
      %dma_wait3A_249 = arith.constant 0 : i32
      %dma_wait3A_250 = tpu.memref_slice %arg7[%dma_wait3A_247, %dma_wait3A_248, %dma_wait3A_249] : memref<4x256x64xf32, #tpu.memory_space<vmem>> -> memref<1x256x64xf32, #tpu.memory_space<vmem>>
      %dma_wait3A_251 = tpu.memref_squeeze %dma_wait3A_250 : memref<1x256x64xf32, #tpu.memory_space<vmem>> -> memref<256x64xf32, #tpu.memory_space<vmem>>
      %dma_wait3A_252 = arith.constant 0 : i32
      %dma_wait3A_253 = tpu.memref_slice %arg6[%dma_wait3A_246, %dma_wait3A_252] : memref<2x25600xi32, #tpu.memory_space<vmem>> -> memref<1x256xi32, #tpu.memory_space<vmem>>
      %dma_wait3A_254 = tpu.memref_squeeze %dma_wait3A_253 : memref<1x256xi32, #tpu.memory_space<vmem>> -> memref<256xi32, #tpu.memory_space<vmem>>
      %dma_wait3A_255 = arith.constant 0 : i32
      %dma_wait3A_256 = arith.constant 0 : i32
      %dma_wait3A_257 = tpu.memref_slice %arg2[%dma_wait3A_255, %dma_wait3A_256] : memref<1000000x64xf32, #tpu.memory_space<hbm>> -> memref<1000000x64xf32, #tpu.memory_space<hbm>>
      tpu.wait_indirect_dma semaphore(%arg12 : memref<!tpu.dma_semaphore, #tpu.memory_space<semaphore_mem>>) src(%dma_wait3A_257 : memref<1000000x64xf32, #tpu.memory_space<hbm>>) dst(%dma_wait3A_251 : memref<256x64xf32, #tpu.memory_space<vmem>>)
      %scan3A_258 = arith.constant 0 : i32
      %scan3A_259 = arith.constant 32 : i32
      %scan3A_260 = arith.addi %scan3A_258, %scan3A_259 : i32
      %scan3A_261 = arith.constant 1 : i32
      %scan3A_262:8 = scf.for %scan3A_300 = %scan3A_258 to %scan3A_260 step %scan3A_261 iter_args(%scan3A_301 = %scan3A_233#0, %scan3A_302 = %scan3A_233#1, %scan3A_303 = %scan3A_233#2, %scan3A_304 = %scan3A_233#3, %scan3A_305 = %scan3A_233#4, %scan3A_306 = %scan3A_233#5, %scan3A_307 = %scan3A_233#6, %scan3A_308 = %scan3A_233#7) -> (vector<16xf32>, vector<16xf32>, vector<16xf32>, vector<16xf32>, vector<16xf32>, vector<16xf32>, vector<16xf32>, vector<16xf32>)  : i32 {
        %mul3A_309 = arith.constant 8 : i32
        %mul3A_310 = arith.muli %scan3A_300, %mul3A_309 : i32
        %add3A_311 = arith.constant 0 : i32
        %add3A_312 = arith.addi %mul3A_310, %add3A_311 : i32
        %get3A = arith.constant 2 : i32
        %get3A_313 = arith.index_cast %get3A : i32 to index
        %get3A_314 = arith.index_cast %add3A_312 : i32 to index
        %get3A_315 = arith.constant 0 : index
        %get3A_316 = tpu.vector_load %arg7[%get3A_313, %get3A_314, %get3A_315] {strides = array<i32>} : memref<4x256x64xf32, #tpu.memory_space<vmem>>, vector<1x1x16xf32>,
        %get3A_317 = vector.shape_cast %get3A_316 : vector<1x1x16xf32> to vector<16xf32>
        %add3A_318 = arith.addf %scan3A_301, %get3A_317 : vector<16xf32>
        %add3A_319 = arith.constant 0 : i32
        %add3A_320 = arith.addi %mul3A_310, %add3A_319 : i32
        %get3A_321 = arith.constant 2 : i32
        %get3A_322 = arith.index_cast %get3A_321 : i32 to index
        %get3A_323 = arith.index_cast %add3A_320 : i32 to index
        %get3A_324 = arith.constant 16 : index
        %get3A_325 = tpu.vector_load %arg7[%get3A_322, %get3A_323, %get3A_324] {strides = array<i32>} : memref<4x256x64xf32, #tpu.memory_space<vmem>>, vector<1x1x16xf32>,
        %get3A_326 = vector.shape_cast %get3A_325 : vector<1x1x16xf32> to vector<16xf32>
        %add3A_327 = arith.addf %scan3A_302, %get3A_326 : vector<16xf32>
        %add3A_328 = arith.constant 0 : i32
        %add3A_329 = arith.addi %mul3A_310, %add3A_328 : i32
        %get3A_330 = arith.constant 2 : i32
        %get3A_331 = arith.index_cast %get3A_330 : i32 to index
        %get3A_332 = arith.index_cast %add3A_329 : i32 to index
        %get3A_333 = arith.constant 32 : index
        %get3A_334 = tpu.vector_load %arg7[%get3A_331, %get3A_332, %get3A_333] {strides = array<i32>} : memref<4x256x64xf32, #tpu.memory_space<vmem>>, vector<1x1x16xf32>,
        %get3A_335 = vector.shape_cast %get3A_334 : vector<1x1x16xf32> to vector<16xf32>
        %add3A_336 = arith.addf %scan3A_303, %get3A_335 : vector<16xf32>
        %add3A_337 = arith.constant 0 : i32
        %add3A_338 = arith.addi %mul3A_310, %add3A_337 : i32
        %get3A_339 = arith.constant 2 : i32
        %get3A_340 = arith.index_cast %get3A_339 : i32 to index
        %get3A_341 = arith.index_cast %add3A_338 : i32 to index
        %get3A_342 = arith.constant 48 : index
        %get3A_343 = tpu.vector_load %arg7[%get3A_340, %get3A_341, %get3A_342] {strides = array<i32>} : memref<4x256x64xf32, #tpu.memory_space<vmem>>, vector<1x1x16xf32>,
        %get3A_344 = vector.shape_cast %get3A_343 : vector<1x1x16xf32> to vector<16xf32>
        %add3A_345 = arith.addf %scan3A_304, %get3A_344 : vector<16xf32>
        %add3A_346 = arith.constant 1 : i32
        %add3A_347 = arith.addi %mul3A_310, %add3A_346 : i32
        %get3A_348 = arith.constant 2 : i32
        %get3A_349 = arith.index_cast %get3A_348 : i32 to index
        %get3A_350 = arith.index_cast %add3A_347 : i32 to index
        %get3A_351 = arith.constant 0 : index
        %get3A_352 = tpu.vector_load %arg7[%get3A_349, %get3A_350, %get3A_351] {strides = array<i32>} : memref<4x256x64xf32, #tpu.memory_space<vmem>>, vector<1x1x16xf32>,
        %get3A_353 = vector.shape_cast %get3A_352 : vector<1x1x16xf32> to vector<16xf32>
        %add3A_354 = arith.addf %scan3A_305, %get3A_353 : vector<16xf32>
        %add3A_355 = arith.constant 1 : i32
        %add3A_356 = arith.addi %mul3A_310, %add3A_355 : i32
        %get3A_357 = arith.constant 2 : i32
        %get3A_358 = arith.index_cast %get3A_357 : i32 to index
        %get3A_359 = arith.index_cast %add3A_356 : i32 to index
        %get3A_360 = arith.constant 16 : index
        %get3A_361 = tpu.vector_load %arg7[%get3A_358, %get3A_359, %get3A_360] {strides = array<i32>} : memref<4x256x64xf32, #tpu.memory_space<vmem>>, vector<1x1x16xf32>,
        %get3A_362 = vector.shape_cast %get3A_361 : vector<1x1x16xf32> to vector<16xf32>
        %add3A_363 = arith.addf %scan3A_306, %get3A_362 : vector<16xf32>
        %add3A_364 = arith.constant 1 : i32
        %add3A_365 = arith.addi %mul3A_310, %add3A_364 : i32
        %get3A_366 = arith.constant 2 : i32
        %get3A_367 = arith.index_cast %get3A_366 : i32 to index
        %get3A_368 = arith.index_cast %add3A_365 : i32 to index
        %get3A_369 = arith.constant 32 : index
        %get3A_370 = tpu.vector_load %arg7[%get3A_367, %get3A_368, %get3A_369] {strides = array<i32>} : memref<4x256x64xf32, #tpu.memory_space<vmem>>, vector<1x1x16xf32>,
        %get3A_371 = vector.shape_cast %get3A_370 : vector<1x1x16xf32> to vector<16xf32>
        %add3A_372 = arith.addf %scan3A_307, %get3A_371 : vector<16xf32>
        %add3A_373 = arith.constant 1 : i32
        %add3A_374 = arith.addi %mul3A_310, %add3A_373 : i32
        %get3A_375 = arith.constant 2 : i32
        %get3A_376 = arith.index_cast %get3A_375 : i32 to index
        %get3A_377 = arith.index_cast %add3A_374 : i32 to index
        %get3A_378 = arith.constant 48 : index
        %get3A_379 = tpu.vector_load %arg7[%get3A_376, %get3A_377, %get3A_378] {strides = array<i32>} : memref<4x256x64xf32, #tpu.memory_space<vmem>>, vector<1x1x16xf32>,
        %get3A_380 = vector.shape_cast %get3A_379 : vector<1x1x16xf32> to vector<16xf32>
        %add3A_381 = arith.addf %scan3A_308, %get3A_380 : vector<16xf32>
        %add3A_382 = arith.constant 2 : i32
        %add3A_383 = arith.addi %mul3A_310, %add3A_382 : i32
        %get3A_384 = arith.constant 2 : i32
        %get3A_385 = arith.index_cast %get3A_384 : i32 to index
        %get3A_386 = arith.index_cast %add3A_383 : i32 to index
        %get3A_387 = arith.constant 0 : index
        %get3A_388 = tpu.vector_load %arg7[%get3A_385, %get3A_386, %get3A_387] {strides = array<i32>} : memref<4x256x64xf32, #tpu.memory_space<vmem>>, vector<1x1x16xf32>,
        %get3A_389 = vector.shape_cast %get3A_388 : vector<1x1x16xf32> to vector<16xf32>
        %add3A_390 = arith.addf %add3A_318, %get3A_389 : vector<16xf32>
        %add3A_391 = arith.constant 2 : i32
        %add3A_392 = arith.addi %mul3A_310, %add3A_391 : i32
        %get3A_393 = arith.constant 2 : i32
        %get3A_394 = arith.index_cast %get3A_393 : i32 to index
        %get3A_395 = arith.index_cast %add3A_392 : i32 to index
        %get3A_396 = arith.constant 16 : index
        %get3A_397 = tpu.vector_load %arg7[%get3A_394, %get3A_395, %get3A_396] {strides = array<i32>} : memref<4x256x64xf32, #tpu.memory_space<vmem>>, vector<1x1x16xf32>,
        %get3A_398 = vector.shape_cast %get3A_397 : vector<1x1x16xf32> to vector<16xf32>
        %add3A_399 = arith.addf %add3A_327, %get3A_398 : vector<16xf32>
        %add3A_400 = arith.constant 2 : i32
        %add3A_401 = arith.addi %mul3A_310, %add3A_400 : i32
        %get3A_402 = arith.constant 2 : i32
        %get3A_403 = arith.index_cast %get3A_402 : i32 to index
        %get3A_404 = arith.index_cast %add3A_401 : i32 to index
        %get3A_405 = arith.constant 32 : index
        %get3A_406 = tpu.vector_load %arg7[%get3A_403, %get3A_404, %get3A_405] {strides = array<i32>} : memref<4x256x64xf32, #tpu.memory_space<vmem>>, vector<1x1x16xf32>,
        %get3A_407 = vector.shape_cast %get3A_406 : vector<1x1x16xf32> to vector<16xf32>
        %add3A_408 = arith.addf %add3A_336, %get3A_407 : vector<16xf32>
        %add3A_409 = arith.constant 2 : i32
        %add3A_410 = arith.addi %mul3A_310, %add3A_409 : i32
        %get3A_411 = arith.constant 2 : i32
        %get3A_412 = arith.index_cast %get3A_411 : i32 to index
        %get3A_413 = arith.index_cast %add3A_410 : i32 to index
        %get3A_414 = arith.constant 48 : index
        %get3A_415 = tpu.vector_load %arg7[%get3A_412, %get3A_413, %get3A_414] {strides = array<i32>} : memref<4x256x64xf32, #tpu.memory_space<vmem>>, vector<1x1x16xf32>,
        %get3A_416 = vector.shape_cast %get3A_415 : vector<1x1x16xf32> to vector<16xf32>
        %add3A_417 = arith.addf %add3A_345, %get3A_416 : vector<16xf32>
        %add3A_418 = arith.constant 3 : i32
        %add3A_419 = arith.addi %mul3A_310, %add3A_418 : i32
        %get3A_420 = arith.constant 2 : i32
        %get3A_421 = arith.index_cast %get3A_420 : i32 to index
        %get3A_422 = arith.index_cast %add3A_419 : i32 to index
        %get3A_423 = arith.constant 0 : index
        %get3A_424 = tpu.vector_load %arg7[%get3A_421, %get3A_422, %get3A_423] {strides = array<i32>} : memref<4x256x64xf32, #tpu.memory_space<vmem>>, vector<1x1x16xf32>,
        %get3A_425 = vector.shape_cast %get3A_424 : vector<1x1x16xf32> to vector<16xf32>
        %add3A_426 = arith.addf %add3A_354, %get3A_425 : vector<16xf32>
        %add3A_427 = arith.constant 3 : i32
        %add3A_428 = arith.addi %mul3A_310, %add3A_427 : i32
        %get3A_429 = arith.constant 2 : i32
        %get3A_430 = arith.index_cast %get3A_429 : i32 to index
        %get3A_431 = arith.index_cast %add3A_428 : i32 to index
        %get3A_432 = arith.constant 16 : index
        %get3A_433 = tpu.vector_load %arg7[%get3A_430, %get3A_431, %get3A_432] {strides = array<i32>} : memref<4x256x64xf32, #tpu.memory_space<vmem>>, vector<1x1x16xf32>,
        %get3A_434 = vector.shape_cast %get3A_433 : vector<1x1x16xf32> to vector<16xf32>
        %add3A_435 = arith.addf %add3A_363, %get3A_434 : vector<16xf32>
        %add3A_436 = arith.constant 3 : i32
        %add3A_437 = arith.addi %mul3A_310, %add3A_436 : i32
        %get3A_438 = arith.constant 2 : i32
        %get3A_439 = arith.index_cast %get3A_438 : i32 to index
        %get3A_440 = arith.index_cast %add3A_437 : i32 to index
        %get3A_441 = arith.constant 32 : index
        %get3A_442 = tpu.vector_load %arg7[%get3A_439, %get3A_440, %get3A_441] {strides = array<i32>} : memref<4x256x64xf32, #tpu.memory_space<vmem>>, vector<1x1x16xf32>,
        %get3A_443 = vector.shape_cast %get3A_442 : vector<1x1x16xf32> to vector<16xf32>
        %add3A_444 = arith.addf %add3A_372, %get3A_443 : vector<16xf32>
        %add3A_445 = arith.constant 3 : i32
        %add3A_446 = arith.addi %mul3A_310, %add3A_445 : i32
        %get3A_447 = arith.constant 2 : i32
        %get3A_448 = arith.index_cast %get3A_447 : i32 to index
        %get3A_449 = arith.index_cast %add3A_446 : i32 to index
        %get3A_450 = arith.constant 48 : index
        %get3A_451 = tpu.vector_load %arg7[%get3A_448, %get3A_449, %get3A_450] {strides = array<i32>} : memref<4x256x64xf32, #tpu.memory_space<vmem>>, vector<1x1x16xf32>,
        %get3A_452 = vector.shape_cast %get3A_451 : vector<1x1x16xf32> to vector<16xf32>
        %add3A_453 = arith.addf %add3A_381, %get3A_452 : vector<16xf32>
        %add3A_454 = arith.constant 4 : i32
        %add3A_455 = arith.addi %mul3A_310, %add3A_454 : i32
        %get3A_456 = arith.constant 2 : i32
        %get3A_457 = arith.index_cast %get3A_456 : i32 to index
        %get3A_458 = arith.index_cast %add3A_455 : i32 to index
        %get3A_459 = arith.constant 0 : index
        %get3A_460 = tpu.vector_load %arg7[%get3A_457, %get3A_458, %get3A_459] {strides = array<i32>} : memref<4x256x64xf32, #tpu.memory_space<vmem>>, vector<1x1x16xf32>,
        %get3A_461 = vector.shape_cast %get3A_460 : vector<1x1x16xf32> to vector<16xf32>
        %add3A_462 = arith.addf %add3A_390, %get3A_461 : vector<16xf32>
        %add3A_463 = arith.constant 4 : i32
        %add3A_464 = arith.addi %mul3A_310, %add3A_463 : i32
        %get3A_465 = arith.constant 2 : i32
        %get3A_466 = arith.index_cast %get3A_465 : i32 to index
        %get3A_467 = arith.index_cast %add3A_464 : i32 to index
        %get3A_468 = arith.constant 16 : index
        %get3A_469 = tpu.vector_load %arg7[%get3A_466, %get3A_467, %get3A_468] {strides = array<i32>} : memref<4x256x64xf32, #tpu.memory_space<vmem>>, vector<1x1x16xf32>,
        %get3A_470 = vector.shape_cast %get3A_469 : vector<1x1x16xf32> to vector<16xf32>
        %add3A_471 = arith.addf %add3A_399, %get3A_470 : vector<16xf32>
        %add3A_472 = arith.constant 4 : i32
        %add3A_473 = arith.addi %mul3A_310, %add3A_472 : i32
        %get3A_474 = arith.constant 2 : i32
        %get3A_475 = arith.index_cast %get3A_474 : i32 to index
        %get3A_476 = arith.index_cast %add3A_473 : i32 to index
        %get3A_477 = arith.constant 32 : index
        %get3A_478 = tpu.vector_load %arg7[%get3A_475, %get3A_476, %get3A_477] {strides = array<i32>} : memref<4x256x64xf32, #tpu.memory_space<vmem>>, vector<1x1x16xf32>,
        %get3A_479 = vector.shape_cast %get3A_478 : vector<1x1x16xf32> to vector<16xf32>
        %add3A_480 = arith.addf %add3A_408, %get3A_479 : vector<16xf32>
        %add3A_481 = arith.constant 4 : i32
        %add3A_482 = arith.addi %mul3A_310, %add3A_481 : i32
        %get3A_483 = arith.constant 2 : i32
        %get3A_484 = arith.index_cast %get3A_483 : i32 to index
        %get3A_485 = arith.index_cast %add3A_482 : i32 to index
        %get3A_486 = arith.constant 48 : index
        %get3A_487 = tpu.vector_load %arg7[%get3A_484, %get3A_485, %get3A_486] {strides = array<i32>} : memref<4x256x64xf32, #tpu.memory_space<vmem>>, vector<1x1x16xf32>,
        %get3A_488 = vector.shape_cast %get3A_487 : vector<1x1x16xf32> to vector<16xf32>
        %add3A_489 = arith.addf %add3A_417, %get3A_488 : vector<16xf32>
        %add3A_490 = arith.constant 5 : i32
        %add3A_491 = arith.addi %mul3A_310, %add3A_490 : i32
        %get3A_492 = arith.constant 2 : i32
        %get3A_493 = arith.index_cast %get3A_492 : i32 to index
        %get3A_494 = arith.index_cast %add3A_491 : i32 to index
        %get3A_495 = arith.constant 0 : index
        %get3A_496 = tpu.vector_load %arg7[%get3A_493, %get3A_494, %get3A_495] {strides = array<i32>} : memref<4x256x64xf32, #tpu.memory_space<vmem>>, vector<1x1x16xf32>,
        %get3A_497 = vector.shape_cast %get3A_496 : vector<1x1x16xf32> to vector<16xf32>
        %add3A_498 = arith.addf %add3A_426, %get3A_497 : vector<16xf32>
        %add3A_499 = arith.constant 5 : i32
        %add3A_500 = arith.addi %mul3A_310, %add3A_499 : i32
        %get3A_501 = arith.constant 2 : i32
        %get3A_502 = arith.index_cast %get3A_501 : i32 to index
        %get3A_503 = arith.index_cast %add3A_500 : i32 to index
        %get3A_504 = arith.constant 16 : index
        %get3A_505 = tpu.vector_load %arg7[%get3A_502, %get3A_503, %get3A_504] {strides = array<i32>} : memref<4x256x64xf32, #tpu.memory_space<vmem>>, vector<1x1x16xf32>,
        %get3A_506 = vector.shape_cast %get3A_505 : vector<1x1x16xf32> to vector<16xf32>
        %add3A_507 = arith.addf %add3A_435, %get3A_506 : vector<16xf32>
        %add3A_508 = arith.constant 5 : i32
        %add3A_509 = arith.addi %mul3A_310, %add3A_508 : i32
        %get3A_510 = arith.constant 2 : i32
        %get3A_511 = arith.index_cast %get3A_510 : i32 to index
        %get3A_512 = arith.index_cast %add3A_509 : i32 to index
        %get3A_513 = arith.constant 32 : index
        %get3A_514 = tpu.vector_load %arg7[%get3A_511, %get3A_512, %get3A_513] {strides = array<i32>} : memref<4x256x64xf32, #tpu.memory_space<vmem>>, vector<1x1x16xf32>,
        %get3A_515 = vector.shape_cast %get3A_514 : vector<1x1x16xf32> to vector<16xf32>
        %add3A_516 = arith.addf %add3A_444, %get3A_515 : vector<16xf32>
        %add3A_517 = arith.constant 5 : i32
        %add3A_518 = arith.addi %mul3A_310, %add3A_517 : i32
        %get3A_519 = arith.constant 2 : i32
        %get3A_520 = arith.index_cast %get3A_519 : i32 to index
        %get3A_521 = arith.index_cast %add3A_518 : i32 to index
        %get3A_522 = arith.constant 48 : index
        %get3A_523 = tpu.vector_load %arg7[%get3A_520, %get3A_521, %get3A_522] {strides = array<i32>} : memref<4x256x64xf32, #tpu.memory_space<vmem>>, vector<1x1x16xf32>,
        %get3A_524 = vector.shape_cast %get3A_523 : vector<1x1x16xf32> to vector<16xf32>
        %add3A_525 = arith.addf %add3A_453, %get3A_524 : vector<16xf32>
        %add3A_526 = arith.constant 6 : i32
        %add3A_527 = arith.addi %mul3A_310, %add3A_526 : i32
        %get3A_528 = arith.constant 2 : i32
        %get3A_529 = arith.index_cast %get3A_528 : i32 to index
        %get3A_530 = arith.index_cast %add3A_527 : i32 to index
        %get3A_531 = arith.constant 0 : index
        %get3A_532 = tpu.vector_load %arg7[%get3A_529, %get3A_530, %get3A_531] {strides = array<i32>} : memref<4x256x64xf32, #tpu.memory_space<vmem>>, vector<1x1x16xf32>,
        %get3A_533 = vector.shape_cast %get3A_532 : vector<1x1x16xf32> to vector<16xf32>
        %add3A_534 = arith.addf %add3A_462, %get3A_533 : vector<16xf32>
        %add3A_535 = arith.constant 6 : i32
        %add3A_536 = arith.addi %mul3A_310, %add3A_535 : i32
        %get3A_537 = arith.constant 2 : i32
        %get3A_538 = arith.index_cast %get3A_537 : i32 to index
        %get3A_539 = arith.index_cast %add3A_536 : i32 to index
        %get3A_540 = arith.constant 16 : index
        %get3A_541 = tpu.vector_load %arg7[%get3A_538, %get3A_539, %get3A_540] {strides = array<i32>} : memref<4x256x64xf32, #tpu.memory_space<vmem>>, vector<1x1x16xf32>,
        %get3A_542 = vector.shape_cast %get3A_541 : vector<1x1x16xf32> to vector<16xf32>
        %add3A_543 = arith.addf %add3A_471, %get3A_542 : vector<16xf32>
        %add3A_544 = arith.constant 6 : i32
        %add3A_545 = arith.addi %mul3A_310, %add3A_544 : i32
        %get3A_546 = arith.constant 2 : i32
        %get3A_547 = arith.index_cast %get3A_546 : i32 to index
        %get3A_548 = arith.index_cast %add3A_545 : i32 to index
        %get3A_549 = arith.constant 32 : index
        %get3A_550 = tpu.vector_load %arg7[%get3A_547, %get3A_548, %get3A_549] {strides = array<i32>} : memref<4x256x64xf32, #tpu.memory_space<vmem>>, vector<1x1x16xf32>,
        %get3A_551 = vector.shape_cast %get3A_550 : vector<1x1x16xf32> to vector<16xf32>
        %add3A_552 = arith.addf %add3A_480, %get3A_551 : vector<16xf32>
        %add3A_553 = arith.constant 6 : i32
        %add3A_554 = arith.addi %mul3A_310, %add3A_553 : i32
        %get3A_555 = arith.constant 2 : i32
        %get3A_556 = arith.index_cast %get3A_555 : i32 to index
        %get3A_557 = arith.index_cast %add3A_554 : i32 to index
        %get3A_558 = arith.constant 48 : index
        %get3A_559 = tpu.vector_load %arg7[%get3A_556, %get3A_557, %get3A_558] {strides = array<i32>} : memref<4x256x64xf32, #tpu.memory_space<vmem>>, vector<1x1x16xf32>,
        %get3A_560 = vector.shape_cast %get3A_559 : vector<1x1x16xf32> to vector<16xf32>
        %add3A_561 = arith.addf %add3A_489, %get3A_560 : vector<16xf32>
        %add3A_562 = arith.constant 7 : i32
        %add3A_563 = arith.addi %mul3A_310, %add3A_562 : i32
        %get3A_564 = arith.constant 2 : i32
        %get3A_565 = arith.index_cast %get3A_564 : i32 to index
        %get3A_566 = arith.index_cast %add3A_563 : i32 to index
        %get3A_567 = arith.constant 0 : index
        %get3A_568 = tpu.vector_load %arg7[%get3A_565, %get3A_566, %get3A_567] {strides = array<i32>} : memref<4x256x64xf32, #tpu.memory_space<vmem>>, vector<1x1x16xf32>,
        %get3A_569 = vector.shape_cast %get3A_568 : vector<1x1x16xf32> to vector<16xf32>
        %add3A_570 = arith.addf %add3A_498, %get3A_569 : vector<16xf32>
        %add3A_571 = arith.constant 7 : i32
        %add3A_572 = arith.addi %mul3A_310, %add3A_571 : i32
        %get3A_573 = arith.constant 2 : i32
        %get3A_574 = arith.index_cast %get3A_573 : i32 to index
        %get3A_575 = arith.index_cast %add3A_572 : i32 to index
        %get3A_576 = arith.constant 16 : index
        %get3A_577 = tpu.vector_load %arg7[%get3A_574, %get3A_575, %get3A_576] {strides = array<i32>} : memref<4x256x64xf32, #tpu.memory_space<vmem>>, vector<1x1x16xf32>,
        %get3A_578 = vector.shape_cast %get3A_577 : vector<1x1x16xf32> to vector<16xf32>
        %add3A_579 = arith.addf %add3A_507, %get3A_578 : vector<16xf32>
        %add3A_580 = arith.constant 7 : i32
        %add3A_581 = arith.addi %mul3A_310, %add3A_580 : i32
        %get3A_582 = arith.constant 2 : i32
        %get3A_583 = arith.index_cast %get3A_582 : i32 to index
        %get3A_584 = arith.index_cast %add3A_581 : i32 to index
        %get3A_585 = arith.constant 32 : index
        %get3A_586 = tpu.vector_load %arg7[%get3A_583, %get3A_584, %get3A_585] {strides = array<i32>} : memref<4x256x64xf32, #tpu.memory_space<vmem>>, vector<1x1x16xf32>,
        %get3A_587 = vector.shape_cast %get3A_586 : vector<1x1x16xf32> to vector<16xf32>
        %add3A_588 = arith.addf %add3A_516, %get3A_587 : vector<16xf32>
        %add3A_589 = arith.constant 7 : i32
        %add3A_590 = arith.addi %mul3A_310, %add3A_589 : i32
        %get3A_591 = arith.constant 2 : i32
        %get3A_592 = arith.index_cast %get3A_591 : i32 to index
        %get3A_593 = arith.index_cast %add3A_590 : i32 to index
        %get3A_594 = arith.constant 48 : index
        %get3A_595 = tpu.vector_load %arg7[%get3A_592, %get3A_593, %get3A_594] {strides = array<i32>} : memref<4x256x64xf32, #tpu.memory_space<vmem>>, vector<1x1x16xf32>,
        %get3A_596 = vector.shape_cast %get3A_595 : vector<1x1x16xf32> to vector<16xf32>
        %add3A_597 = arith.addf %add3A_525, %get3A_596 : vector<16xf32>
        scf.yield %add3A_534, %add3A_543, %add3A_552, %add3A_561, %add3A_570, %add3A_579, %add3A_588, %add3A_597 : vector<16xf32>, vector<16xf32>, vector<16xf32>, vector<16xf32>, vector<16xf32>, vector<16xf32>, vector<16xf32>, vector<16xf32>
      }
      %scan3A_263 = arith.constant 32 : i32
      %add3A_264 = arith.constant 4 : i32
      %add3A_265 = arith.addi %add3A_245, %add3A_264 : i32
      %lt3A_266 = arith.constant 100 : i32
      %lt3A_267 = arith.cmpi slt, %add3A_265, %lt3A_266 : i32
      %convert_element_type3A_268 = arith.extui %lt3A_267 : i1 to i32
      %cond3A_269 = arith.constant 0 : i32
      %cond3A_270 = arith.cmpi ne, %convert_element_type3A_268, %cond3A_269 : i32
      scf.if %cond3A_270 {
        %mul3A_300 = arith.constant 256 : i32
        %mul3A_301 = arith.muli %add3A_265, %mul3A_300 : i32
        %dma_start3A_302 = arith.constant 0 : i32
        %dma_start3A_303 = arith.constant 2 : i32
        %dma_start3A_304 = arith.constant 0 : i32
        %dma_start3A_305 = arith.constant 0 : i32
        %dma_start3A_306 = tpu.memref_slice %arg7[%dma_start3A_303, %dma_start3A_304, %dma_start3A_305] : memref<4x256x64xf32, #tpu.memory_space<vmem>> -> memref<1x256x64xf32, #tpu.memory_space<vmem>>
        %dma_start3A_307 = tpu.memref_squeeze %dma_start3A_306 : memref<1x256x64xf32, #tpu.memory_space<vmem>> -> memref<256x64xf32, #tpu.memory_space<vmem>>
        %dma_start3A_308 = tpu.memref_slice %arg6[%dma_start3A_302, %mul3A_301] : memref<2x25600xi32, #tpu.memory_space<vmem>> -> memref<1x256xi32, #tpu.memory_space<vmem>>
        %dma_start3A_309 = tpu.memref_squeeze %dma_start3A_308 : memref<1x256xi32, #tpu.memory_space<vmem>> -> memref<256xi32, #tpu.memory_space<vmem>>
        %dma_start3A_310 = arith.constant 0 : i32
        %dma_start3A_311 = arith.constant 0 : i32
        %dma_start3A_312 = tpu.memref_slice %arg2[%dma_start3A_310, %dma_start3A_311] : memref<1000000x64xf32, #tpu.memory_space<hbm>> -> memref<1000000x64xf32, #tpu.memory_space<hbm>>
        tpu.enqueue_indirect_dma source(%dma_start3A_312 : memref<1000000x64xf32, #tpu.memory_space<hbm>>) target(%dma_start3A_307 : memref<256x64xf32, #tpu.memory_space<vmem>>) offsets(%dma_start3A_309 : memref<256xi32, #tpu.memory_space<vmem>>) semaphore(%arg12 : memref<!tpu.dma_semaphore, #tpu.memory_space<semaphore_mem>>)
      } else {
      }
      %mul3A_271 = arith.constant 4 : i32
      %mul3A_272 = arith.muli %scan3A_178, %mul3A_271 : i32
      %add3A_273 = arith.constant 3 : i32
      %add3A_274 = arith.addi %mul3A_272, %add3A_273 : i32
      %dma_wait3A_275 = arith.constant 0 : i32
      %dma_wait3A_276 = arith.constant 3 : i32
      %dma_wait3A_277 = arith.constant 0 : i32
      %dma_wait3A_278 = arith.constant 0 : i32
      %dma_wait3A_279 = tpu.memref_slice %arg7[%dma_wait3A_276, %dma_wait3A_277, %dma_wait3A_278] : memref<4x256x64xf32, #tpu.memory_space<vmem>> -> memref<1x256x64xf32, #tpu.memory_space<vmem>>
      %dma_wait3A_280 = tpu.memref_squeeze %dma_wait3A_279 : memref<1x256x64xf32, #tpu.memory_space<vmem>> -> memref<256x64xf32, #tpu.memory_space<vmem>>
      %dma_wait3A_281 = arith.constant 0 : i32
      %dma_wait3A_282 = tpu.memref_slice %arg6[%dma_wait3A_275, %dma_wait3A_281] : memref<2x25600xi32, #tpu.memory_space<vmem>> -> memref<1x256xi32, #tpu.memory_space<vmem>>
      %dma_wait3A_283 = tpu.memref_squeeze %dma_wait3A_282 : memref<1x256xi32, #tpu.memory_space<vmem>> -> memref<256xi32, #tpu.memory_space<vmem>>
      %dma_wait3A_284 = arith.constant 0 : i32
      %dma_wait3A_285 = arith.constant 0 : i32
      %dma_wait3A_286 = tpu.memref_slice %arg2[%dma_wait3A_284, %dma_wait3A_285] : memref<1000000x64xf32, #tpu.memory_space<hbm>> -> memref<1000000x64xf32, #tpu.memory_space<hbm>>
      tpu.wait_indirect_dma semaphore(%arg13 : memref<!tpu.dma_semaphore, #tpu.memory_space<semaphore_mem>>) src(%dma_wait3A_286 : memref<1000000x64xf32, #tpu.memory_space<hbm>>) dst(%dma_wait3A_280 : memref<256x64xf32, #tpu.memory_space<vmem>>)
      %scan3A_287 = arith.constant 0 : i32
      %scan3A_288 = arith.constant 32 : i32
      %scan3A_289 = arith.addi %scan3A_287, %scan3A_288 : i32
      %scan3A_290 = arith.constant 1 : i32
      %scan3A_291:8 = scf.for %scan3A_300 = %scan3A_287 to %scan3A_289 step %scan3A_290 iter_args(%scan3A_301 = %scan3A_262#0, %scan3A_302 = %scan3A_262#1, %scan3A_303 = %scan3A_262#2, %scan3A_304 = %scan3A_262#3, %scan3A_305 = %scan3A_262#4, %scan3A_306 = %scan3A_262#5, %scan3A_307 = %scan3A_262#6, %scan3A_308 = %scan3A_262#7) -> (vector<16xf32>, vector<16xf32>, vector<16xf32>, vector<16xf32>, vector<16xf32>, vector<16xf32>, vector<16xf32>, vector<16xf32>)  : i32 {
        %mul3A_309 = arith.constant 8 : i32
        %mul3A_310 = arith.muli %scan3A_300, %mul3A_309 : i32
        %add3A_311 = arith.constant 0 : i32
        %add3A_312 = arith.addi %mul3A_310, %add3A_311 : i32
        %get3A = arith.constant 3 : i32
        %get3A_313 = arith.index_cast %get3A : i32 to index
        %get3A_314 = arith.index_cast %add3A_312 : i32 to index
        %get3A_315 = arith.constant 0 : index
        %get3A_316 = tpu.vector_load %arg7[%get3A_313, %get3A_314, %get3A_315] {strides = array<i32>} : memref<4x256x64xf32, #tpu.memory_space<vmem>>, vector<1x1x16xf32>,
        %get3A_317 = vector.shape_cast %get3A_316 : vector<1x1x16xf32> to vector<16xf32>
        %add3A_318 = arith.addf %scan3A_301, %get3A_317 : vector<16xf32>
        %add3A_319 = arith.constant 0 : i32
        %add3A_320 = arith.addi %mul3A_310, %add3A_319 : i32
        %get3A_321 = arith.constant 3 : i32
        %get3A_322 = arith.index_cast %get3A_321 : i32 to index
        %get3A_323 = arith.index_cast %add3A_320 : i32 to index
        %get3A_324 = arith.constant 16 : index
        %get3A_325 = tpu.vector_load %arg7[%get3A_322, %get3A_323, %get3A_324] {strides = array<i32>} : memref<4x256x64xf32, #tpu.memory_space<vmem>>, vector<1x1x16xf32>,
        %get3A_326 = vector.shape_cast %get3A_325 : vector<1x1x16xf32> to vector<16xf32>
        %add3A_327 = arith.addf %scan3A_302, %get3A_326 : vector<16xf32>
        %add3A_328 = arith.constant 0 : i32
        %add3A_329 = arith.addi %mul3A_310, %add3A_328 : i32
        %get3A_330 = arith.constant 3 : i32
        %get3A_331 = arith.index_cast %get3A_330 : i32 to index
        %get3A_332 = arith.index_cast %add3A_329 : i32 to index
        %get3A_333 = arith.constant 32 : index
        %get3A_334 = tpu.vector_load %arg7[%get3A_331, %get3A_332, %get3A_333] {strides = array<i32>} : memref<4x256x64xf32, #tpu.memory_space<vmem>>, vector<1x1x16xf32>,
        %get3A_335 = vector.shape_cast %get3A_334 : vector<1x1x16xf32> to vector<16xf32>
        %add3A_336 = arith.addf %scan3A_303, %get3A_335 : vector<16xf32>
        %add3A_337 = arith.constant 0 : i32
        %add3A_338 = arith.addi %mul3A_310, %add3A_337 : i32
        %get3A_339 = arith.constant 3 : i32
        %get3A_340 = arith.index_cast %get3A_339 : i32 to index
        %get3A_341 = arith.index_cast %add3A_338 : i32 to index
        %get3A_342 = arith.constant 48 : index
        %get3A_343 = tpu.vector_load %arg7[%get3A_340, %get3A_341, %get3A_342] {strides = array<i32>} : memref<4x256x64xf32, #tpu.memory_space<vmem>>, vector<1x1x16xf32>,
        %get3A_344 = vector.shape_cast %get3A_343 : vector<1x1x16xf32> to vector<16xf32>
        %add3A_345 = arith.addf %scan3A_304, %get3A_344 : vector<16xf32>
        %add3A_346 = arith.constant 1 : i32
        %add3A_347 = arith.addi %mul3A_310, %add3A_346 : i32
        %get3A_348 = arith.constant 3 : i32
        %get3A_349 = arith.index_cast %get3A_348 : i32 to index
        %get3A_350 = arith.index_cast %add3A_347 : i32 to index
        %get3A_351 = arith.constant 0 : index
        %get3A_352 = tpu.vector_load %arg7[%get3A_349, %get3A_350, %get3A_351] {strides = array<i32>} : memref<4x256x64xf32, #tpu.memory_space<vmem>>, vector<1x1x16xf32>,
        %get3A_353 = vector.shape_cast %get3A_352 : vector<1x1x16xf32> to vector<16xf32>
        %add3A_354 = arith.addf %scan3A_305, %get3A_353 : vector<16xf32>
        %add3A_355 = arith.constant 1 : i32
        %add3A_356 = arith.addi %mul3A_310, %add3A_355 : i32
        %get3A_357 = arith.constant 3 : i32
        %get3A_358 = arith.index_cast %get3A_357 : i32 to index
        %get3A_359 = arith.index_cast %add3A_356 : i32 to index
        %get3A_360 = arith.constant 16 : index
        %get3A_361 = tpu.vector_load %arg7[%get3A_358, %get3A_359, %get3A_360] {strides = array<i32>} : memref<4x256x64xf32, #tpu.memory_space<vmem>>, vector<1x1x16xf32>,
        %get3A_362 = vector.shape_cast %get3A_361 : vector<1x1x16xf32> to vector<16xf32>
        %add3A_363 = arith.addf %scan3A_306, %get3A_362 : vector<16xf32>
        %add3A_364 = arith.constant 1 : i32
        %add3A_365 = arith.addi %mul3A_310, %add3A_364 : i32
        %get3A_366 = arith.constant 3 : i32
        %get3A_367 = arith.index_cast %get3A_366 : i32 to index
        %get3A_368 = arith.index_cast %add3A_365 : i32 to index
        %get3A_369 = arith.constant 32 : index
        %get3A_370 = tpu.vector_load %arg7[%get3A_367, %get3A_368, %get3A_369] {strides = array<i32>} : memref<4x256x64xf32, #tpu.memory_space<vmem>>, vector<1x1x16xf32>,
        %get3A_371 = vector.shape_cast %get3A_370 : vector<1x1x16xf32> to vector<16xf32>
        %add3A_372 = arith.addf %scan3A_307, %get3A_371 : vector<16xf32>
        %add3A_373 = arith.constant 1 : i32
        %add3A_374 = arith.addi %mul3A_310, %add3A_373 : i32
        %get3A_375 = arith.constant 3 : i32
        %get3A_376 = arith.index_cast %get3A_375 : i32 to index
        %get3A_377 = arith.index_cast %add3A_374 : i32 to index
        %get3A_378 = arith.constant 48 : index
        %get3A_379 = tpu.vector_load %arg7[%get3A_376, %get3A_377, %get3A_378] {strides = array<i32>} : memref<4x256x64xf32, #tpu.memory_space<vmem>>, vector<1x1x16xf32>,
        %get3A_380 = vector.shape_cast %get3A_379 : vector<1x1x16xf32> to vector<16xf32>
        %add3A_381 = arith.addf %scan3A_308, %get3A_380 : vector<16xf32>
        %add3A_382 = arith.constant 2 : i32
        %add3A_383 = arith.addi %mul3A_310, %add3A_382 : i32
        %get3A_384 = arith.constant 3 : i32
        %get3A_385 = arith.index_cast %get3A_384 : i32 to index
        %get3A_386 = arith.index_cast %add3A_383 : i32 to index
        %get3A_387 = arith.constant 0 : index
        %get3A_388 = tpu.vector_load %arg7[%get3A_385, %get3A_386, %get3A_387] {strides = array<i32>} : memref<4x256x64xf32, #tpu.memory_space<vmem>>, vector<1x1x16xf32>,
        %get3A_389 = vector.shape_cast %get3A_388 : vector<1x1x16xf32> to vector<16xf32>
        %add3A_390 = arith.addf %add3A_318, %get3A_389 : vector<16xf32>
        %add3A_391 = arith.constant 2 : i32
        %add3A_392 = arith.addi %mul3A_310, %add3A_391 : i32
        %get3A_393 = arith.constant 3 : i32
        %get3A_394 = arith.index_cast %get3A_393 : i32 to index
        %get3A_395 = arith.index_cast %add3A_392 : i32 to index
        %get3A_396 = arith.constant 16 : index
        %get3A_397 = tpu.vector_load %arg7[%get3A_394, %get3A_395, %get3A_396] {strides = array<i32>} : memref<4x256x64xf32, #tpu.memory_space<vmem>>, vector<1x1x16xf32>,
        %get3A_398 = vector.shape_cast %get3A_397 : vector<1x1x16xf32> to vector<16xf32>
        %add3A_399 = arith.addf %add3A_327, %get3A_398 : vector<16xf32>
        %add3A_400 = arith.constant 2 : i32
        %add3A_401 = arith.addi %mul3A_310, %add3A_400 : i32
        %get3A_402 = arith.constant 3 : i32
        %get3A_403 = arith.index_cast %get3A_402 : i32 to index
        %get3A_404 = arith.index_cast %add3A_401 : i32 to index
        %get3A_405 = arith.constant 32 : index
        %get3A_406 = tpu.vector_load %arg7[%get3A_403, %get3A_404, %get3A_405] {strides = array<i32>} : memref<4x256x64xf32, #tpu.memory_space<vmem>>, vector<1x1x16xf32>,
        %get3A_407 = vector.shape_cast %get3A_406 : vector<1x1x16xf32> to vector<16xf32>
        %add3A_408 = arith.addf %add3A_336, %get3A_407 : vector<16xf32>
        %add3A_409 = arith.constant 2 : i32
        %add3A_410 = arith.addi %mul3A_310, %add3A_409 : i32
        %get3A_411 = arith.constant 3 : i32
        %get3A_412 = arith.index_cast %get3A_411 : i32 to index
        %get3A_413 = arith.index_cast %add3A_410 : i32 to index
        %get3A_414 = arith.constant 48 : index
        %get3A_415 = tpu.vector_load %arg7[%get3A_412, %get3A_413, %get3A_414] {strides = array<i32>} : memref<4x256x64xf32, #tpu.memory_space<vmem>>, vector<1x1x16xf32>,
        %get3A_416 = vector.shape_cast %get3A_415 : vector<1x1x16xf32> to vector<16xf32>
        %add3A_417 = arith.addf %add3A_345, %get3A_416 : vector<16xf32>
        %add3A_418 = arith.constant 3 : i32
        %add3A_419 = arith.addi %mul3A_310, %add3A_418 : i32
        %get3A_420 = arith.constant 3 : i32
        %get3A_421 = arith.index_cast %get3A_420 : i32 to index
        %get3A_422 = arith.index_cast %add3A_419 : i32 to index
        %get3A_423 = arith.constant 0 : index
        %get3A_424 = tpu.vector_load %arg7[%get3A_421, %get3A_422, %get3A_423] {strides = array<i32>} : memref<4x256x64xf32, #tpu.memory_space<vmem>>, vector<1x1x16xf32>,
        %get3A_425 = vector.shape_cast %get3A_424 : vector<1x1x16xf32> to vector<16xf32>
        %add3A_426 = arith.addf %add3A_354, %get3A_425 : vector<16xf32>
        %add3A_427 = arith.constant 3 : i32
        %add3A_428 = arith.addi %mul3A_310, %add3A_427 : i32
        %get3A_429 = arith.constant 3 : i32
        %get3A_430 = arith.index_cast %get3A_429 : i32 to index
        %get3A_431 = arith.index_cast %add3A_428 : i32 to index
        %get3A_432 = arith.constant 16 : index
        %get3A_433 = tpu.vector_load %arg7[%get3A_430, %get3A_431, %get3A_432] {strides = array<i32>} : memref<4x256x64xf32, #tpu.memory_space<vmem>>, vector<1x1x16xf32>,
        %get3A_434 = vector.shape_cast %get3A_433 : vector<1x1x16xf32> to vector<16xf32>
        %add3A_435 = arith.addf %add3A_363, %get3A_434 : vector<16xf32>
        %add3A_436 = arith.constant 3 : i32
        %add3A_437 = arith.addi %mul3A_310, %add3A_436 : i32
        %get3A_438 = arith.constant 3 : i32
        %get3A_439 = arith.index_cast %get3A_438 : i32 to index
        %get3A_440 = arith.index_cast %add3A_437 : i32 to index
        %get3A_441 = arith.constant 32 : index
        %get3A_442 = tpu.vector_load %arg7[%get3A_439, %get3A_440, %get3A_441] {strides = array<i32>} : memref<4x256x64xf32, #tpu.memory_space<vmem>>, vector<1x1x16xf32>,
        %get3A_443 = vector.shape_cast %get3A_442 : vector<1x1x16xf32> to vector<16xf32>
        %add3A_444 = arith.addf %add3A_372, %get3A_443 : vector<16xf32>
        %add3A_445 = arith.constant 3 : i32
        %add3A_446 = arith.addi %mul3A_310, %add3A_445 : i32
        %get3A_447 = arith.constant 3 : i32
        %get3A_448 = arith.index_cast %get3A_447 : i32 to index
        %get3A_449 = arith.index_cast %add3A_446 : i32 to index
        %get3A_450 = arith.constant 48 : index
        %get3A_451 = tpu.vector_load %arg7[%get3A_448, %get3A_449, %get3A_450] {strides = array<i32>} : memref<4x256x64xf32, #tpu.memory_space<vmem>>, vector<1x1x16xf32>,
        %get3A_452 = vector.shape_cast %get3A_451 : vector<1x1x16xf32> to vector<16xf32>
        %add3A_453 = arith.addf %add3A_381, %get3A_452 : vector<16xf32>
        %add3A_454 = arith.constant 4 : i32
        %add3A_455 = arith.addi %mul3A_310, %add3A_454 : i32
        %get3A_456 = arith.constant 3 : i32
        %get3A_457 = arith.index_cast %get3A_456 : i32 to index
        %get3A_458 = arith.index_cast %add3A_455 : i32 to index
        %get3A_459 = arith.constant 0 : index
        %get3A_460 = tpu.vector_load %arg7[%get3A_457, %get3A_458, %get3A_459] {strides = array<i32>} : memref<4x256x64xf32, #tpu.memory_space<vmem>>, vector<1x1x16xf32>,
        %get3A_461 = vector.shape_cast %get3A_460 : vector<1x1x16xf32> to vector<16xf32>
        %add3A_462 = arith.addf %add3A_390, %get3A_461 : vector<16xf32>
        %add3A_463 = arith.constant 4 : i32
        %add3A_464 = arith.addi %mul3A_310, %add3A_463 : i32
        %get3A_465 = arith.constant 3 : i32
        %get3A_466 = arith.index_cast %get3A_465 : i32 to index
        %get3A_467 = arith.index_cast %add3A_464 : i32 to index
        %get3A_468 = arith.constant 16 : index
        %get3A_469 = tpu.vector_load %arg7[%get3A_466, %get3A_467, %get3A_468] {strides = array<i32>} : memref<4x256x64xf32, #tpu.memory_space<vmem>>, vector<1x1x16xf32>,
        %get3A_470 = vector.shape_cast %get3A_469 : vector<1x1x16xf32> to vector<16xf32>
        %add3A_471 = arith.addf %add3A_399, %get3A_470 : vector<16xf32>
        %add3A_472 = arith.constant 4 : i32
        %add3A_473 = arith.addi %mul3A_310, %add3A_472 : i32
        %get3A_474 = arith.constant 3 : i32
        %get3A_475 = arith.index_cast %get3A_474 : i32 to index
        %get3A_476 = arith.index_cast %add3A_473 : i32 to index
        %get3A_477 = arith.constant 32 : index
        %get3A_478 = tpu.vector_load %arg7[%get3A_475, %get3A_476, %get3A_477] {strides = array<i32>} : memref<4x256x64xf32, #tpu.memory_space<vmem>>, vector<1x1x16xf32>,
        %get3A_479 = vector.shape_cast %get3A_478 : vector<1x1x16xf32> to vector<16xf32>
        %add3A_480 = arith.addf %add3A_408, %get3A_479 : vector<16xf32>
        %add3A_481 = arith.constant 4 : i32
        %add3A_482 = arith.addi %mul3A_310, %add3A_481 : i32
        %get3A_483 = arith.constant 3 : i32
        %get3A_484 = arith.index_cast %get3A_483 : i32 to index
        %get3A_485 = arith.index_cast %add3A_482 : i32 to index
        %get3A_486 = arith.constant 48 : index
        %get3A_487 = tpu.vector_load %arg7[%get3A_484, %get3A_485, %get3A_486] {strides = array<i32>} : memref<4x256x64xf32, #tpu.memory_space<vmem>>, vector<1x1x16xf32>,
        %get3A_488 = vector.shape_cast %get3A_487 : vector<1x1x16xf32> to vector<16xf32>
        %add3A_489 = arith.addf %add3A_417, %get3A_488 : vector<16xf32>
        %add3A_490 = arith.constant 5 : i32
        %add3A_491 = arith.addi %mul3A_310, %add3A_490 : i32
        %get3A_492 = arith.constant 3 : i32
        %get3A_493 = arith.index_cast %get3A_492 : i32 to index
        %get3A_494 = arith.index_cast %add3A_491 : i32 to index
        %get3A_495 = arith.constant 0 : index
        %get3A_496 = tpu.vector_load %arg7[%get3A_493, %get3A_494, %get3A_495] {strides = array<i32>} : memref<4x256x64xf32, #tpu.memory_space<vmem>>, vector<1x1x16xf32>,
        %get3A_497 = vector.shape_cast %get3A_496 : vector<1x1x16xf32> to vector<16xf32>
        %add3A_498 = arith.addf %add3A_426, %get3A_497 : vector<16xf32>
        %add3A_499 = arith.constant 5 : i32
        %add3A_500 = arith.addi %mul3A_310, %add3A_499 : i32
        %get3A_501 = arith.constant 3 : i32
        %get3A_502 = arith.index_cast %get3A_501 : i32 to index
        %get3A_503 = arith.index_cast %add3A_500 : i32 to index
        %get3A_504 = arith.constant 16 : index
        %get3A_505 = tpu.vector_load %arg7[%get3A_502, %get3A_503, %get3A_504] {strides = array<i32>} : memref<4x256x64xf32, #tpu.memory_space<vmem>>, vector<1x1x16xf32>,
        %get3A_506 = vector.shape_cast %get3A_505 : vector<1x1x16xf32> to vector<16xf32>
        %add3A_507 = arith.addf %add3A_435, %get3A_506 : vector<16xf32>
        %add3A_508 = arith.constant 5 : i32
        %add3A_509 = arith.addi %mul3A_310, %add3A_508 : i32
        %get3A_510 = arith.constant 3 : i32
        %get3A_511 = arith.index_cast %get3A_510 : i32 to index
        %get3A_512 = arith.index_cast %add3A_509 : i32 to index
        %get3A_513 = arith.constant 32 : index
        %get3A_514 = tpu.vector_load %arg7[%get3A_511, %get3A_512, %get3A_513] {strides = array<i32>} : memref<4x256x64xf32, #tpu.memory_space<vmem>>, vector<1x1x16xf32>,
        %get3A_515 = vector.shape_cast %get3A_514 : vector<1x1x16xf32> to vector<16xf32>
        %add3A_516 = arith.addf %add3A_444, %get3A_515 : vector<16xf32>
        %add3A_517 = arith.constant 5 : i32
        %add3A_518 = arith.addi %mul3A_310, %add3A_517 : i32
        %get3A_519 = arith.constant 3 : i32
        %get3A_520 = arith.index_cast %get3A_519 : i32 to index
        %get3A_521 = arith.index_cast %add3A_518 : i32 to index
        %get3A_522 = arith.constant 48 : index
        %get3A_523 = tpu.vector_load %arg7[%get3A_520, %get3A_521, %get3A_522] {strides = array<i32>} : memref<4x256x64xf32, #tpu.memory_space<vmem>>, vector<1x1x16xf32>,
        %get3A_524 = vector.shape_cast %get3A_523 : vector<1x1x16xf32> to vector<16xf32>
        %add3A_525 = arith.addf %add3A_453, %get3A_524 : vector<16xf32>
        %add3A_526 = arith.constant 6 : i32
        %add3A_527 = arith.addi %mul3A_310, %add3A_526 : i32
        %get3A_528 = arith.constant 3 : i32
        %get3A_529 = arith.index_cast %get3A_528 : i32 to index
        %get3A_530 = arith.index_cast %add3A_527 : i32 to index
        %get3A_531 = arith.constant 0 : index
        %get3A_532 = tpu.vector_load %arg7[%get3A_529, %get3A_530, %get3A_531] {strides = array<i32>} : memref<4x256x64xf32, #tpu.memory_space<vmem>>, vector<1x1x16xf32>,
        %get3A_533 = vector.shape_cast %get3A_532 : vector<1x1x16xf32> to vector<16xf32>
        %add3A_534 = arith.addf %add3A_462, %get3A_533 : vector<16xf32>
        %add3A_535 = arith.constant 6 : i32
        %add3A_536 = arith.addi %mul3A_310, %add3A_535 : i32
        %get3A_537 = arith.constant 3 : i32
        %get3A_538 = arith.index_cast %get3A_537 : i32 to index
        %get3A_539 = arith.index_cast %add3A_536 : i32 to index
        %get3A_540 = arith.constant 16 : index
        %get3A_541 = tpu.vector_load %arg7[%get3A_538, %get3A_539, %get3A_540] {strides = array<i32>} : memref<4x256x64xf32, #tpu.memory_space<vmem>>, vector<1x1x16xf32>,
        %get3A_542 = vector.shape_cast %get3A_541 : vector<1x1x16xf32> to vector<16xf32>
        %add3A_543 = arith.addf %add3A_471, %get3A_542 : vector<16xf32>
        %add3A_544 = arith.constant 6 : i32
        %add3A_545 = arith.addi %mul3A_310, %add3A_544 : i32
        %get3A_546 = arith.constant 3 : i32
        %get3A_547 = arith.index_cast %get3A_546 : i32 to index
        %get3A_548 = arith.index_cast %add3A_545 : i32 to index
        %get3A_549 = arith.constant 32 : index
        %get3A_550 = tpu.vector_load %arg7[%get3A_547, %get3A_548, %get3A_549] {strides = array<i32>} : memref<4x256x64xf32, #tpu.memory_space<vmem>>, vector<1x1x16xf32>,
        %get3A_551 = vector.shape_cast %get3A_550 : vector<1x1x16xf32> to vector<16xf32>
        %add3A_552 = arith.addf %add3A_480, %get3A_551 : vector<16xf32>
        %add3A_553 = arith.constant 6 : i32
        %add3A_554 = arith.addi %mul3A_310, %add3A_553 : i32
        %get3A_555 = arith.constant 3 : i32
        %get3A_556 = arith.index_cast %get3A_555 : i32 to index
        %get3A_557 = arith.index_cast %add3A_554 : i32 to index
        %get3A_558 = arith.constant 48 : index
        %get3A_559 = tpu.vector_load %arg7[%get3A_556, %get3A_557, %get3A_558] {strides = array<i32>} : memref<4x256x64xf32, #tpu.memory_space<vmem>>, vector<1x1x16xf32>,
        %get3A_560 = vector.shape_cast %get3A_559 : vector<1x1x16xf32> to vector<16xf32>
        %add3A_561 = arith.addf %add3A_489, %get3A_560 : vector<16xf32>
        %add3A_562 = arith.constant 7 : i32
        %add3A_563 = arith.addi %mul3A_310, %add3A_562 : i32
        %get3A_564 = arith.constant 3 : i32
        %get3A_565 = arith.index_cast %get3A_564 : i32 to index
        %get3A_566 = arith.index_cast %add3A_563 : i32 to index
        %get3A_567 = arith.constant 0 : index
        %get3A_568 = tpu.vector_load %arg7[%get3A_565, %get3A_566, %get3A_567] {strides = array<i32>} : memref<4x256x64xf32, #tpu.memory_space<vmem>>, vector<1x1x16xf32>,
        %get3A_569 = vector.shape_cast %get3A_568 : vector<1x1x16xf32> to vector<16xf32>
        %add3A_570 = arith.addf %add3A_498, %get3A_569 : vector<16xf32>
        %add3A_571 = arith.constant 7 : i32
        %add3A_572 = arith.addi %mul3A_310, %add3A_571 : i32
        %get3A_573 = arith.constant 3 : i32
        %get3A_574 = arith.index_cast %get3A_573 : i32 to index
        %get3A_575 = arith.index_cast %add3A_572 : i32 to index
        %get3A_576 = arith.constant 16 : index
        %get3A_577 = tpu.vector_load %arg7[%get3A_574, %get3A_575, %get3A_576] {strides = array<i32>} : memref<4x256x64xf32, #tpu.memory_space<vmem>>, vector<1x1x16xf32>,
        %get3A_578 = vector.shape_cast %get3A_577 : vector<1x1x16xf32> to vector<16xf32>
        %add3A_579 = arith.addf %add3A_507, %get3A_578 : vector<16xf32>
        %add3A_580 = arith.constant 7 : i32
        %add3A_581 = arith.addi %mul3A_310, %add3A_580 : i32
        %get3A_582 = arith.constant 3 : i32
        %get3A_583 = arith.index_cast %get3A_582 : i32 to index
        %get3A_584 = arith.index_cast %add3A_581 : i32 to index
        %get3A_585 = arith.constant 32 : index
        %get3A_586 = tpu.vector_load %arg7[%get3A_583, %get3A_584, %get3A_585] {strides = array<i32>} : memref<4x256x64xf32, #tpu.memory_space<vmem>>, vector<1x1x16xf32>,
        %get3A_587 = vector.shape_cast %get3A_586 : vector<1x1x16xf32> to vector<16xf32>
        %add3A_588 = arith.addf %add3A_516, %get3A_587 : vector<16xf32>
        %add3A_589 = arith.constant 7 : i32
        %add3A_590 = arith.addi %mul3A_310, %add3A_589 : i32
        %get3A_591 = arith.constant 3 : i32
        %get3A_592 = arith.index_cast %get3A_591 : i32 to index
        %get3A_593 = arith.index_cast %add3A_590 : i32 to index
        %get3A_594 = arith.constant 48 : index
        %get3A_595 = tpu.vector_load %arg7[%get3A_592, %get3A_593, %get3A_594] {strides = array<i32>} : memref<4x256x64xf32, #tpu.memory_space<vmem>>, vector<1x1x16xf32>,
        %get3A_596 = vector.shape_cast %get3A_595 : vector<1x1x16xf32> to vector<16xf32>
        %add3A_597 = arith.addf %add3A_525, %get3A_596 : vector<16xf32>
        scf.yield %add3A_534, %add3A_543, %add3A_552, %add3A_561, %add3A_570, %add3A_579, %add3A_588, %add3A_597 : vector<16xf32>, vector<16xf32>, vector<16xf32>, vector<16xf32>, vector<16xf32>, vector<16xf32>, vector<16xf32>, vector<16xf32>
      }
      %scan3A_292 = arith.constant 32 : i32
      %add3A_293 = arith.constant 4 : i32
      %add3A_294 = arith.addi %add3A_274, %add3A_293 : i32
      %lt3A_295 = arith.constant 100 : i32
      %lt3A_296 = arith.cmpi slt, %add3A_294, %lt3A_295 : i32
      %convert_element_type3A_297 = arith.extui %lt3A_296 : i1 to i32
      %cond3A_298 = arith.constant 0 : i32
      %cond3A_299 = arith.cmpi ne, %convert_element_type3A_297, %cond3A_298 : i32
      scf.if %cond3A_299 {
        %mul3A_300 = arith.constant 256 : i32
        %mul3A_301 = arith.muli %add3A_294, %mul3A_300 : i32
        %dma_start3A_302 = arith.constant 0 : i32
        %dma_start3A_303 = arith.constant 3 : i32
        %dma_start3A_304 = arith.constant 0 : i32
        %dma_start3A_305 = arith.constant 0 : i32
        %dma_start3A_306 = tpu.memref_slice %arg7[%dma_start3A_303, %dma_start3A_304, %dma_start3A_305] : memref<4x256x64xf32, #tpu.memory_space<vmem>> -> memref<1x256x64xf32, #tpu.memory_space<vmem>>
        %dma_start3A_307 = tpu.memref_squeeze %dma_start3A_306 : memref<1x256x64xf32, #tpu.memory_space<vmem>> -> memref<256x64xf32, #tpu.memory_space<vmem>>
        %dma_start3A_308 = tpu.memref_slice %arg6[%dma_start3A_302, %mul3A_301] : memref<2x25600xi32, #tpu.memory_space<vmem>> -> memref<1x256xi32, #tpu.memory_space<vmem>>
        %dma_start3A_309 = tpu.memref_squeeze %dma_start3A_308 : memref<1x256xi32, #tpu.memory_space<vmem>> -> memref<256xi32, #tpu.memory_space<vmem>>
        %dma_start3A_310 = arith.constant 0 : i32
        %dma_start3A_311 = arith.constant 0 : i32
        %dma_start3A_312 = tpu.memref_slice %arg2[%dma_start3A_310, %dma_start3A_311] : memref<1000000x64xf32, #tpu.memory_space<hbm>> -> memref<1000000x64xf32, #tpu.memory_space<hbm>>
        tpu.enqueue_indirect_dma source(%dma_start3A_312 : memref<1000000x64xf32, #tpu.memory_space<hbm>>) target(%dma_start3A_307 : memref<256x64xf32, #tpu.memory_space<vmem>>) offsets(%dma_start3A_309 : memref<256xi32, #tpu.memory_space<vmem>>) semaphore(%arg13 : memref<!tpu.dma_semaphore, #tpu.memory_space<semaphore_mem>>)
      } else {
      }
      scf.yield %scan3A_291#0, %scan3A_291#1, %scan3A_291#2, %scan3A_291#3, %scan3A_291#4, %scan3A_291#5, %scan3A_291#6, %scan3A_291#7 : vector<16xf32>, vector<16xf32>, vector<16xf32>, vector<16xf32>, vector<16xf32>, vector<16xf32>, vector<16xf32>, vector<16xf32>
    }
    %scan3A_66 = arith.constant 25 : i32
    %add3A_67 = arith.addf %scan3A_65#0, %scan3A_65#4 : vector<16xf32>
    %mul3A_68 = arith.mulf %add3A_67, %broadcast_in_dim3A_3 : vector<16xf32>
    %swap3A = arith.constant 0 : index
    %swap3A_69 = tpu.vector_load %arg8[%swap3A] {strides = array<i32>} : memref<128xf32, #tpu.memory_space<vmem>>, vector<16xf32>,
    %swap3A_70 = vector.shape_cast %swap3A_69 : vector<16xf32> to vector<16xf32>
    %swap3A_71 = vector.shape_cast %mul3A_68 : vector<16xf32> to vector<16xf32>
    tpu.vector_store %arg8[%swap3A], %swap3A_71 {strides = array<i32>} : memref<128xf32, #tpu.memory_space<vmem>>, vector<16xf32>,
    %add3A_72 = arith.addf %scan3A_65#1, %scan3A_65#5 : vector<16xf32>
    %mul3A_73 = arith.mulf %add3A_72, %broadcast_in_dim3A_3 : vector<16xf32>
    %swap3A_74 = arith.constant 16 : index
    %swap3A_75 = tpu.vector_load %arg8[%swap3A_74] {strides = array<i32>} : memref<128xf32, #tpu.memory_space<vmem>>, vector<16xf32>,
    %swap3A_76 = vector.shape_cast %swap3A_75 : vector<16xf32> to vector<16xf32>
    %swap3A_77 = vector.shape_cast %mul3A_73 : vector<16xf32> to vector<16xf32>
    tpu.vector_store %arg8[%swap3A_74], %swap3A_77 {strides = array<i32>} : memref<128xf32, #tpu.memory_space<vmem>>, vector<16xf32>,
    %add3A_78 = arith.addf %scan3A_65#2, %scan3A_65#6 : vector<16xf32>
    %mul3A_79 = arith.mulf %add3A_78, %broadcast_in_dim3A_3 : vector<16xf32>
    %swap3A_80 = arith.constant 32 : index
    %swap3A_81 = tpu.vector_load %arg8[%swap3A_80] {strides = array<i32>} : memref<128xf32, #tpu.memory_space<vmem>>, vector<16xf32>,
    %swap3A_82 = vector.shape_cast %swap3A_81 : vector<16xf32> to vector<16xf32>
    %swap3A_83 = vector.shape_cast %mul3A_79 : vector<16xf32> to vector<16xf32>
    tpu.vector_store %arg8[%swap3A_80], %swap3A_83 {strides = array<i32>} : memref<128xf32, #tpu.memory_space<vmem>>, vector<16xf32>,
    %add3A_84 = arith.addf %scan3A_65#3, %scan3A_65#7 : vector<16xf32>
    %mul3A_85 = arith.mulf %add3A_84, %broadcast_in_dim3A_3 : vector<16xf32>
    %swap3A_86 = arith.constant 48 : index
    %swap3A_87 = tpu.vector_load %arg8[%swap3A_86] {strides = array<i32>} : memref<128xf32, #tpu.memory_space<vmem>>, vector<16xf32>,
    %swap3A_88 = vector.shape_cast %swap3A_87 : vector<16xf32> to vector<16xf32>
    %swap3A_89 = vector.shape_cast %mul3A_85 : vector<16xf32> to vector<16xf32>
    tpu.vector_store %arg8[%swap3A_86], %swap3A_89 {strides = array<i32>} : memref<128xf32, #tpu.memory_space<vmem>>, vector<16xf32>,
    %dma_wait3A = arith.constant 1 : i32
    %dma_wait3A_90 = arith.constant 0 : i32
    %dma_wait3A_91 = tpu.memref_slice %arg6[%dma_wait3A, %dma_wait3A_90] : memref<2x25600xi32, #tpu.memory_space<vmem>> -> memref<1x25600xi32, #tpu.memory_space<vmem>>
    %dma_wait3A_92 = tpu.memref_squeeze %dma_wait3A_91 : memref<1x25600xi32, #tpu.memory_space<vmem>> -> memref<25600xi32, #tpu.memory_space<vmem>>
    %dma_wait3A_93 = tpu.memref_slice %arg4[%mul3A_2] : memref<819200xi32, #tpu.memory_space<hbm>> -> memref<25600xi32, #tpu.memory_space<hbm>>
    %dma_wait3A_94 = arith.constant 0 : i32
    %dma_wait3A_95 = tpu.memref_slice %arg6[%dma_wait3A, %dma_wait3A_94] : memref<2x25600xi32, #tpu.memory_space<vmem>> -> memref<1x25600xi32, #tpu.memory_space<vmem>>
    %dma_wait3A_96 = tpu.memref_squeeze %dma_wait3A_95 : memref<1x25600xi32, #tpu.memory_space<vmem>> -> memref<25600xi32, #tpu.memory_space<vmem>>
    %dma_wait3A_97 = tpu.memref_slice %arg4[%mul3A_2] : memref<819200xi32, #tpu.memory_space<hbm>> -> memref<25600xi32, #tpu.memory_space<hbm>>
    tpu.wait_dma2 semaphore(%arg9 : memref<!tpu.dma_semaphore, #tpu.memory_space<semaphore_mem>>) src(%dma_wait3A_97 : memref<25600xi32, #tpu.memory_space<hbm>>) dst(%dma_wait3A_96 : memref<25600xi32, #tpu.memory_space<vmem>>)
    %dma_start3A_98 = arith.constant 1 : i32
    %dma_start3A_99 = arith.constant 0 : i32
    %dma_start3A_100 = arith.constant 0 : i32
    %dma_start3A_101 = arith.constant 0 : i32
    %dma_start3A_102 = tpu.memref_slice %arg7[%dma_start3A_99, %dma_start3A_100, %dma_start3A_101] : memref<4x256x64xf32, #tpu.memory_space<vmem>> -> memref<1x256x64xf32, #tpu.memory_space<vmem>>
    %dma_start3A_103 = tpu.memref_squeeze %dma_start3A_102 : memref<1x256x64xf32, #tpu.memory_space<vmem>> -> memref<256x64xf32, #tpu.memory_space<vmem>>
    %dma_start3A_104 = arith.constant 0 : i32
    %dma_start3A_105 = tpu.memref_slice %arg6[%dma_start3A_98, %dma_start3A_104] : memref<2x25600xi32, #tpu.memory_space<vmem>> -> memref<1x256xi32, #tpu.memory_space<vmem>>
    %dma_start3A_106 = tpu.memref_squeeze %dma_start3A_105 : memref<1x256xi32, #tpu.memory_space<vmem>> -> memref<256xi32, #tpu.memory_space<vmem>>
    %dma_start3A_107 = arith.constant 0 : i32
    %dma_start3A_108 = arith.constant 0 : i32
    %dma_start3A_109 = tpu.memref_slice %arg2[%dma_start3A_107, %dma_start3A_108] : memref<1000000x64xf32, #tpu.memory_space<hbm>> -> memref<1000000x64xf32, #tpu.memory_space<hbm>>
    tpu.enqueue_indirect_dma source(%dma_start3A_109 : memref<1000000x64xf32, #tpu.memory_space<hbm>>) target(%dma_start3A_103 : memref<256x64xf32, #tpu.memory_space<vmem>>) offsets(%dma_start3A_106 : memref<256xi32, #tpu.memory_space<vmem>>) semaphore(%arg10 : memref<!tpu.dma_semaphore, #tpu.memory_space<semaphore_mem>>)
    %dma_start3A_110 = arith.constant 1 : i32
    %dma_start3A_111 = arith.constant 1 : i32
    %dma_start3A_112 = arith.constant 0 : i32
    %dma_start3A_113 = arith.constant 0 : i32
    %dma_start3A_114 = tpu.memref_slice %arg7[%dma_start3A_111, %dma_start3A_112, %dma_start3A_113] : memref<4x256x64xf32, #tpu.memory_space<vmem>> -> memref<1x256x64xf32, #tpu.memory_space<vmem>>
    %dma_start3A_115 = tpu.memref_squeeze %dma_start3A_114 : memref<1x256x64xf32, #tpu.memory_space<vmem>> -> memref<256x64xf32, #tpu.memory_space<vmem>>
    %dma_start3A_116 = arith.constant 256 : i32
    %dma_start3A_117 = tpu.memref_slice %arg6[%dma_start3A_110, %dma_start3A_116] : memref<2x25600xi32, #tpu.memory_space<vmem>> -> memref<1x256xi32, #tpu.memory_space<vmem>>
    %dma_start3A_118 = tpu.memref_squeeze %dma_start3A_117 : memref<1x256xi32, #tpu.memory_space<vmem>> -> memref<256xi32, #tpu.memory_space<vmem>>
    %dma_start3A_119 = arith.constant 0 : i32
    %dma_start3A_120 = arith.constant 0 : i32
    %dma_start3A_121 = tpu.memref_slice %arg2[%dma_start3A_119, %dma_start3A_120] : memref<1000000x64xf32, #tpu.memory_space<hbm>> -> memref<1000000x64xf32, #tpu.memory_space<hbm>>
    tpu.enqueue_indirect_dma source(%dma_start3A_121 : memref<1000000x64xf32, #tpu.memory_space<hbm>>) target(%dma_start3A_115 : memref<256x64xf32, #tpu.memory_space<vmem>>) offsets(%dma_start3A_118 : memref<256xi32, #tpu.memory_space<vmem>>) semaphore(%arg11 : memref<!tpu.dma_semaphore, #tpu.memory_space<semaphore_mem>>)
    %dma_start3A_122 = arith.constant 1 : i32
    %dma_start3A_123 = arith.constant 2 : i32
    %dma_start3A_124 = arith.constant 0 : i32
    %dma_start3A_125 = arith.constant 0 : i32
    %dma_start3A_126 = tpu.memref_slice %arg7[%dma_start3A_123, %dma_start3A_124, %dma_start3A_125] : memref<4x256x64xf32, #tpu.memory_space<vmem>> -> memref<1x256x64xf32, #tpu.memory_space<vmem>>
    %dma_start3A_127 = tpu.memref_squeeze %dma_start3A_126 : memref<1x256x64xf32, #tpu.memory_space<vmem>> -> memref<256x64xf32, #tpu.memory_space<vmem>>
    %dma_start3A_128 = arith.constant 512 : i32
    %dma_start3A_129 = tpu.memref_slice %arg6[%dma_start3A_122, %dma_start3A_128] : memref<2x25600xi32, #tpu.memory_space<vmem>> -> memref<1x256xi32, #tpu.memory_space<vmem>>
    %dma_start3A_130 = tpu.memref_squeeze %dma_start3A_129 : memref<1x256xi32, #tpu.memory_space<vmem>> -> memref<256xi32, #tpu.memory_space<vmem>>
    %dma_start3A_131 = arith.constant 0 : i32
    %dma_start3A_132 = arith.constant 0 : i32
    %dma_start3A_133 = tpu.memref_slice %arg2[%dma_start3A_131, %dma_start3A_132] : memref<1000000x64xf32, #tpu.memory_space<hbm>> -> memref<1000000x64xf32, #tpu.memory_space<hbm>>
    tpu.enqueue_indirect_dma source(%dma_start3A_133 : memref<1000000x64xf32, #tpu.memory_space<hbm>>) target(%dma_start3A_127 : memref<256x64xf32, #tpu.memory_space<vmem>>) offsets(%dma_start3A_130 : memref<256xi32, #tpu.memory_space<vmem>>) semaphore(%arg12 : memref<!tpu.dma_semaphore, #tpu.memory_space<semaphore_mem>>)
    %dma_start3A_134 = arith.constant 1 : i32
    %dma_start3A_135 = arith.constant 3 : i32
    %dma_start3A_136 = arith.constant 0 : i32
    %dma_start3A_137 = arith.constant 0 : i32
    %dma_start3A_138 = tpu.memref_slice %arg7[%dma_start3A_135, %dma_start3A_136, %dma_start3A_137] : memref<4x256x64xf32, #tpu.memory_space<vmem>> -> memref<1x256x64xf32, #tpu.memory_space<vmem>>
    %dma_start3A_139 = tpu.memref_squeeze %dma_start3A_138 : memref<1x256x64xf32, #tpu.memory_space<vmem>> -> memref<256x64xf32, #tpu.memory_space<vmem>>
    %dma_start3A_140 = arith.constant 768 : i32
    %dma_start3A_141 = tpu.memref_slice %arg6[%dma_start3A_134, %dma_start3A_140] : memref<2x25600xi32, #tpu.memory_space<vmem>> -> memref<1x256xi32, #tpu.memory_space<vmem>>
    %dma_start3A_142 = tpu.memref_squeeze %dma_start3A_141 : memref<1x256xi32, #tpu.memory_space<vmem>> -> memref<256xi32, #tpu.memory_space<vmem>>
    %dma_start3A_143 = arith.constant 0 : i32
    %dma_start3A_144 = arith.constant 0 : i32
    %dma_start3A_145 = tpu.memref_slice %arg2[%dma_start3A_143, %dma_start3A_144] : memref<1000000x64xf32, #tpu.memory_space<hbm>> -> memref<1000000x64xf32, #tpu.memory_space<hbm>>
    tpu.enqueue_indirect_dma source(%dma_start3A_145 : memref<1000000x64xf32, #tpu.memory_space<hbm>>) target(%dma_start3A_139 : memref<256x64xf32, #tpu.memory_space<vmem>>) offsets(%dma_start3A_142 : memref<256xi32, #tpu.memory_space<vmem>>) semaphore(%arg13 : memref<!tpu.dma_semaphore, #tpu.memory_space<semaphore_mem>>)
    %broadcast_in_dim3A_146 = arith.constant 0.000000e+00 : f32
    %broadcast_in_dim3A_147 = vector.broadcast %broadcast_in_dim3A_146 : f32 to vector<16xf32>
    %scan3A_148 = arith.constant 0 : i32
    %scan3A_149 = arith.constant 25 : i32
    %scan3A_150 = arith.addi %scan3A_148, %scan3A_149 : i32
    %scan3A_151 = arith.constant 1 : i32
    %scan3A_152:8 = scf.for %scan3A_178 = %scan3A_148 to %scan3A_150 step %scan3A_151 iter_args(%scan3A_179 = %broadcast_in_dim3A_147, %scan3A_180 = %broadcast_in_dim3A_147, %scan3A_181 = %broadcast_in_dim3A_147, %scan3A_182 = %broadcast_in_dim3A_147, %scan3A_183 = %broadcast_in_dim3A_147, %scan3A_184 = %broadcast_in_dim3A_147, %scan3A_185 = %broadcast_in_dim3A_147, %scan3A_186 = %broadcast_in_dim3A_147) -> (vector<16xf32>, vector<16xf32>, vector<16xf32>, vector<16xf32>, vector<16xf32>, vector<16xf32>, vector<16xf32>, vector<16xf32>)  : i32 {
      %mul3A_187 = arith.constant 4 : i32
      %mul3A_188 = arith.muli %scan3A_178, %mul3A_187 : i32
      %add3A_189 = arith.constant 0 : i32
      %add3A_190 = arith.addi %mul3A_188, %add3A_189 : i32
      %dma_wait3A_191 = arith.constant 1 : i32
      %dma_wait3A_192 = arith.constant 0 : i32
      %dma_wait3A_193 = arith.constant 0 : i32
      %dma_wait3A_194 = arith.constant 0 : i32
      %dma_wait3A_195 = tpu.memref_slice %arg7[%dma_wait3A_192, %dma_wait3A_193, %dma_wait3A_194] : memref<4x256x64xf32, #tpu.memory_space<vmem>> -> memref<1x256x64xf32, #tpu.memory_space<vmem>>
      %dma_wait3A_196 = tpu.memref_squeeze %dma_wait3A_195 : memref<1x256x64xf32, #tpu.memory_space<vmem>> -> memref<256x64xf32, #tpu.memory_space<vmem>>
      %dma_wait3A_197 = arith.constant 0 : i32
      %dma_wait3A_198 = tpu.memref_slice %arg6[%dma_wait3A_191, %dma_wait3A_197] : memref<2x25600xi32, #tpu.memory_space<vmem>> -> memref<1x256xi32, #tpu.memory_space<vmem>>
      %dma_wait3A_199 = tpu.memref_squeeze %dma_wait3A_198 : memref<1x256xi32, #tpu.memory_space<vmem>> -> memref<256xi32, #tpu.memory_space<vmem>>
      %dma_wait3A_200 = arith.constant 0 : i32
      %dma_wait3A_201 = arith.constant 0 : i32
      %dma_wait3A_202 = tpu.memref_slice %arg2[%dma_wait3A_200, %dma_wait3A_201] : memref<1000000x64xf32, #tpu.memory_space<hbm>> -> memref<1000000x64xf32, #tpu.memory_space<hbm>>
      tpu.wait_indirect_dma semaphore(%arg10 : memref<!tpu.dma_semaphore, #tpu.memory_space<semaphore_mem>>) src(%dma_wait3A_202 : memref<1000000x64xf32, #tpu.memory_space<hbm>>) dst(%dma_wait3A_196 : memref<256x64xf32, #tpu.memory_space<vmem>>)
      %scan3A_203 = arith.constant 0 : i32
      %scan3A_204 = arith.constant 32 : i32
      %scan3A_205 = arith.addi %scan3A_203, %scan3A_204 : i32
      %scan3A_206 = arith.constant 1 : i32
      %scan3A_207:8 = scf.for %scan3A_300 = %scan3A_203 to %scan3A_205 step %scan3A_206 iter_args(%scan3A_301 = %scan3A_179, %scan3A_302 = %scan3A_180, %scan3A_303 = %scan3A_181, %scan3A_304 = %scan3A_182, %scan3A_305 = %scan3A_183, %scan3A_306 = %scan3A_184, %scan3A_307 = %scan3A_185, %scan3A_308 = %scan3A_186) -> (vector<16xf32>, vector<16xf32>, vector<16xf32>, vector<16xf32>, vector<16xf32>, vector<16xf32>, vector<16xf32>, vector<16xf32>)  : i32 {
        %mul3A_309 = arith.constant 8 : i32
        %mul3A_310 = arith.muli %scan3A_300, %mul3A_309 : i32
        %add3A_311 = arith.constant 0 : i32
        %add3A_312 = arith.addi %mul3A_310, %add3A_311 : i32
        %get3A = arith.constant 0 : i32
        %get3A_313 = arith.index_cast %get3A : i32 to index
        %get3A_314 = arith.index_cast %add3A_312 : i32 to index
        %get3A_315 = arith.constant 0 : index
        %get3A_316 = tpu.vector_load %arg7[%get3A_313, %get3A_314, %get3A_315] {strides = array<i32>} : memref<4x256x64xf32, #tpu.memory_space<vmem>>, vector<1x1x16xf32>,
        %get3A_317 = vector.shape_cast %get3A_316 : vector<1x1x16xf32> to vector<16xf32>
        %add3A_318 = arith.addf %scan3A_301, %get3A_317 : vector<16xf32>
        %add3A_319 = arith.constant 0 : i32
        %add3A_320 = arith.addi %mul3A_310, %add3A_319 : i32
        %get3A_321 = arith.constant 0 : i32
        %get3A_322 = arith.index_cast %get3A_321 : i32 to index
        %get3A_323 = arith.index_cast %add3A_320 : i32 to index
        %get3A_324 = arith.constant 16 : index
        %get3A_325 = tpu.vector_load %arg7[%get3A_322, %get3A_323, %get3A_324] {strides = array<i32>} : memref<4x256x64xf32, #tpu.memory_space<vmem>>, vector<1x1x16xf32>,
        %get3A_326 = vector.shape_cast %get3A_325 : vector<1x1x16xf32> to vector<16xf32>
        %add3A_327 = arith.addf %scan3A_302, %get3A_326 : vector<16xf32>
        %add3A_328 = arith.constant 0 : i32
        %add3A_329 = arith.addi %mul3A_310, %add3A_328 : i32
        %get3A_330 = arith.constant 0 : i32
        %get3A_331 = arith.index_cast %get3A_330 : i32 to index
        %get3A_332 = arith.index_cast %add3A_329 : i32 to index
        %get3A_333 = arith.constant 32 : index
        %get3A_334 = tpu.vector_load %arg7[%get3A_331, %get3A_332, %get3A_333] {strides = array<i32>} : memref<4x256x64xf32, #tpu.memory_space<vmem>>, vector<1x1x16xf32>,
        %get3A_335 = vector.shape_cast %get3A_334 : vector<1x1x16xf32> to vector<16xf32>
        %add3A_336 = arith.addf %scan3A_303, %get3A_335 : vector<16xf32>
        %add3A_337 = arith.constant 0 : i32
        %add3A_338 = arith.addi %mul3A_310, %add3A_337 : i32
        %get3A_339 = arith.constant 0 : i32
        %get3A_340 = arith.index_cast %get3A_339 : i32 to index
        %get3A_341 = arith.index_cast %add3A_338 : i32 to index
        %get3A_342 = arith.constant 48 : index
        %get3A_343 = tpu.vector_load %arg7[%get3A_340, %get3A_341, %get3A_342] {strides = array<i32>} : memref<4x256x64xf32, #tpu.memory_space<vmem>>, vector<1x1x16xf32>,
        %get3A_344 = vector.shape_cast %get3A_343 : vector<1x1x16xf32> to vector<16xf32>
        %add3A_345 = arith.addf %scan3A_304, %get3A_344 : vector<16xf32>
        %add3A_346 = arith.constant 1 : i32
        %add3A_347 = arith.addi %mul3A_310, %add3A_346 : i32
        %get3A_348 = arith.constant 0 : i32
        %get3A_349 = arith.index_cast %get3A_348 : i32 to index
        %get3A_350 = arith.index_cast %add3A_347 : i32 to index
        %get3A_351 = arith.constant 0 : index
        %get3A_352 = tpu.vector_load %arg7[%get3A_349, %get3A_350, %get3A_351] {strides = array<i32>} : memref<4x256x64xf32, #tpu.memory_space<vmem>>, vector<1x1x16xf32>,
        %get3A_353 = vector.shape_cast %get3A_352 : vector<1x1x16xf32> to vector<16xf32>
        %add3A_354 = arith.addf %scan3A_305, %get3A_353 : vector<16xf32>
        %add3A_355 = arith.constant 1 : i32
        %add3A_356 = arith.addi %mul3A_310, %add3A_355 : i32
        %get3A_357 = arith.constant 0 : i32
        %get3A_358 = arith.index_cast %get3A_357 : i32 to index
        %get3A_359 = arith.index_cast %add3A_356 : i32 to index
        %get3A_360 = arith.constant 16 : index
        %get3A_361 = tpu.vector_load %arg7[%get3A_358, %get3A_359, %get3A_360] {strides = array<i32>} : memref<4x256x64xf32, #tpu.memory_space<vmem>>, vector<1x1x16xf32>,
        %get3A_362 = vector.shape_cast %get3A_361 : vector<1x1x16xf32> to vector<16xf32>
        %add3A_363 = arith.addf %scan3A_306, %get3A_362 : vector<16xf32>
        %add3A_364 = arith.constant 1 : i32
        %add3A_365 = arith.addi %mul3A_310, %add3A_364 : i32
        %get3A_366 = arith.constant 0 : i32
        %get3A_367 = arith.index_cast %get3A_366 : i32 to index
        %get3A_368 = arith.index_cast %add3A_365 : i32 to index
        %get3A_369 = arith.constant 32 : index
        %get3A_370 = tpu.vector_load %arg7[%get3A_367, %get3A_368, %get3A_369] {strides = array<i32>} : memref<4x256x64xf32, #tpu.memory_space<vmem>>, vector<1x1x16xf32>,
        %get3A_371 = vector.shape_cast %get3A_370 : vector<1x1x16xf32> to vector<16xf32>
        %add3A_372 = arith.addf %scan3A_307, %get3A_371 : vector<16xf32>
        %add3A_373 = arith.constant 1 : i32
        %add3A_374 = arith.addi %mul3A_310, %add3A_373 : i32
        %get3A_375 = arith.constant 0 : i32
        %get3A_376 = arith.index_cast %get3A_375 : i32 to index
        %get3A_377 = arith.index_cast %add3A_374 : i32 to index
        %get3A_378 = arith.constant 48 : index
        %get3A_379 = tpu.vector_load %arg7[%get3A_376, %get3A_377, %get3A_378] {strides = array<i32>} : memref<4x256x64xf32, #tpu.memory_space<vmem>>, vector<1x1x16xf32>,
        %get3A_380 = vector.shape_cast %get3A_379 : vector<1x1x16xf32> to vector<16xf32>
        %add3A_381 = arith.addf %scan3A_308, %get3A_380 : vector<16xf32>
        %add3A_382 = arith.constant 2 : i32
        %add3A_383 = arith.addi %mul3A_310, %add3A_382 : i32
        %get3A_384 = arith.constant 0 : i32
        %get3A_385 = arith.index_cast %get3A_384 : i32 to index
        %get3A_386 = arith.index_cast %add3A_383 : i32 to index
        %get3A_387 = arith.constant 0 : index
        %get3A_388 = tpu.vector_load %arg7[%get3A_385, %get3A_386, %get3A_387] {strides = array<i32>} : memref<4x256x64xf32, #tpu.memory_space<vmem>>, vector<1x1x16xf32>,
        %get3A_389 = vector.shape_cast %get3A_388 : vector<1x1x16xf32> to vector<16xf32>
        %add3A_390 = arith.addf %add3A_318, %get3A_389 : vector<16xf32>
        %add3A_391 = arith.constant 2 : i32
        %add3A_392 = arith.addi %mul3A_310, %add3A_391 : i32
        %get3A_393 = arith.constant 0 : i32
        %get3A_394 = arith.index_cast %get3A_393 : i32 to index
        %get3A_395 = arith.index_cast %add3A_392 : i32 to index
        %get3A_396 = arith.constant 16 : index
        %get3A_397 = tpu.vector_load %arg7[%get3A_394, %get3A_395, %get3A_396] {strides = array<i32>} : memref<4x256x64xf32, #tpu.memory_space<vmem>>, vector<1x1x16xf32>,
        %get3A_398 = vector.shape_cast %get3A_397 : vector<1x1x16xf32> to vector<16xf32>
        %add3A_399 = arith.addf %add3A_327, %get3A_398 : vector<16xf32>
        %add3A_400 = arith.constant 2 : i32
        %add3A_401 = arith.addi %mul3A_310, %add3A_400 : i32
        %get3A_402 = arith.constant 0 : i32
        %get3A_403 = arith.index_cast %get3A_402 : i32 to index
        %get3A_404 = arith.index_cast %add3A_401 : i32 to index
        %get3A_405 = arith.constant 32 : index
        %get3A_406 = tpu.vector_load %arg7[%get3A_403, %get3A_404, %get3A_405] {strides = array<i32>} : memref<4x256x64xf32, #tpu.memory_space<vmem>>, vector<1x1x16xf32>,
        %get3A_407 = vector.shape_cast %get3A_406 : vector<1x1x16xf32> to vector<16xf32>
        %add3A_408 = arith.addf %add3A_336, %get3A_407 : vector<16xf32>
        %add3A_409 = arith.constant 2 : i32
        %add3A_410 = arith.addi %mul3A_310, %add3A_409 : i32
        %get3A_411 = arith.constant 0 : i32
        %get3A_412 = arith.index_cast %get3A_411 : i32 to index
        %get3A_413 = arith.index_cast %add3A_410 : i32 to index
        %get3A_414 = arith.constant 48 : index
        %get3A_415 = tpu.vector_load %arg7[%get3A_412, %get3A_413, %get3A_414] {strides = array<i32>} : memref<4x256x64xf32, #tpu.memory_space<vmem>>, vector<1x1x16xf32>,
        %get3A_416 = vector.shape_cast %get3A_415 : vector<1x1x16xf32> to vector<16xf32>
        %add3A_417 = arith.addf %add3A_345, %get3A_416 : vector<16xf32>
        %add3A_418 = arith.constant 3 : i32
        %add3A_419 = arith.addi %mul3A_310, %add3A_418 : i32
        %get3A_420 = arith.constant 0 : i32
        %get3A_421 = arith.index_cast %get3A_420 : i32 to index
        %get3A_422 = arith.index_cast %add3A_419 : i32 to index
        %get3A_423 = arith.constant 0 : index
        %get3A_424 = tpu.vector_load %arg7[%get3A_421, %get3A_422, %get3A_423] {strides = array<i32>} : memref<4x256x64xf32, #tpu.memory_space<vmem>>, vector<1x1x16xf32>,
        %get3A_425 = vector.shape_cast %get3A_424 : vector<1x1x16xf32> to vector<16xf32>
        %add3A_426 = arith.addf %add3A_354, %get3A_425 : vector<16xf32>
        %add3A_427 = arith.constant 3 : i32
        %add3A_428 = arith.addi %mul3A_310, %add3A_427 : i32
        %get3A_429 = arith.constant 0 : i32
        %get3A_430 = arith.index_cast %get3A_429 : i32 to index
        %get3A_431 = arith.index_cast %add3A_428 : i32 to index
        %get3A_432 = arith.constant 16 : index
        %get3A_433 = tpu.vector_load %arg7[%get3A_430, %get3A_431, %get3A_432] {strides = array<i32>} : memref<4x256x64xf32, #tpu.memory_space<vmem>>, vector<1x1x16xf32>,
        %get3A_434 = vector.shape_cast %get3A_433 : vector<1x1x16xf32> to vector<16xf32>
        %add3A_435 = arith.addf %add3A_363, %get3A_434 : vector<16xf32>
        %add3A_436 = arith.constant 3 : i32
        %add3A_437 = arith.addi %mul3A_310, %add3A_436 : i32
        %get3A_438 = arith.constant 0 : i32
        %get3A_439 = arith.index_cast %get3A_438 : i32 to index
        %get3A_440 = arith.index_cast %add3A_437 : i32 to index
        %get3A_441 = arith.constant 32 : index
        %get3A_442 = tpu.vector_load %arg7[%get3A_439, %get3A_440, %get3A_441] {strides = array<i32>} : memref<4x256x64xf32, #tpu.memory_space<vmem>>, vector<1x1x16xf32>,
        %get3A_443 = vector.shape_cast %get3A_442 : vector<1x1x16xf32> to vector<16xf32>
        %add3A_444 = arith.addf %add3A_372, %get3A_443 : vector<16xf32>
        %add3A_445 = arith.constant 3 : i32
        %add3A_446 = arith.addi %mul3A_310, %add3A_445 : i32
        %get3A_447 = arith.constant 0 : i32
        %get3A_448 = arith.index_cast %get3A_447 : i32 to index
        %get3A_449 = arith.index_cast %add3A_446 : i32 to index
        %get3A_450 = arith.constant 48 : index
        %get3A_451 = tpu.vector_load %arg7[%get3A_448, %get3A_449, %get3A_450] {strides = array<i32>} : memref<4x256x64xf32, #tpu.memory_space<vmem>>, vector<1x1x16xf32>,
        %get3A_452 = vector.shape_cast %get3A_451 : vector<1x1x16xf32> to vector<16xf32>
        %add3A_453 = arith.addf %add3A_381, %get3A_452 : vector<16xf32>
        %add3A_454 = arith.constant 4 : i32
        %add3A_455 = arith.addi %mul3A_310, %add3A_454 : i32
        %get3A_456 = arith.constant 0 : i32
        %get3A_457 = arith.index_cast %get3A_456 : i32 to index
        %get3A_458 = arith.index_cast %add3A_455 : i32 to index
        %get3A_459 = arith.constant 0 : index
        %get3A_460 = tpu.vector_load %arg7[%get3A_457, %get3A_458, %get3A_459] {strides = array<i32>} : memref<4x256x64xf32, #tpu.memory_space<vmem>>, vector<1x1x16xf32>,
        %get3A_461 = vector.shape_cast %get3A_460 : vector<1x1x16xf32> to vector<16xf32>
        %add3A_462 = arith.addf %add3A_390, %get3A_461 : vector<16xf32>
        %add3A_463 = arith.constant 4 : i32
        %add3A_464 = arith.addi %mul3A_310, %add3A_463 : i32
        %get3A_465 = arith.constant 0 : i32
        %get3A_466 = arith.index_cast %get3A_465 : i32 to index
        %get3A_467 = arith.index_cast %add3A_464 : i32 to index
        %get3A_468 = arith.constant 16 : index
        %get3A_469 = tpu.vector_load %arg7[%get3A_466, %get3A_467, %get3A_468] {strides = array<i32>} : memref<4x256x64xf32, #tpu.memory_space<vmem>>, vector<1x1x16xf32>,
        %get3A_470 = vector.shape_cast %get3A_469 : vector<1x1x16xf32> to vector<16xf32>
        %add3A_471 = arith.addf %add3A_399, %get3A_470 : vector<16xf32>
        %add3A_472 = arith.constant 4 : i32
        %add3A_473 = arith.addi %mul3A_310, %add3A_472 : i32
        %get3A_474 = arith.constant 0 : i32
        %get3A_475 = arith.index_cast %get3A_474 : i32 to index
        %get3A_476 = arith.index_cast %add3A_473 : i32 to index
        %get3A_477 = arith.constant 32 : index
        %get3A_478 = tpu.vector_load %arg7[%get3A_475, %get3A_476, %get3A_477] {strides = array<i32>} : memref<4x256x64xf32, #tpu.memory_space<vmem>>, vector<1x1x16xf32>,
        %get3A_479 = vector.shape_cast %get3A_478 : vector<1x1x16xf32> to vector<16xf32>
        %add3A_480 = arith.addf %add3A_408, %get3A_479 : vector<16xf32>
        %add3A_481 = arith.constant 4 : i32
        %add3A_482 = arith.addi %mul3A_310, %add3A_481 : i32
        %get3A_483 = arith.constant 0 : i32
        %get3A_484 = arith.index_cast %get3A_483 : i32 to index
        %get3A_485 = arith.index_cast %add3A_482 : i32 to index
        %get3A_486 = arith.constant 48 : index
        %get3A_487 = tpu.vector_load %arg7[%get3A_484, %get3A_485, %get3A_486] {strides = array<i32>} : memref<4x256x64xf32, #tpu.memory_space<vmem>>, vector<1x1x16xf32>,
        %get3A_488 = vector.shape_cast %get3A_487 : vector<1x1x16xf32> to vector<16xf32>
        %add3A_489 = arith.addf %add3A_417, %get3A_488 : vector<16xf32>
        %add3A_490 = arith.constant 5 : i32
        %add3A_491 = arith.addi %mul3A_310, %add3A_490 : i32
        %get3A_492 = arith.constant 0 : i32
        %get3A_493 = arith.index_cast %get3A_492 : i32 to index
        %get3A_494 = arith.index_cast %add3A_491 : i32 to index
        %get3A_495 = arith.constant 0 : index
        %get3A_496 = tpu.vector_load %arg7[%get3A_493, %get3A_494, %get3A_495] {strides = array<i32>} : memref<4x256x64xf32, #tpu.memory_space<vmem>>, vector<1x1x16xf32>,
        %get3A_497 = vector.shape_cast %get3A_496 : vector<1x1x16xf32> to vector<16xf32>
        %add3A_498 = arith.addf %add3A_426, %get3A_497 : vector<16xf32>
        %add3A_499 = arith.constant 5 : i32
        %add3A_500 = arith.addi %mul3A_310, %add3A_499 : i32
        %get3A_501 = arith.constant 0 : i32
        %get3A_502 = arith.index_cast %get3A_501 : i32 to index
        %get3A_503 = arith.index_cast %add3A_500 : i32 to index
        %get3A_504 = arith.constant 16 : index
        %get3A_505 = tpu.vector_load %arg7[%get3A_502, %get3A_503, %get3A_504] {strides = array<i32>} : memref<4x256x64xf32, #tpu.memory_space<vmem>>, vector<1x1x16xf32>,
        %get3A_506 = vector.shape_cast %get3A_505 : vector<1x1x16xf32> to vector<16xf32>
        %add3A_507 = arith.addf %add3A_435, %get3A_506 : vector<16xf32>
        %add3A_508 = arith.constant 5 : i32
        %add3A_509 = arith.addi %mul3A_310, %add3A_508 : i32
        %get3A_510 = arith.constant 0 : i32
        %get3A_511 = arith.index_cast %get3A_510 : i32 to index
        %get3A_512 = arith.index_cast %add3A_509 : i32 to index
        %get3A_513 = arith.constant 32 : index
        %get3A_514 = tpu.vector_load %arg7[%get3A_511, %get3A_512, %get3A_513] {strides = array<i32>} : memref<4x256x64xf32, #tpu.memory_space<vmem>>, vector<1x1x16xf32>,
        %get3A_515 = vector.shape_cast %get3A_514 : vector<1x1x16xf32> to vector<16xf32>
        %add3A_516 = arith.addf %add3A_444, %get3A_515 : vector<16xf32>
        %add3A_517 = arith.constant 5 : i32
        %add3A_518 = arith.addi %mul3A_310, %add3A_517 : i32
        %get3A_519 = arith.constant 0 : i32
        %get3A_520 = arith.index_cast %get3A_519 : i32 to index
        %get3A_521 = arith.index_cast %add3A_518 : i32 to index
        %get3A_522 = arith.constant 48 : index
        %get3A_523 = tpu.vector_load %arg7[%get3A_520, %get3A_521, %get3A_522] {strides = array<i32>} : memref<4x256x64xf32, #tpu.memory_space<vmem>>, vector<1x1x16xf32>,
        %get3A_524 = vector.shape_cast %get3A_523 : vector<1x1x16xf32> to vector<16xf32>
        %add3A_525 = arith.addf %add3A_453, %get3A_524 : vector<16xf32>
        %add3A_526 = arith.constant 6 : i32
        %add3A_527 = arith.addi %mul3A_310, %add3A_526 : i32
        %get3A_528 = arith.constant 0 : i32
        %get3A_529 = arith.index_cast %get3A_528 : i32 to index
        %get3A_530 = arith.index_cast %add3A_527 : i32 to index
        %get3A_531 = arith.constant 0 : index
        %get3A_532 = tpu.vector_load %arg7[%get3A_529, %get3A_530, %get3A_531] {strides = array<i32>} : memref<4x256x64xf32, #tpu.memory_space<vmem>>, vector<1x1x16xf32>,
        %get3A_533 = vector.shape_cast %get3A_532 : vector<1x1x16xf32> to vector<16xf32>
        %add3A_534 = arith.addf %add3A_462, %get3A_533 : vector<16xf32>
        %add3A_535 = arith.constant 6 : i32
        %add3A_536 = arith.addi %mul3A_310, %add3A_535 : i32
        %get3A_537 = arith.constant 0 : i32
        %get3A_538 = arith.index_cast %get3A_537 : i32 to index
        %get3A_539 = arith.index_cast %add3A_536 : i32 to index
        %get3A_540 = arith.constant 16 : index
        %get3A_541 = tpu.vector_load %arg7[%get3A_538, %get3A_539, %get3A_540] {strides = array<i32>} : memref<4x256x64xf32, #tpu.memory_space<vmem>>, vector<1x1x16xf32>,
        %get3A_542 = vector.shape_cast %get3A_541 : vector<1x1x16xf32> to vector<16xf32>
        %add3A_543 = arith.addf %add3A_471, %get3A_542 : vector<16xf32>
        %add3A_544 = arith.constant 6 : i32
        %add3A_545 = arith.addi %mul3A_310, %add3A_544 : i32
        %get3A_546 = arith.constant 0 : i32
        %get3A_547 = arith.index_cast %get3A_546 : i32 to index
        %get3A_548 = arith.index_cast %add3A_545 : i32 to index
        %get3A_549 = arith.constant 32 : index
        %get3A_550 = tpu.vector_load %arg7[%get3A_547, %get3A_548, %get3A_549] {strides = array<i32>} : memref<4x256x64xf32, #tpu.memory_space<vmem>>, vector<1x1x16xf32>,
        %get3A_551 = vector.shape_cast %get3A_550 : vector<1x1x16xf32> to vector<16xf32>
        %add3A_552 = arith.addf %add3A_480, %get3A_551 : vector<16xf32>
        %add3A_553 = arith.constant 6 : i32
        %add3A_554 = arith.addi %mul3A_310, %add3A_553 : i32
        %get3A_555 = arith.constant 0 : i32
        %get3A_556 = arith.index_cast %get3A_555 : i32 to index
        %get3A_557 = arith.index_cast %add3A_554 : i32 to index
        %get3A_558 = arith.constant 48 : index
        %get3A_559 = tpu.vector_load %arg7[%get3A_556, %get3A_557, %get3A_558] {strides = array<i32>} : memref<4x256x64xf32, #tpu.memory_space<vmem>>, vector<1x1x16xf32>,
        %get3A_560 = vector.shape_cast %get3A_559 : vector<1x1x16xf32> to vector<16xf32>
        %add3A_561 = arith.addf %add3A_489, %get3A_560 : vector<16xf32>
        %add3A_562 = arith.constant 7 : i32
        %add3A_563 = arith.addi %mul3A_310, %add3A_562 : i32
        %get3A_564 = arith.constant 0 : i32
        %get3A_565 = arith.index_cast %get3A_564 : i32 to index
        %get3A_566 = arith.index_cast %add3A_563 : i32 to index
        %get3A_567 = arith.constant 0 : index
        %get3A_568 = tpu.vector_load %arg7[%get3A_565, %get3A_566, %get3A_567] {strides = array<i32>} : memref<4x256x64xf32, #tpu.memory_space<vmem>>, vector<1x1x16xf32>,
        %get3A_569 = vector.shape_cast %get3A_568 : vector<1x1x16xf32> to vector<16xf32>
        %add3A_570 = arith.addf %add3A_498, %get3A_569 : vector<16xf32>
        %add3A_571 = arith.constant 7 : i32
        %add3A_572 = arith.addi %mul3A_310, %add3A_571 : i32
        %get3A_573 = arith.constant 0 : i32
        %get3A_574 = arith.index_cast %get3A_573 : i32 to index
        %get3A_575 = arith.index_cast %add3A_572 : i32 to index
        %get3A_576 = arith.constant 16 : index
        %get3A_577 = tpu.vector_load %arg7[%get3A_574, %get3A_575, %get3A_576] {strides = array<i32>} : memref<4x256x64xf32, #tpu.memory_space<vmem>>, vector<1x1x16xf32>,
        %get3A_578 = vector.shape_cast %get3A_577 : vector<1x1x16xf32> to vector<16xf32>
        %add3A_579 = arith.addf %add3A_507, %get3A_578 : vector<16xf32>
        %add3A_580 = arith.constant 7 : i32
        %add3A_581 = arith.addi %mul3A_310, %add3A_580 : i32
        %get3A_582 = arith.constant 0 : i32
        %get3A_583 = arith.index_cast %get3A_582 : i32 to index
        %get3A_584 = arith.index_cast %add3A_581 : i32 to index
        %get3A_585 = arith.constant 32 : index
        %get3A_586 = tpu.vector_load %arg7[%get3A_583, %get3A_584, %get3A_585] {strides = array<i32>} : memref<4x256x64xf32, #tpu.memory_space<vmem>>, vector<1x1x16xf32>,
        %get3A_587 = vector.shape_cast %get3A_586 : vector<1x1x16xf32> to vector<16xf32>
        %add3A_588 = arith.addf %add3A_516, %get3A_587 : vector<16xf32>
        %add3A_589 = arith.constant 7 : i32
        %add3A_590 = arith.addi %mul3A_310, %add3A_589 : i32
        %get3A_591 = arith.constant 0 : i32
        %get3A_592 = arith.index_cast %get3A_591 : i32 to index
        %get3A_593 = arith.index_cast %add3A_590 : i32 to index
        %get3A_594 = arith.constant 48 : index
        %get3A_595 = tpu.vector_load %arg7[%get3A_592, %get3A_593, %get3A_594] {strides = array<i32>} : memref<4x256x64xf32, #tpu.memory_space<vmem>>, vector<1x1x16xf32>,
        %get3A_596 = vector.shape_cast %get3A_595 : vector<1x1x16xf32> to vector<16xf32>
        %add3A_597 = arith.addf %add3A_525, %get3A_596 : vector<16xf32>
        scf.yield %add3A_534, %add3A_543, %add3A_552, %add3A_561, %add3A_570, %add3A_579, %add3A_588, %add3A_597 : vector<16xf32>, vector<16xf32>, vector<16xf32>, vector<16xf32>, vector<16xf32>, vector<16xf32>, vector<16xf32>, vector<16xf32>
      }
      %scan3A_208 = arith.constant 32 : i32
      %add3A_209 = arith.constant 4 : i32
      %add3A_210 = arith.addi %add3A_190, %add3A_209 : i32
      %lt3A = arith.constant 100 : i32
      %lt3A_211 = arith.cmpi slt, %add3A_210, %lt3A : i32
      %convert_element_type3A = arith.extui %lt3A_211 : i1 to i32
      %cond3A = arith.constant 0 : i32
      %cond3A_212 = arith.cmpi ne, %convert_element_type3A, %cond3A : i32
      scf.if %cond3A_212 {
        %mul3A_300 = arith.constant 256 : i32
        %mul3A_301 = arith.muli %add3A_210, %mul3A_300 : i32
        %dma_start3A_302 = arith.constant 1 : i32
        %dma_start3A_303 = arith.constant 0 : i32
        %dma_start3A_304 = arith.constant 0 : i32
        %dma_start3A_305 = arith.constant 0 : i32
        %dma_start3A_306 = tpu.memref_slice %arg7[%dma_start3A_303, %dma_start3A_304, %dma_start3A_305] : memref<4x256x64xf32, #tpu.memory_space<vmem>> -> memref<1x256x64xf32, #tpu.memory_space<vmem>>
        %dma_start3A_307 = tpu.memref_squeeze %dma_start3A_306 : memref<1x256x64xf32, #tpu.memory_space<vmem>> -> memref<256x64xf32, #tpu.memory_space<vmem>>
        %dma_start3A_308 = tpu.memref_slice %arg6[%dma_start3A_302, %mul3A_301] : memref<2x25600xi32, #tpu.memory_space<vmem>> -> memref<1x256xi32, #tpu.memory_space<vmem>>
        %dma_start3A_309 = tpu.memref_squeeze %dma_start3A_308 : memref<1x256xi32, #tpu.memory_space<vmem>> -> memref<256xi32, #tpu.memory_space<vmem>>
        %dma_start3A_310 = arith.constant 0 : i32
        %dma_start3A_311 = arith.constant 0 : i32
        %dma_start3A_312 = tpu.memref_slice %arg2[%dma_start3A_310, %dma_start3A_311] : memref<1000000x64xf32, #tpu.memory_space<hbm>> -> memref<1000000x64xf32, #tpu.memory_space<hbm>>
        tpu.enqueue_indirect_dma source(%dma_start3A_312 : memref<1000000x64xf32, #tpu.memory_space<hbm>>) target(%dma_start3A_307 : memref<256x64xf32, #tpu.memory_space<vmem>>) offsets(%dma_start3A_309 : memref<256xi32, #tpu.memory_space<vmem>>) semaphore(%arg10 : memref<!tpu.dma_semaphore, #tpu.memory_space<semaphore_mem>>)
      } else {
      }
      %mul3A_213 = arith.constant 4 : i32
      %mul3A_214 = arith.muli %scan3A_178, %mul3A_213 : i32
      %add3A_215 = arith.constant 1 : i32
      %add3A_216 = arith.addi %mul3A_214, %add3A_215 : i32
      %dma_wait3A_217 = arith.constant 1 : i32
      %dma_wait3A_218 = arith.constant 1 : i32
      %dma_wait3A_219 = arith.constant 0 : i32
      %dma_wait3A_220 = arith.constant 0 : i32
      %dma_wait3A_221 = tpu.memref_slice %arg7[%dma_wait3A_218, %dma_wait3A_219, %dma_wait3A_220] : memref<4x256x64xf32, #tpu.memory_space<vmem>> -> memref<1x256x64xf32, #tpu.memory_space<vmem>>
      %dma_wait3A_222 = tpu.memref_squeeze %dma_wait3A_221 : memref<1x256x64xf32, #tpu.memory_space<vmem>> -> memref<256x64xf32, #tpu.memory_space<vmem>>
      %dma_wait3A_223 = arith.constant 0 : i32
      %dma_wait3A_224 = tpu.memref_slice %arg6[%dma_wait3A_217, %dma_wait3A_223] : memref<2x25600xi32, #tpu.memory_space<vmem>> -> memref<1x256xi32, #tpu.memory_space<vmem>>
      %dma_wait3A_225 = tpu.memref_squeeze %dma_wait3A_224 : memref<1x256xi32, #tpu.memory_space<vmem>> -> memref<256xi32, #tpu.memory_space<vmem>>
      %dma_wait3A_226 = arith.constant 0 : i32
      %dma_wait3A_227 = arith.constant 0 : i32
      %dma_wait3A_228 = tpu.memref_slice %arg2[%dma_wait3A_226, %dma_wait3A_227] : memref<1000000x64xf32, #tpu.memory_space<hbm>> -> memref<1000000x64xf32, #tpu.memory_space<hbm>>
      tpu.wait_indirect_dma semaphore(%arg11 : memref<!tpu.dma_semaphore, #tpu.memory_space<semaphore_mem>>) src(%dma_wait3A_228 : memref<1000000x64xf32, #tpu.memory_space<hbm>>) dst(%dma_wait3A_222 : memref<256x64xf32, #tpu.memory_space<vmem>>)
      %scan3A_229 = arith.constant 0 : i32
      %scan3A_230 = arith.constant 32 : i32
      %scan3A_231 = arith.addi %scan3A_229, %scan3A_230 : i32
      %scan3A_232 = arith.constant 1 : i32
      %scan3A_233:8 = scf.for %scan3A_300 = %scan3A_229 to %scan3A_231 step %scan3A_232 iter_args(%scan3A_301 = %scan3A_207#0, %scan3A_302 = %scan3A_207#1, %scan3A_303 = %scan3A_207#2, %scan3A_304 = %scan3A_207#3, %scan3A_305 = %scan3A_207#4, %scan3A_306 = %scan3A_207#5, %scan3A_307 = %scan3A_207#6, %scan3A_308 = %scan3A_207#7) -> (vector<16xf32>, vector<16xf32>, vector<16xf32>, vector<16xf32>, vector<16xf32>, vector<16xf32>, vector<16xf32>, vector<16xf32>)  : i32 {
        %mul3A_309 = arith.constant 8 : i32
        %mul3A_310 = arith.muli %scan3A_300, %mul3A_309 : i32
        %add3A_311 = arith.constant 0 : i32
        %add3A_312 = arith.addi %mul3A_310, %add3A_311 : i32
        %get3A = arith.constant 1 : i32
        %get3A_313 = arith.index_cast %get3A : i32 to index
        %get3A_314 = arith.index_cast %add3A_312 : i32 to index
        %get3A_315 = arith.constant 0 : index
        %get3A_316 = tpu.vector_load %arg7[%get3A_313, %get3A_314, %get3A_315] {strides = array<i32>} : memref<4x256x64xf32, #tpu.memory_space<vmem>>, vector<1x1x16xf32>,
        %get3A_317 = vector.shape_cast %get3A_316 : vector<1x1x16xf32> to vector<16xf32>
        %add3A_318 = arith.addf %scan3A_301, %get3A_317 : vector<16xf32>
        %add3A_319 = arith.constant 0 : i32
        %add3A_320 = arith.addi %mul3A_310, %add3A_319 : i32
        %get3A_321 = arith.constant 1 : i32
        %get3A_322 = arith.index_cast %get3A_321 : i32 to index
        %get3A_323 = arith.index_cast %add3A_320 : i32 to index
        %get3A_324 = arith.constant 16 : index
        %get3A_325 = tpu.vector_load %arg7[%get3A_322, %get3A_323, %get3A_324] {strides = array<i32>} : memref<4x256x64xf32, #tpu.memory_space<vmem>>, vector<1x1x16xf32>,
        %get3A_326 = vector.shape_cast %get3A_325 : vector<1x1x16xf32> to vector<16xf32>
        %add3A_327 = arith.addf %scan3A_302, %get3A_326 : vector<16xf32>
        %add3A_328 = arith.constant 0 : i32
        %add3A_329 = arith.addi %mul3A_310, %add3A_328 : i32
        %get3A_330 = arith.constant 1 : i32
        %get3A_331 = arith.index_cast %get3A_330 : i32 to index
        %get3A_332 = arith.index_cast %add3A_329 : i32 to index
        %get3A_333 = arith.constant 32 : index
        %get3A_334 = tpu.vector_load %arg7[%get3A_331, %get3A_332, %get3A_333] {strides = array<i32>} : memref<4x256x64xf32, #tpu.memory_space<vmem>>, vector<1x1x16xf32>,
        %get3A_335 = vector.shape_cast %get3A_334 : vector<1x1x16xf32> to vector<16xf32>
        %add3A_336 = arith.addf %scan3A_303, %get3A_335 : vector<16xf32>
        %add3A_337 = arith.constant 0 : i32
        %add3A_338 = arith.addi %mul3A_310, %add3A_337 : i32
        %get3A_339 = arith.constant 1 : i32
        %get3A_340 = arith.index_cast %get3A_339 : i32 to index
        %get3A_341 = arith.index_cast %add3A_338 : i32 to index
        %get3A_342 = arith.constant 48 : index
        %get3A_343 = tpu.vector_load %arg7[%get3A_340, %get3A_341, %get3A_342] {strides = array<i32>} : memref<4x256x64xf32, #tpu.memory_space<vmem>>, vector<1x1x16xf32>,
        %get3A_344 = vector.shape_cast %get3A_343 : vector<1x1x16xf32> to vector<16xf32>
        %add3A_345 = arith.addf %scan3A_304, %get3A_344 : vector<16xf32>
        %add3A_346 = arith.constant 1 : i32
        %add3A_347 = arith.addi %mul3A_310, %add3A_346 : i32
        %get3A_348 = arith.constant 1 : i32
        %get3A_349 = arith.index_cast %get3A_348 : i32 to index
        %get3A_350 = arith.index_cast %add3A_347 : i32 to index
        %get3A_351 = arith.constant 0 : index
        %get3A_352 = tpu.vector_load %arg7[%get3A_349, %get3A_350, %get3A_351] {strides = array<i32>} : memref<4x256x64xf32, #tpu.memory_space<vmem>>, vector<1x1x16xf32>,
        %get3A_353 = vector.shape_cast %get3A_352 : vector<1x1x16xf32> to vector<16xf32>
        %add3A_354 = arith.addf %scan3A_305, %get3A_353 : vector<16xf32>
        %add3A_355 = arith.constant 1 : i32
        %add3A_356 = arith.addi %mul3A_310, %add3A_355 : i32
        %get3A_357 = arith.constant 1 : i32
        %get3A_358 = arith.index_cast %get3A_357 : i32 to index
        %get3A_359 = arith.index_cast %add3A_356 : i32 to index
        %get3A_360 = arith.constant 16 : index
        %get3A_361 = tpu.vector_load %arg7[%get3A_358, %get3A_359, %get3A_360] {strides = array<i32>} : memref<4x256x64xf32, #tpu.memory_space<vmem>>, vector<1x1x16xf32>,
        %get3A_362 = vector.shape_cast %get3A_361 : vector<1x1x16xf32> to vector<16xf32>
        %add3A_363 = arith.addf %scan3A_306, %get3A_362 : vector<16xf32>
        %add3A_364 = arith.constant 1 : i32
        %add3A_365 = arith.addi %mul3A_310, %add3A_364 : i32
        %get3A_366 = arith.constant 1 : i32
        %get3A_367 = arith.index_cast %get3A_366 : i32 to index
        %get3A_368 = arith.index_cast %add3A_365 : i32 to index
        %get3A_369 = arith.constant 32 : index
        %get3A_370 = tpu.vector_load %arg7[%get3A_367, %get3A_368, %get3A_369] {strides = array<i32>} : memref<4x256x64xf32, #tpu.memory_space<vmem>>, vector<1x1x16xf32>,
        %get3A_371 = vector.shape_cast %get3A_370 : vector<1x1x16xf32> to vector<16xf32>
        %add3A_372 = arith.addf %scan3A_307, %get3A_371 : vector<16xf32>
        %add3A_373 = arith.constant 1 : i32
        %add3A_374 = arith.addi %mul3A_310, %add3A_373 : i32
        %get3A_375 = arith.constant 1 : i32
        %get3A_376 = arith.index_cast %get3A_375 : i32 to index
        %get3A_377 = arith.index_cast %add3A_374 : i32 to index
        %get3A_378 = arith.constant 48 : index
        %get3A_379 = tpu.vector_load %arg7[%get3A_376, %get3A_377, %get3A_378] {strides = array<i32>} : memref<4x256x64xf32, #tpu.memory_space<vmem>>, vector<1x1x16xf32>,
        %get3A_380 = vector.shape_cast %get3A_379 : vector<1x1x16xf32> to vector<16xf32>
        %add3A_381 = arith.addf %scan3A_308, %get3A_380 : vector<16xf32>
        %add3A_382 = arith.constant 2 : i32
        %add3A_383 = arith.addi %mul3A_310, %add3A_382 : i32
        %get3A_384 = arith.constant 1 : i32
        %get3A_385 = arith.index_cast %get3A_384 : i32 to index
        %get3A_386 = arith.index_cast %add3A_383 : i32 to index
        %get3A_387 = arith.constant 0 : index
        %get3A_388 = tpu.vector_load %arg7[%get3A_385, %get3A_386, %get3A_387] {strides = array<i32>} : memref<4x256x64xf32, #tpu.memory_space<vmem>>, vector<1x1x16xf32>,
        %get3A_389 = vector.shape_cast %get3A_388 : vector<1x1x16xf32> to vector<16xf32>
        %add3A_390 = arith.addf %add3A_318, %get3A_389 : vector<16xf32>
        %add3A_391 = arith.constant 2 : i32
        %add3A_392 = arith.addi %mul3A_310, %add3A_391 : i32
        %get3A_393 = arith.constant 1 : i32
        %get3A_394 = arith.index_cast %get3A_393 : i32 to index
        %get3A_395 = arith.index_cast %add3A_392 : i32 to index
        %get3A_396 = arith.constant 16 : index
        %get3A_397 = tpu.vector_load %arg7[%get3A_394, %get3A_395, %get3A_396] {strides = array<i32>} : memref<4x256x64xf32, #tpu.memory_space<vmem>>, vector<1x1x16xf32>,
        %get3A_398 = vector.shape_cast %get3A_397 : vector<1x1x16xf32> to vector<16xf32>
        %add3A_399 = arith.addf %add3A_327, %get3A_398 : vector<16xf32>
        %add3A_400 = arith.constant 2 : i32
        %add3A_401 = arith.addi %mul3A_310, %add3A_400 : i32
        %get3A_402 = arith.constant 1 : i32
        %get3A_403 = arith.index_cast %get3A_402 : i32 to index
        %get3A_404 = arith.index_cast %add3A_401 : i32 to index
        %get3A_405 = arith.constant 32 : index
        %get3A_406 = tpu.vector_load %arg7[%get3A_403, %get3A_404, %get3A_405] {strides = array<i32>} : memref<4x256x64xf32, #tpu.memory_space<vmem>>, vector<1x1x16xf32>,
        %get3A_407 = vector.shape_cast %get3A_406 : vector<1x1x16xf32> to vector<16xf32>
        %add3A_408 = arith.addf %add3A_336, %get3A_407 : vector<16xf32>
        %add3A_409 = arith.constant 2 : i32
        %add3A_410 = arith.addi %mul3A_310, %add3A_409 : i32
        %get3A_411 = arith.constant 1 : i32
        %get3A_412 = arith.index_cast %get3A_411 : i32 to index
        %get3A_413 = arith.index_cast %add3A_410 : i32 to index
        %get3A_414 = arith.constant 48 : index
        %get3A_415 = tpu.vector_load %arg7[%get3A_412, %get3A_413, %get3A_414] {strides = array<i32>} : memref<4x256x64xf32, #tpu.memory_space<vmem>>, vector<1x1x16xf32>,
        %get3A_416 = vector.shape_cast %get3A_415 : vector<1x1x16xf32> to vector<16xf32>
        %add3A_417 = arith.addf %add3A_345, %get3A_416 : vector<16xf32>
        %add3A_418 = arith.constant 3 : i32
        %add3A_419 = arith.addi %mul3A_310, %add3A_418 : i32
        %get3A_420 = arith.constant 1 : i32
        %get3A_421 = arith.index_cast %get3A_420 : i32 to index
        %get3A_422 = arith.index_cast %add3A_419 : i32 to index
        %get3A_423 = arith.constant 0 : index
        %get3A_424 = tpu.vector_load %arg7[%get3A_421, %get3A_422, %get3A_423] {strides = array<i32>} : memref<4x256x64xf32, #tpu.memory_space<vmem>>, vector<1x1x16xf32>,
        %get3A_425 = vector.shape_cast %get3A_424 : vector<1x1x16xf32> to vector<16xf32>
        %add3A_426 = arith.addf %add3A_354, %get3A_425 : vector<16xf32>
        %add3A_427 = arith.constant 3 : i32
        %add3A_428 = arith.addi %mul3A_310, %add3A_427 : i32
        %get3A_429 = arith.constant 1 : i32
        %get3A_430 = arith.index_cast %get3A_429 : i32 to index
        %get3A_431 = arith.index_cast %add3A_428 : i32 to index
        %get3A_432 = arith.constant 16 : index
        %get3A_433 = tpu.vector_load %arg7[%get3A_430, %get3A_431, %get3A_432] {strides = array<i32>} : memref<4x256x64xf32, #tpu.memory_space<vmem>>, vector<1x1x16xf32>,
        %get3A_434 = vector.shape_cast %get3A_433 : vector<1x1x16xf32> to vector<16xf32>
        %add3A_435 = arith.addf %add3A_363, %get3A_434 : vector<16xf32>
        %add3A_436 = arith.constant 3 : i32
        %add3A_437 = arith.addi %mul3A_310, %add3A_436 : i32
        %get3A_438 = arith.constant 1 : i32
        %get3A_439 = arith.index_cast %get3A_438 : i32 to index
        %get3A_440 = arith.index_cast %add3A_437 : i32 to index
        %get3A_441 = arith.constant 32 : index
        %get3A_442 = tpu.vector_load %arg7[%get3A_439, %get3A_440, %get3A_441] {strides = array<i32>} : memref<4x256x64xf32, #tpu.memory_space<vmem>>, vector<1x1x16xf32>,
        %get3A_443 = vector.shape_cast %get3A_442 : vector<1x1x16xf32> to vector<16xf32>
        %add3A_444 = arith.addf %add3A_372, %get3A_443 : vector<16xf32>
        %add3A_445 = arith.constant 3 : i32
        %add3A_446 = arith.addi %mul3A_310, %add3A_445 : i32
        %get3A_447 = arith.constant 1 : i32
        %get3A_448 = arith.index_cast %get3A_447 : i32 to index
        %get3A_449 = arith.index_cast %add3A_446 : i32 to index
        %get3A_450 = arith.constant 48 : index
        %get3A_451 = tpu.vector_load %arg7[%get3A_448, %get3A_449, %get3A_450] {strides = array<i32>} : memref<4x256x64xf32, #tpu.memory_space<vmem>>, vector<1x1x16xf32>,
        %get3A_452 = vector.shape_cast %get3A_451 : vector<1x1x16xf32> to vector<16xf32>
        %add3A_453 = arith.addf %add3A_381, %get3A_452 : vector<16xf32>
        %add3A_454 = arith.constant 4 : i32
        %add3A_455 = arith.addi %mul3A_310, %add3A_454 : i32
        %get3A_456 = arith.constant 1 : i32
        %get3A_457 = arith.index_cast %get3A_456 : i32 to index
        %get3A_458 = arith.index_cast %add3A_455 : i32 to index
        %get3A_459 = arith.constant 0 : index
        %get3A_460 = tpu.vector_load %arg7[%get3A_457, %get3A_458, %get3A_459] {strides = array<i32>} : memref<4x256x64xf32, #tpu.memory_space<vmem>>, vector<1x1x16xf32>,
        %get3A_461 = vector.shape_cast %get3A_460 : vector<1x1x16xf32> to vector<16xf32>
        %add3A_462 = arith.addf %add3A_390, %get3A_461 : vector<16xf32>
        %add3A_463 = arith.constant 4 : i32
        %add3A_464 = arith.addi %mul3A_310, %add3A_463 : i32
        %get3A_465 = arith.constant 1 : i32
        %get3A_466 = arith.index_cast %get3A_465 : i32 to index
        %get3A_467 = arith.index_cast %add3A_464 : i32 to index
        %get3A_468 = arith.constant 16 : index
        %get3A_469 = tpu.vector_load %arg7[%get3A_466, %get3A_467, %get3A_468] {strides = array<i32>} : memref<4x256x64xf32, #tpu.memory_space<vmem>>, vector<1x1x16xf32>,
        %get3A_470 = vector.shape_cast %get3A_469 : vector<1x1x16xf32> to vector<16xf32>
        %add3A_471 = arith.addf %add3A_399, %get3A_470 : vector<16xf32>
        %add3A_472 = arith.constant 4 : i32
        %add3A_473 = arith.addi %mul3A_310, %add3A_472 : i32
        %get3A_474 = arith.constant 1 : i32
        %get3A_475 = arith.index_cast %get3A_474 : i32 to index
        %get3A_476 = arith.index_cast %add3A_473 : i32 to index
        %get3A_477 = arith.constant 32 : index
        %get3A_478 = tpu.vector_load %arg7[%get3A_475, %get3A_476, %get3A_477] {strides = array<i32>} : memref<4x256x64xf32, #tpu.memory_space<vmem>>, vector<1x1x16xf32>,
        %get3A_479 = vector.shape_cast %get3A_478 : vector<1x1x16xf32> to vector<16xf32>
        %add3A_480 = arith.addf %add3A_408, %get3A_479 : vector<16xf32>
        %add3A_481 = arith.constant 4 : i32
        %add3A_482 = arith.addi %mul3A_310, %add3A_481 : i32
        %get3A_483 = arith.constant 1 : i32
        %get3A_484 = arith.index_cast %get3A_483 : i32 to index
        %get3A_485 = arith.index_cast %add3A_482 : i32 to index
        %get3A_486 = arith.constant 48 : index
        %get3A_487 = tpu.vector_load %arg7[%get3A_484, %get3A_485, %get3A_486] {strides = array<i32>} : memref<4x256x64xf32, #tpu.memory_space<vmem>>, vector<1x1x16xf32>,
        %get3A_488 = vector.shape_cast %get3A_487 : vector<1x1x16xf32> to vector<16xf32>
        %add3A_489 = arith.addf %add3A_417, %get3A_488 : vector<16xf32>
        %add3A_490 = arith.constant 5 : i32
        %add3A_491 = arith.addi %mul3A_310, %add3A_490 : i32
        %get3A_492 = arith.constant 1 : i32
        %get3A_493 = arith.index_cast %get3A_492 : i32 to index
        %get3A_494 = arith.index_cast %add3A_491 : i32 to index
        %get3A_495 = arith.constant 0 : index
        %get3A_496 = tpu.vector_load %arg7[%get3A_493, %get3A_494, %get3A_495] {strides = array<i32>} : memref<4x256x64xf32, #tpu.memory_space<vmem>>, vector<1x1x16xf32>,
        %get3A_497 = vector.shape_cast %get3A_496 : vector<1x1x16xf32> to vector<16xf32>
        %add3A_498 = arith.addf %add3A_426, %get3A_497 : vector<16xf32>
        %add3A_499 = arith.constant 5 : i32
        %add3A_500 = arith.addi %mul3A_310, %add3A_499 : i32
        %get3A_501 = arith.constant 1 : i32
        %get3A_502 = arith.index_cast %get3A_501 : i32 to index
        %get3A_503 = arith.index_cast %add3A_500 : i32 to index
        %get3A_504 = arith.constant 16 : index
        %get3A_505 = tpu.vector_load %arg7[%get3A_502, %get3A_503, %get3A_504] {strides = array<i32>} : memref<4x256x64xf32, #tpu.memory_space<vmem>>, vector<1x1x16xf32>,
        %get3A_506 = vector.shape_cast %get3A_505 : vector<1x1x16xf32> to vector<16xf32>
        %add3A_507 = arith.addf %add3A_435, %get3A_506 : vector<16xf32>
        %add3A_508 = arith.constant 5 : i32
        %add3A_509 = arith.addi %mul3A_310, %add3A_508 : i32
        %get3A_510 = arith.constant 1 : i32
        %get3A_511 = arith.index_cast %get3A_510 : i32 to index
        %get3A_512 = arith.index_cast %add3A_509 : i32 to index
        %get3A_513 = arith.constant 32 : index
        %get3A_514 = tpu.vector_load %arg7[%get3A_511, %get3A_512, %get3A_513] {strides = array<i32>} : memref<4x256x64xf32, #tpu.memory_space<vmem>>, vector<1x1x16xf32>,
        %get3A_515 = vector.shape_cast %get3A_514 : vector<1x1x16xf32> to vector<16xf32>
        %add3A_516 = arith.addf %add3A_444, %get3A_515 : vector<16xf32>
        %add3A_517 = arith.constant 5 : i32
        %add3A_518 = arith.addi %mul3A_310, %add3A_517 : i32
        %get3A_519 = arith.constant 1 : i32
        %get3A_520 = arith.index_cast %get3A_519 : i32 to index
        %get3A_521 = arith.index_cast %add3A_518 : i32 to index
        %get3A_522 = arith.constant 48 : index
        %get3A_523 = tpu.vector_load %arg7[%get3A_520, %get3A_521, %get3A_522] {strides = array<i32>} : memref<4x256x64xf32, #tpu.memory_space<vmem>>, vector<1x1x16xf32>,
        %get3A_524 = vector.shape_cast %get3A_523 : vector<1x1x16xf32> to vector<16xf32>
        %add3A_525 = arith.addf %add3A_453, %get3A_524 : vector<16xf32>
        %add3A_526 = arith.constant 6 : i32
        %add3A_527 = arith.addi %mul3A_310, %add3A_526 : i32
        %get3A_528 = arith.constant 1 : i32
        %get3A_529 = arith.index_cast %get3A_528 : i32 to index
        %get3A_530 = arith.index_cast %add3A_527 : i32 to index
        %get3A_531 = arith.constant 0 : index
        %get3A_532 = tpu.vector_load %arg7[%get3A_529, %get3A_530, %get3A_531] {strides = array<i32>} : memref<4x256x64xf32, #tpu.memory_space<vmem>>, vector<1x1x16xf32>,
        %get3A_533 = vector.shape_cast %get3A_532 : vector<1x1x16xf32> to vector<16xf32>
        %add3A_534 = arith.addf %add3A_462, %get3A_533 : vector<16xf32>
        %add3A_535 = arith.constant 6 : i32
        %add3A_536 = arith.addi %mul3A_310, %add3A_535 : i32
        %get3A_537 = arith.constant 1 : i32
        %get3A_538 = arith.index_cast %get3A_537 : i32 to index
        %get3A_539 = arith.index_cast %add3A_536 : i32 to index
        %get3A_540 = arith.constant 16 : index
        %get3A_541 = tpu.vector_load %arg7[%get3A_538, %get3A_539, %get3A_540] {strides = array<i32>} : memref<4x256x64xf32, #tpu.memory_space<vmem>>, vector<1x1x16xf32>,
        %get3A_542 = vector.shape_cast %get3A_541 : vector<1x1x16xf32> to vector<16xf32>
        %add3A_543 = arith.addf %add3A_471, %get3A_542 : vector<16xf32>
        %add3A_544 = arith.constant 6 : i32
        %add3A_545 = arith.addi %mul3A_310, %add3A_544 : i32
        %get3A_546 = arith.constant 1 : i32
        %get3A_547 = arith.index_cast %get3A_546 : i32 to index
        %get3A_548 = arith.index_cast %add3A_545 : i32 to index
        %get3A_549 = arith.constant 32 : index
        %get3A_550 = tpu.vector_load %arg7[%get3A_547, %get3A_548, %get3A_549] {strides = array<i32>} : memref<4x256x64xf32, #tpu.memory_space<vmem>>, vector<1x1x16xf32>,
        %get3A_551 = vector.shape_cast %get3A_550 : vector<1x1x16xf32> to vector<16xf32>
        %add3A_552 = arith.addf %add3A_480, %get3A_551 : vector<16xf32>
        %add3A_553 = arith.constant 6 : i32
        %add3A_554 = arith.addi %mul3A_310, %add3A_553 : i32
        %get3A_555 = arith.constant 1 : i32
        %get3A_556 = arith.index_cast %get3A_555 : i32 to index
        %get3A_557 = arith.index_cast %add3A_554 : i32 to index
        %get3A_558 = arith.constant 48 : index
        %get3A_559 = tpu.vector_load %arg7[%get3A_556, %get3A_557, %get3A_558] {strides = array<i32>} : memref<4x256x64xf32, #tpu.memory_space<vmem>>, vector<1x1x16xf32>,
        %get3A_560 = vector.shape_cast %get3A_559 : vector<1x1x16xf32> to vector<16xf32>
        %add3A_561 = arith.addf %add3A_489, %get3A_560 : vector<16xf32>
        %add3A_562 = arith.constant 7 : i32
        %add3A_563 = arith.addi %mul3A_310, %add3A_562 : i32
        %get3A_564 = arith.constant 1 : i32
        %get3A_565 = arith.index_cast %get3A_564 : i32 to index
        %get3A_566 = arith.index_cast %add3A_563 : i32 to index
        %get3A_567 = arith.constant 0 : index
        %get3A_568 = tpu.vector_load %arg7[%get3A_565, %get3A_566, %get3A_567] {strides = array<i32>} : memref<4x256x64xf32, #tpu.memory_space<vmem>>, vector<1x1x16xf32>,
        %get3A_569 = vector.shape_cast %get3A_568 : vector<1x1x16xf32> to vector<16xf32>
        %add3A_570 = arith.addf %add3A_498, %get3A_569 : vector<16xf32>
        %add3A_571 = arith.constant 7 : i32
        %add3A_572 = arith.addi %mul3A_310, %add3A_571 : i32
        %get3A_573 = arith.constant 1 : i32
        %get3A_574 = arith.index_cast %get3A_573 : i32 to index
        %get3A_575 = arith.index_cast %add3A_572 : i32 to index
        %get3A_576 = arith.constant 16 : index
        %get3A_577 = tpu.vector_load %arg7[%get3A_574, %get3A_575, %get3A_576] {strides = array<i32>} : memref<4x256x64xf32, #tpu.memory_space<vmem>>, vector<1x1x16xf32>,
        %get3A_578 = vector.shape_cast %get3A_577 : vector<1x1x16xf32> to vector<16xf32>
        %add3A_579 = arith.addf %add3A_507, %get3A_578 : vector<16xf32>
        %add3A_580 = arith.constant 7 : i32
        %add3A_581 = arith.addi %mul3A_310, %add3A_580 : i32
        %get3A_582 = arith.constant 1 : i32
        %get3A_583 = arith.index_cast %get3A_582 : i32 to index
        %get3A_584 = arith.index_cast %add3A_581 : i32 to index
        %get3A_585 = arith.constant 32 : index
        %get3A_586 = tpu.vector_load %arg7[%get3A_583, %get3A_584, %get3A_585] {strides = array<i32>} : memref<4x256x64xf32, #tpu.memory_space<vmem>>, vector<1x1x16xf32>,
        %get3A_587 = vector.shape_cast %get3A_586 : vector<1x1x16xf32> to vector<16xf32>
        %add3A_588 = arith.addf %add3A_516, %get3A_587 : vector<16xf32>
        %add3A_589 = arith.constant 7 : i32
        %add3A_590 = arith.addi %mul3A_310, %add3A_589 : i32
        %get3A_591 = arith.constant 1 : i32
        %get3A_592 = arith.index_cast %get3A_591 : i32 to index
        %get3A_593 = arith.index_cast %add3A_590 : i32 to index
        %get3A_594 = arith.constant 48 : index
        %get3A_595 = tpu.vector_load %arg7[%get3A_592, %get3A_593, %get3A_594] {strides = array<i32>} : memref<4x256x64xf32, #tpu.memory_space<vmem>>, vector<1x1x16xf32>,
        %get3A_596 = vector.shape_cast %get3A_595 : vector<1x1x16xf32> to vector<16xf32>
        %add3A_597 = arith.addf %add3A_525, %get3A_596 : vector<16xf32>
        scf.yield %add3A_534, %add3A_543, %add3A_552, %add3A_561, %add3A_570, %add3A_579, %add3A_588, %add3A_597 : vector<16xf32>, vector<16xf32>, vector<16xf32>, vector<16xf32>, vector<16xf32>, vector<16xf32>, vector<16xf32>, vector<16xf32>
      }
      %scan3A_234 = arith.constant 32 : i32
      %add3A_235 = arith.constant 4 : i32
      %add3A_236 = arith.addi %add3A_216, %add3A_235 : i32
      %lt3A_237 = arith.constant 100 : i32
      %lt3A_238 = arith.cmpi slt, %add3A_236, %lt3A_237 : i32
      %convert_element_type3A_239 = arith.extui %lt3A_238 : i1 to i32
      %cond3A_240 = arith.constant 0 : i32
      %cond3A_241 = arith.cmpi ne, %convert_element_type3A_239, %cond3A_240 : i32
      scf.if %cond3A_241 {
        %mul3A_300 = arith.constant 256 : i32
        %mul3A_301 = arith.muli %add3A_236, %mul3A_300 : i32
        %dma_start3A_302 = arith.constant 1 : i32
        %dma_start3A_303 = arith.constant 1 : i32
        %dma_start3A_304 = arith.constant 0 : i32
        %dma_start3A_305 = arith.constant 0 : i32
        %dma_start3A_306 = tpu.memref_slice %arg7[%dma_start3A_303, %dma_start3A_304, %dma_start3A_305] : memref<4x256x64xf32, #tpu.memory_space<vmem>> -> memref<1x256x64xf32, #tpu.memory_space<vmem>>
        %dma_start3A_307 = tpu.memref_squeeze %dma_start3A_306 : memref<1x256x64xf32, #tpu.memory_space<vmem>> -> memref<256x64xf32, #tpu.memory_space<vmem>>
        %dma_start3A_308 = tpu.memref_slice %arg6[%dma_start3A_302, %mul3A_301] : memref<2x25600xi32, #tpu.memory_space<vmem>> -> memref<1x256xi32, #tpu.memory_space<vmem>>
        %dma_start3A_309 = tpu.memref_squeeze %dma_start3A_308 : memref<1x256xi32, #tpu.memory_space<vmem>> -> memref<256xi32, #tpu.memory_space<vmem>>
        %dma_start3A_310 = arith.constant 0 : i32
        %dma_start3A_311 = arith.constant 0 : i32
        %dma_start3A_312 = tpu.memref_slice %arg2[%dma_start3A_310, %dma_start3A_311] : memref<1000000x64xf32, #tpu.memory_space<hbm>> -> memref<1000000x64xf32, #tpu.memory_space<hbm>>
        tpu.enqueue_indirect_dma source(%dma_start3A_312 : memref<1000000x64xf32, #tpu.memory_space<hbm>>) target(%dma_start3A_307 : memref<256x64xf32, #tpu.memory_space<vmem>>) offsets(%dma_start3A_309 : memref<256xi32, #tpu.memory_space<vmem>>) semaphore(%arg11 : memref<!tpu.dma_semaphore, #tpu.memory_space<semaphore_mem>>)
      } else {
      }
      %mul3A_242 = arith.constant 4 : i32
      %mul3A_243 = arith.muli %scan3A_178, %mul3A_242 : i32
      %add3A_244 = arith.constant 2 : i32
      %add3A_245 = arith.addi %mul3A_243, %add3A_244 : i32
      %dma_wait3A_246 = arith.constant 1 : i32
      %dma_wait3A_247 = arith.constant 2 : i32
      %dma_wait3A_248 = arith.constant 0 : i32
      %dma_wait3A_249 = arith.constant 0 : i32
      %dma_wait3A_250 = tpu.memref_slice %arg7[%dma_wait3A_247, %dma_wait3A_248, %dma_wait3A_249] : memref<4x256x64xf32, #tpu.memory_space<vmem>> -> memref<1x256x64xf32, #tpu.memory_space<vmem>>
      %dma_wait3A_251 = tpu.memref_squeeze %dma_wait3A_250 : memref<1x256x64xf32, #tpu.memory_space<vmem>> -> memref<256x64xf32, #tpu.memory_space<vmem>>
      %dma_wait3A_252 = arith.constant 0 : i32
      %dma_wait3A_253 = tpu.memref_slice %arg6[%dma_wait3A_246, %dma_wait3A_252] : memref<2x25600xi32, #tpu.memory_space<vmem>> -> memref<1x256xi32, #tpu.memory_space<vmem>>
      %dma_wait3A_254 = tpu.memref_squeeze %dma_wait3A_253 : memref<1x256xi32, #tpu.memory_space<vmem>> -> memref<256xi32, #tpu.memory_space<vmem>>
      %dma_wait3A_255 = arith.constant 0 : i32
      %dma_wait3A_256 = arith.constant 0 : i32
      %dma_wait3A_257 = tpu.memref_slice %arg2[%dma_wait3A_255, %dma_wait3A_256] : memref<1000000x64xf32, #tpu.memory_space<hbm>> -> memref<1000000x64xf32, #tpu.memory_space<hbm>>
      tpu.wait_indirect_dma semaphore(%arg12 : memref<!tpu.dma_semaphore, #tpu.memory_space<semaphore_mem>>) src(%dma_wait3A_257 : memref<1000000x64xf32, #tpu.memory_space<hbm>>) dst(%dma_wait3A_251 : memref<256x64xf32, #tpu.memory_space<vmem>>)
      %scan3A_258 = arith.constant 0 : i32
      %scan3A_259 = arith.constant 32 : i32
      %scan3A_260 = arith.addi %scan3A_258, %scan3A_259 : i32
      %scan3A_261 = arith.constant 1 : i32
      %scan3A_262:8 = scf.for %scan3A_300 = %scan3A_258 to %scan3A_260 step %scan3A_261 iter_args(%scan3A_301 = %scan3A_233#0, %scan3A_302 = %scan3A_233#1, %scan3A_303 = %scan3A_233#2, %scan3A_304 = %scan3A_233#3, %scan3A_305 = %scan3A_233#4, %scan3A_306 = %scan3A_233#5, %scan3A_307 = %scan3A_233#6, %scan3A_308 = %scan3A_233#7) -> (vector<16xf32>, vector<16xf32>, vector<16xf32>, vector<16xf32>, vector<16xf32>, vector<16xf32>, vector<16xf32>, vector<16xf32>)  : i32 {
        %mul3A_309 = arith.constant 8 : i32
        %mul3A_310 = arith.muli %scan3A_300, %mul3A_309 : i32
        %add3A_311 = arith.constant 0 : i32
        %add3A_312 = arith.addi %mul3A_310, %add3A_311 : i32
        %get3A = arith.constant 2 : i32
        %get3A_313 = arith.index_cast %get3A : i32 to index
        %get3A_314 = arith.index_cast %add3A_312 : i32 to index
        %get3A_315 = arith.constant 0 : index
        %get3A_316 = tpu.vector_load %arg7[%get3A_313, %get3A_314, %get3A_315] {strides = array<i32>} : memref<4x256x64xf32, #tpu.memory_space<vmem>>, vector<1x1x16xf32>,
        %get3A_317 = vector.shape_cast %get3A_316 : vector<1x1x16xf32> to vector<16xf32>
        %add3A_318 = arith.addf %scan3A_301, %get3A_317 : vector<16xf32>
        %add3A_319 = arith.constant 0 : i32
        %add3A_320 = arith.addi %mul3A_310, %add3A_319 : i32
        %get3A_321 = arith.constant 2 : i32
        %get3A_322 = arith.index_cast %get3A_321 : i32 to index
        %get3A_323 = arith.index_cast %add3A_320 : i32 to index
        %get3A_324 = arith.constant 16 : index
        %get3A_325 = tpu.vector_load %arg7[%get3A_322, %get3A_323, %get3A_324] {strides = array<i32>} : memref<4x256x64xf32, #tpu.memory_space<vmem>>, vector<1x1x16xf32>,
        %get3A_326 = vector.shape_cast %get3A_325 : vector<1x1x16xf32> to vector<16xf32>
        %add3A_327 = arith.addf %scan3A_302, %get3A_326 : vector<16xf32>
        %add3A_328 = arith.constant 0 : i32
        %add3A_329 = arith.addi %mul3A_310, %add3A_328 : i32
        %get3A_330 = arith.constant 2 : i32
        %get3A_331 = arith.index_cast %get3A_330 : i32 to index
        %get3A_332 = arith.index_cast %add3A_329 : i32 to index
        %get3A_333 = arith.constant 32 : index
        %get3A_334 = tpu.vector_load %arg7[%get3A_331, %get3A_332, %get3A_333] {strides = array<i32>} : memref<4x256x64xf32, #tpu.memory_space<vmem>>, vector<1x1x16xf32>,
        %get3A_335 = vector.shape_cast %get3A_334 : vector<1x1x16xf32> to vector<16xf32>
        %add3A_336 = arith.addf %scan3A_303, %get3A_335 : vector<16xf32>
        %add3A_337 = arith.constant 0 : i32
        %add3A_338 = arith.addi %mul3A_310, %add3A_337 : i32
        %get3A_339 = arith.constant 2 : i32
        %get3A_340 = arith.index_cast %get3A_339 : i32 to index
        %get3A_341 = arith.index_cast %add3A_338 : i32 to index
        %get3A_342 = arith.constant 48 : index
        %get3A_343 = tpu.vector_load %arg7[%get3A_340, %get3A_341, %get3A_342] {strides = array<i32>} : memref<4x256x64xf32, #tpu.memory_space<vmem>>, vector<1x1x16xf32>,
        %get3A_344 = vector.shape_cast %get3A_343 : vector<1x1x16xf32> to vector<16xf32>
        %add3A_345 = arith.addf %scan3A_304, %get3A_344 : vector<16xf32>
        %add3A_346 = arith.constant 1 : i32
        %add3A_347 = arith.addi %mul3A_310, %add3A_346 : i32
        %get3A_348 = arith.constant 2 : i32
        %get3A_349 = arith.index_cast %get3A_348 : i32 to index
        %get3A_350 = arith.index_cast %add3A_347 : i32 to index
        %get3A_351 = arith.constant 0 : index
        %get3A_352 = tpu.vector_load %arg7[%get3A_349, %get3A_350, %get3A_351] {strides = array<i32>} : memref<4x256x64xf32, #tpu.memory_space<vmem>>, vector<1x1x16xf32>,
        %get3A_353 = vector.shape_cast %get3A_352 : vector<1x1x16xf32> to vector<16xf32>
        %add3A_354 = arith.addf %scan3A_305, %get3A_353 : vector<16xf32>
        %add3A_355 = arith.constant 1 : i32
        %add3A_356 = arith.addi %mul3A_310, %add3A_355 : i32
        %get3A_357 = arith.constant 2 : i32
        %get3A_358 = arith.index_cast %get3A_357 : i32 to index
        %get3A_359 = arith.index_cast %add3A_356 : i32 to index
        %get3A_360 = arith.constant 16 : index
        %get3A_361 = tpu.vector_load %arg7[%get3A_358, %get3A_359, %get3A_360] {strides = array<i32>} : memref<4x256x64xf32, #tpu.memory_space<vmem>>, vector<1x1x16xf32>,
        %get3A_362 = vector.shape_cast %get3A_361 : vector<1x1x16xf32> to vector<16xf32>
        %add3A_363 = arith.addf %scan3A_306, %get3A_362 : vector<16xf32>
        %add3A_364 = arith.constant 1 : i32
        %add3A_365 = arith.addi %mul3A_310, %add3A_364 : i32
        %get3A_366 = arith.constant 2 : i32
        %get3A_367 = arith.index_cast %get3A_366 : i32 to index
        %get3A_368 = arith.index_cast %add3A_365 : i32 to index
        %get3A_369 = arith.constant 32 : index
        %get3A_370 = tpu.vector_load %arg7[%get3A_367, %get3A_368, %get3A_369] {strides = array<i32>} : memref<4x256x64xf32, #tpu.memory_space<vmem>>, vector<1x1x16xf32>,
        %get3A_371 = vector.shape_cast %get3A_370 : vector<1x1x16xf32> to vector<16xf32>
        %add3A_372 = arith.addf %scan3A_307, %get3A_371 : vector<16xf32>
        %add3A_373 = arith.constant 1 : i32
        %add3A_374 = arith.addi %mul3A_310, %add3A_373 : i32
        %get3A_375 = arith.constant 2 : i32
        %get3A_376 = arith.index_cast %get3A_375 : i32 to index
        %get3A_377 = arith.index_cast %add3A_374 : i32 to index
        %get3A_378 = arith.constant 48 : index
        %get3A_379 = tpu.vector_load %arg7[%get3A_376, %get3A_377, %get3A_378] {strides = array<i32>} : memref<4x256x64xf32, #tpu.memory_space<vmem>>, vector<1x1x16xf32>,
        %get3A_380 = vector.shape_cast %get3A_379 : vector<1x1x16xf32> to vector<16xf32>
        %add3A_381 = arith.addf %scan3A_308, %get3A_380 : vector<16xf32>
        %add3A_382 = arith.constant 2 : i32
        %add3A_383 = arith.addi %mul3A_310, %add3A_382 : i32
        %get3A_384 = arith.constant 2 : i32
        %get3A_385 = arith.index_cast %get3A_384 : i32 to index
        %get3A_386 = arith.index_cast %add3A_383 : i32 to index
        %get3A_387 = arith.constant 0 : index
        %get3A_388 = tpu.vector_load %arg7[%get3A_385, %get3A_386, %get3A_387] {strides = array<i32>} : memref<4x256x64xf32, #tpu.memory_space<vmem>>, vector<1x1x16xf32>,
        %get3A_389 = vector.shape_cast %get3A_388 : vector<1x1x16xf32> to vector<16xf32>
        %add3A_390 = arith.addf %add3A_318, %get3A_389 : vector<16xf32>
        %add3A_391 = arith.constant 2 : i32
        %add3A_392 = arith.addi %mul3A_310, %add3A_391 : i32
        %get3A_393 = arith.constant 2 : i32
        %get3A_394 = arith.index_cast %get3A_393 : i32 to index
        %get3A_395 = arith.index_cast %add3A_392 : i32 to index
        %get3A_396 = arith.constant 16 : index
        %get3A_397 = tpu.vector_load %arg7[%get3A_394, %get3A_395, %get3A_396] {strides = array<i32>} : memref<4x256x64xf32, #tpu.memory_space<vmem>>, vector<1x1x16xf32>,
        %get3A_398 = vector.shape_cast %get3A_397 : vector<1x1x16xf32> to vector<16xf32>
        %add3A_399 = arith.addf %add3A_327, %get3A_398 : vector<16xf32>
        %add3A_400 = arith.constant 2 : i32
        %add3A_401 = arith.addi %mul3A_310, %add3A_400 : i32
        %get3A_402 = arith.constant 2 : i32
        %get3A_403 = arith.index_cast %get3A_402 : i32 to index
        %get3A_404 = arith.index_cast %add3A_401 : i32 to index
        %get3A_405 = arith.constant 32 : index
        %get3A_406 = tpu.vector_load %arg7[%get3A_403, %get3A_404, %get3A_405] {strides = array<i32>} : memref<4x256x64xf32, #tpu.memory_space<vmem>>, vector<1x1x16xf32>,
        %get3A_407 = vector.shape_cast %get3A_406 : vector<1x1x16xf32> to vector<16xf32>
        %add3A_408 = arith.addf %add3A_336, %get3A_407 : vector<16xf32>
        %add3A_409 = arith.constant 2 : i32
        %add3A_410 = arith.addi %mul3A_310, %add3A_409 : i32
        %get3A_411 = arith.constant 2 : i32
        %get3A_412 = arith.index_cast %get3A_411 : i32 to index
        %get3A_413 = arith.index_cast %add3A_410 : i32 to index
        %get3A_414 = arith.constant 48 : index
        %get3A_415 = tpu.vector_load %arg7[%get3A_412, %get3A_413, %get3A_414] {strides = array<i32>} : memref<4x256x64xf32, #tpu.memory_space<vmem>>, vector<1x1x16xf32>,
        %get3A_416 = vector.shape_cast %get3A_415 : vector<1x1x16xf32> to vector<16xf32>
        %add3A_417 = arith.addf %add3A_345, %get3A_416 : vector<16xf32>
        %add3A_418 = arith.constant 3 : i32
        %add3A_419 = arith.addi %mul3A_310, %add3A_418 : i32
        %get3A_420 = arith.constant 2 : i32
        %get3A_421 = arith.index_cast %get3A_420 : i32 to index
        %get3A_422 = arith.index_cast %add3A_419 : i32 to index
        %get3A_423 = arith.constant 0 : index
        %get3A_424 = tpu.vector_load %arg7[%get3A_421, %get3A_422, %get3A_423] {strides = array<i32>} : memref<4x256x64xf32, #tpu.memory_space<vmem>>, vector<1x1x16xf32>,
        %get3A_425 = vector.shape_cast %get3A_424 : vector<1x1x16xf32> to vector<16xf32>
        %add3A_426 = arith.addf %add3A_354, %get3A_425 : vector<16xf32>
        %add3A_427 = arith.constant 3 : i32
        %add3A_428 = arith.addi %mul3A_310, %add3A_427 : i32
        %get3A_429 = arith.constant 2 : i32
        %get3A_430 = arith.index_cast %get3A_429 : i32 to index
        %get3A_431 = arith.index_cast %add3A_428 : i32 to index
        %get3A_432 = arith.constant 16 : index
        %get3A_433 = tpu.vector_load %arg7[%get3A_430, %get3A_431, %get3A_432] {strides = array<i32>} : memref<4x256x64xf32, #tpu.memory_space<vmem>>, vector<1x1x16xf32>,
        %get3A_434 = vector.shape_cast %get3A_433 : vector<1x1x16xf32> to vector<16xf32>
        %add3A_435 = arith.addf %add3A_363, %get3A_434 : vector<16xf32>
        %add3A_436 = arith.constant 3 : i32
        %add3A_437 = arith.addi %mul3A_310, %add3A_436 : i32
        %get3A_438 = arith.constant 2 : i32
        %get3A_439 = arith.index_cast %get3A_438 : i32 to index
        %get3A_440 = arith.index_cast %add3A_437 : i32 to index
        %get3A_441 = arith.constant 32 : index
        %get3A_442 = tpu.vector_load %arg7[%get3A_439, %get3A_440, %get3A_441] {strides = array<i32>} : memref<4x256x64xf32, #tpu.memory_space<vmem>>, vector<1x1x16xf32>,
        %get3A_443 = vector.shape_cast %get3A_442 : vector<1x1x16xf32> to vector<16xf32>
        %add3A_444 = arith.addf %add3A_372, %get3A_443 : vector<16xf32>
        %add3A_445 = arith.constant 3 : i32
        %add3A_446 = arith.addi %mul3A_310, %add3A_445 : i32
        %get3A_447 = arith.constant 2 : i32
        %get3A_448 = arith.index_cast %get3A_447 : i32 to index
        %get3A_449 = arith.index_cast %add3A_446 : i32 to index
        %get3A_450 = arith.constant 48 : index
        %get3A_451 = tpu.vector_load %arg7[%get3A_448, %get3A_449, %get3A_450] {strides = array<i32>} : memref<4x256x64xf32, #tpu.memory_space<vmem>>, vector<1x1x16xf32>,
        %get3A_452 = vector.shape_cast %get3A_451 : vector<1x1x16xf32> to vector<16xf32>
        %add3A_453 = arith.addf %add3A_381, %get3A_452 : vector<16xf32>
        %add3A_454 = arith.constant 4 : i32
        %add3A_455 = arith.addi %mul3A_310, %add3A_454 : i32
        %get3A_456 = arith.constant 2 : i32
        %get3A_457 = arith.index_cast %get3A_456 : i32 to index
        %get3A_458 = arith.index_cast %add3A_455 : i32 to index
        %get3A_459 = arith.constant 0 : index
        %get3A_460 = tpu.vector_load %arg7[%get3A_457, %get3A_458, %get3A_459] {strides = array<i32>} : memref<4x256x64xf32, #tpu.memory_space<vmem>>, vector<1x1x16xf32>,
        %get3A_461 = vector.shape_cast %get3A_460 : vector<1x1x16xf32> to vector<16xf32>
        %add3A_462 = arith.addf %add3A_390, %get3A_461 : vector<16xf32>
        %add3A_463 = arith.constant 4 : i32
        %add3A_464 = arith.addi %mul3A_310, %add3A_463 : i32
        %get3A_465 = arith.constant 2 : i32
        %get3A_466 = arith.index_cast %get3A_465 : i32 to index
        %get3A_467 = arith.index_cast %add3A_464 : i32 to index
        %get3A_468 = arith.constant 16 : index
        %get3A_469 = tpu.vector_load %arg7[%get3A_466, %get3A_467, %get3A_468] {strides = array<i32>} : memref<4x256x64xf32, #tpu.memory_space<vmem>>, vector<1x1x16xf32>,
        %get3A_470 = vector.shape_cast %get3A_469 : vector<1x1x16xf32> to vector<16xf32>
        %add3A_471 = arith.addf %add3A_399, %get3A_470 : vector<16xf32>
        %add3A_472 = arith.constant 4 : i32
        %add3A_473 = arith.addi %mul3A_310, %add3A_472 : i32
        %get3A_474 = arith.constant 2 : i32
        %get3A_475 = arith.index_cast %get3A_474 : i32 to index
        %get3A_476 = arith.index_cast %add3A_473 : i32 to index
        %get3A_477 = arith.constant 32 : index
        %get3A_478 = tpu.vector_load %arg7[%get3A_475, %get3A_476, %get3A_477] {strides = array<i32>} : memref<4x256x64xf32, #tpu.memory_space<vmem>>, vector<1x1x16xf32>,
        %get3A_479 = vector.shape_cast %get3A_478 : vector<1x1x16xf32> to vector<16xf32>
        %add3A_480 = arith.addf %add3A_408, %get3A_479 : vector<16xf32>
        %add3A_481 = arith.constant 4 : i32
        %add3A_482 = arith.addi %mul3A_310, %add3A_481 : i32
        %get3A_483 = arith.constant 2 : i32
        %get3A_484 = arith.index_cast %get3A_483 : i32 to index
        %get3A_485 = arith.index_cast %add3A_482 : i32 to index
        %get3A_486 = arith.constant 48 : index
        %get3A_487 = tpu.vector_load %arg7[%get3A_484, %get3A_485, %get3A_486] {strides = array<i32>} : memref<4x256x64xf32, #tpu.memory_space<vmem>>, vector<1x1x16xf32>,
        %get3A_488 = vector.shape_cast %get3A_487 : vector<1x1x16xf32> to vector<16xf32>
        %add3A_489 = arith.addf %add3A_417, %get3A_488 : vector<16xf32>
        %add3A_490 = arith.constant 5 : i32
        %add3A_491 = arith.addi %mul3A_310, %add3A_490 : i32
        %get3A_492 = arith.constant 2 : i32
        %get3A_493 = arith.index_cast %get3A_492 : i32 to index
        %get3A_494 = arith.index_cast %add3A_491 : i32 to index
        %get3A_495 = arith.constant 0 : index
        %get3A_496 = tpu.vector_load %arg7[%get3A_493, %get3A_494, %get3A_495] {strides = array<i32>} : memref<4x256x64xf32, #tpu.memory_space<vmem>>, vector<1x1x16xf32>,
        %get3A_497 = vector.shape_cast %get3A_496 : vector<1x1x16xf32> to vector<16xf32>
        %add3A_498 = arith.addf %add3A_426, %get3A_497 : vector<16xf32>
        %add3A_499 = arith.constant 5 : i32
        %add3A_500 = arith.addi %mul3A_310, %add3A_499 : i32
        %get3A_501 = arith.constant 2 : i32
        %get3A_502 = arith.index_cast %get3A_501 : i32 to index
        %get3A_503 = arith.index_cast %add3A_500 : i32 to index
        %get3A_504 = arith.constant 16 : index
        %get3A_505 = tpu.vector_load %arg7[%get3A_502, %get3A_503, %get3A_504] {strides = array<i32>} : memref<4x256x64xf32, #tpu.memory_space<vmem>>, vector<1x1x16xf32>,
        %get3A_506 = vector.shape_cast %get3A_505 : vector<1x1x16xf32> to vector<16xf32>
        %add3A_507 = arith.addf %add3A_435, %get3A_506 : vector<16xf32>
        %add3A_508 = arith.constant 5 : i32
        %add3A_509 = arith.addi %mul3A_310, %add3A_508 : i32
        %get3A_510 = arith.constant 2 : i32
        %get3A_511 = arith.index_cast %get3A_510 : i32 to index
        %get3A_512 = arith.index_cast %add3A_509 : i32 to index
        %get3A_513 = arith.constant 32 : index
        %get3A_514 = tpu.vector_load %arg7[%get3A_511, %get3A_512, %get3A_513] {strides = array<i32>} : memref<4x256x64xf32, #tpu.memory_space<vmem>>, vector<1x1x16xf32>,
        %get3A_515 = vector.shape_cast %get3A_514 : vector<1x1x16xf32> to vector<16xf32>
        %add3A_516 = arith.addf %add3A_444, %get3A_515 : vector<16xf32>
        %add3A_517 = arith.constant 5 : i32
        %add3A_518 = arith.addi %mul3A_310, %add3A_517 : i32
        %get3A_519 = arith.constant 2 : i32
        %get3A_520 = arith.index_cast %get3A_519 : i32 to index
        %get3A_521 = arith.index_cast %add3A_518 : i32 to index
        %get3A_522 = arith.constant 48 : index
        %get3A_523 = tpu.vector_load %arg7[%get3A_520, %get3A_521, %get3A_522] {strides = array<i32>} : memref<4x256x64xf32, #tpu.memory_space<vmem>>, vector<1x1x16xf32>,
        %get3A_524 = vector.shape_cast %get3A_523 : vector<1x1x16xf32> to vector<16xf32>
        %add3A_525 = arith.addf %add3A_453, %get3A_524 : vector<16xf32>
        %add3A_526 = arith.constant 6 : i32
        %add3A_527 = arith.addi %mul3A_310, %add3A_526 : i32
        %get3A_528 = arith.constant 2 : i32
        %get3A_529 = arith.index_cast %get3A_528 : i32 to index
        %get3A_530 = arith.index_cast %add3A_527 : i32 to index
        %get3A_531 = arith.constant 0 : index
        %get3A_532 = tpu.vector_load %arg7[%get3A_529, %get3A_530, %get3A_531] {strides = array<i32>} : memref<4x256x64xf32, #tpu.memory_space<vmem>>, vector<1x1x16xf32>,
        %get3A_533 = vector.shape_cast %get3A_532 : vector<1x1x16xf32> to vector<16xf32>
        %add3A_534 = arith.addf %add3A_462, %get3A_533 : vector<16xf32>
        %add3A_535 = arith.constant 6 : i32
        %add3A_536 = arith.addi %mul3A_310, %add3A_535 : i32
        %get3A_537 = arith.constant 2 : i32
        %get3A_538 = arith.index_cast %get3A_537 : i32 to index
        %get3A_539 = arith.index_cast %add3A_536 : i32 to index
        %get3A_540 = arith.constant 16 : index
        %get3A_541 = tpu.vector_load %arg7[%get3A_538, %get3A_539, %get3A_540] {strides = array<i32>} : memref<4x256x64xf32, #tpu.memory_space<vmem>>, vector<1x1x16xf32>,
        %get3A_542 = vector.shape_cast %get3A_541 : vector<1x1x16xf32> to vector<16xf32>
        %add3A_543 = arith.addf %add3A_471, %get3A_542 : vector<16xf32>
        %add3A_544 = arith.constant 6 : i32
        %add3A_545 = arith.addi %mul3A_310, %add3A_544 : i32
        %get3A_546 = arith.constant 2 : i32
        %get3A_547 = arith.index_cast %get3A_546 : i32 to index
        %get3A_548 = arith.index_cast %add3A_545 : i32 to index
        %get3A_549 = arith.constant 32 : index
        %get3A_550 = tpu.vector_load %arg7[%get3A_547, %get3A_548, %get3A_549] {strides = array<i32>} : memref<4x256x64xf32, #tpu.memory_space<vmem>>, vector<1x1x16xf32>,
        %get3A_551 = vector.shape_cast %get3A_550 : vector<1x1x16xf32> to vector<16xf32>
        %add3A_552 = arith.addf %add3A_480, %get3A_551 : vector<16xf32>
        %add3A_553 = arith.constant 6 : i32
        %add3A_554 = arith.addi %mul3A_310, %add3A_553 : i32
        %get3A_555 = arith.constant 2 : i32
        %get3A_556 = arith.index_cast %get3A_555 : i32 to index
        %get3A_557 = arith.index_cast %add3A_554 : i32 to index
        %get3A_558 = arith.constant 48 : index
        %get3A_559 = tpu.vector_load %arg7[%get3A_556, %get3A_557, %get3A_558] {strides = array<i32>} : memref<4x256x64xf32, #tpu.memory_space<vmem>>, vector<1x1x16xf32>,
        %get3A_560 = vector.shape_cast %get3A_559 : vector<1x1x16xf32> to vector<16xf32>
        %add3A_561 = arith.addf %add3A_489, %get3A_560 : vector<16xf32>
        %add3A_562 = arith.constant 7 : i32
        %add3A_563 = arith.addi %mul3A_310, %add3A_562 : i32
        %get3A_564 = arith.constant 2 : i32
        %get3A_565 = arith.index_cast %get3A_564 : i32 to index
        %get3A_566 = arith.index_cast %add3A_563 : i32 to index
        %get3A_567 = arith.constant 0 : index
        %get3A_568 = tpu.vector_load %arg7[%get3A_565, %get3A_566, %get3A_567] {strides = array<i32>} : memref<4x256x64xf32, #tpu.memory_space<vmem>>, vector<1x1x16xf32>,
        %get3A_569 = vector.shape_cast %get3A_568 : vector<1x1x16xf32> to vector<16xf32>
        %add3A_570 = arith.addf %add3A_498, %get3A_569 : vector<16xf32>
        %add3A_571 = arith.constant 7 : i32
        %add3A_572 = arith.addi %mul3A_310, %add3A_571 : i32
        %get3A_573 = arith.constant 2 : i32
        %get3A_574 = arith.index_cast %get3A_573 : i32 to index
        %get3A_575 = arith.index_cast %add3A_572 : i32 to index
        %get3A_576 = arith.constant 16 : index
        %get3A_577 = tpu.vector_load %arg7[%get3A_574, %get3A_575, %get3A_576] {strides = array<i32>} : memref<4x256x64xf32, #tpu.memory_space<vmem>>, vector<1x1x16xf32>,
        %get3A_578 = vector.shape_cast %get3A_577 : vector<1x1x16xf32> to vector<16xf32>
        %add3A_579 = arith.addf %add3A_507, %get3A_578 : vector<16xf32>
        %add3A_580 = arith.constant 7 : i32
        %add3A_581 = arith.addi %mul3A_310, %add3A_580 : i32
        %get3A_582 = arith.constant 2 : i32
        %get3A_583 = arith.index_cast %get3A_582 : i32 to index
        %get3A_584 = arith.index_cast %add3A_581 : i32 to index
        %get3A_585 = arith.constant 32 : index
        %get3A_586 = tpu.vector_load %arg7[%get3A_583, %get3A_584, %get3A_585] {strides = array<i32>} : memref<4x256x64xf32, #tpu.memory_space<vmem>>, vector<1x1x16xf32>,
        %get3A_587 = vector.shape_cast %get3A_586 : vector<1x1x16xf32> to vector<16xf32>
        %add3A_588 = arith.addf %add3A_516, %get3A_587 : vector<16xf32>
        %add3A_589 = arith.constant 7 : i32
        %add3A_590 = arith.addi %mul3A_310, %add3A_589 : i32
        %get3A_591 = arith.constant 2 : i32
        %get3A_592 = arith.index_cast %get3A_591 : i32 to index
        %get3A_593 = arith.index_cast %add3A_590 : i32 to index
        %get3A_594 = arith.constant 48 : index
        %get3A_595 = tpu.vector_load %arg7[%get3A_592, %get3A_593, %get3A_594] {strides = array<i32>} : memref<4x256x64xf32, #tpu.memory_space<vmem>>, vector<1x1x16xf32>,
        %get3A_596 = vector.shape_cast %get3A_595 : vector<1x1x16xf32> to vector<16xf32>
        %add3A_597 = arith.addf %add3A_525, %get3A_596 : vector<16xf32>
        scf.yield %add3A_534, %add3A_543, %add3A_552, %add3A_561, %add3A_570, %add3A_579, %add3A_588, %add3A_597 : vector<16xf32>, vector<16xf32>, vector<16xf32>, vector<16xf32>, vector<16xf32>, vector<16xf32>, vector<16xf32>, vector<16xf32>
      }
      %scan3A_263 = arith.constant 32 : i32
      %add3A_264 = arith.constant 4 : i32
      %add3A_265 = arith.addi %add3A_245, %add3A_264 : i32
      %lt3A_266 = arith.constant 100 : i32
      %lt3A_267 = arith.cmpi slt, %add3A_265, %lt3A_266 : i32
      %convert_element_type3A_268 = arith.extui %lt3A_267 : i1 to i32
      %cond3A_269 = arith.constant 0 : i32
      %cond3A_270 = arith.cmpi ne, %convert_element_type3A_268, %cond3A_269 : i32
      scf.if %cond3A_270 {
        %mul3A_300 = arith.constant 256 : i32
        %mul3A_301 = arith.muli %add3A_265, %mul3A_300 : i32
        %dma_start3A_302 = arith.constant 1 : i32
        %dma_start3A_303 = arith.constant 2 : i32
        %dma_start3A_304 = arith.constant 0 : i32
        %dma_start3A_305 = arith.constant 0 : i32
        %dma_start3A_306 = tpu.memref_slice %arg7[%dma_start3A_303, %dma_start3A_304, %dma_start3A_305] : memref<4x256x64xf32, #tpu.memory_space<vmem>> -> memref<1x256x64xf32, #tpu.memory_space<vmem>>
        %dma_start3A_307 = tpu.memref_squeeze %dma_start3A_306 : memref<1x256x64xf32, #tpu.memory_space<vmem>> -> memref<256x64xf32, #tpu.memory_space<vmem>>
        %dma_start3A_308 = tpu.memref_slice %arg6[%dma_start3A_302, %mul3A_301] : memref<2x25600xi32, #tpu.memory_space<vmem>> -> memref<1x256xi32, #tpu.memory_space<vmem>>
        %dma_start3A_309 = tpu.memref_squeeze %dma_start3A_308 : memref<1x256xi32, #tpu.memory_space<vmem>> -> memref<256xi32, #tpu.memory_space<vmem>>
        %dma_start3A_310 = arith.constant 0 : i32
        %dma_start3A_311 = arith.constant 0 : i32
        %dma_start3A_312 = tpu.memref_slice %arg2[%dma_start3A_310, %dma_start3A_311] : memref<1000000x64xf32, #tpu.memory_space<hbm>> -> memref<1000000x64xf32, #tpu.memory_space<hbm>>
        tpu.enqueue_indirect_dma source(%dma_start3A_312 : memref<1000000x64xf32, #tpu.memory_space<hbm>>) target(%dma_start3A_307 : memref<256x64xf32, #tpu.memory_space<vmem>>) offsets(%dma_start3A_309 : memref<256xi32, #tpu.memory_space<vmem>>) semaphore(%arg12 : memref<!tpu.dma_semaphore, #tpu.memory_space<semaphore_mem>>)
      } else {
      }
      %mul3A_271 = arith.constant 4 : i32
      %mul3A_272 = arith.muli %scan3A_178, %mul3A_271 : i32
      %add3A_273 = arith.constant 3 : i32
      %add3A_274 = arith.addi %mul3A_272, %add3A_273 : i32
      %dma_wait3A_275 = arith.constant 1 : i32
      %dma_wait3A_276 = arith.constant 3 : i32
      %dma_wait3A_277 = arith.constant 0 : i32
      %dma_wait3A_278 = arith.constant 0 : i32
      %dma_wait3A_279 = tpu.memref_slice %arg7[%dma_wait3A_276, %dma_wait3A_277, %dma_wait3A_278] : memref<4x256x64xf32, #tpu.memory_space<vmem>> -> memref<1x256x64xf32, #tpu.memory_space<vmem>>
      %dma_wait3A_280 = tpu.memref_squeeze %dma_wait3A_279 : memref<1x256x64xf32, #tpu.memory_space<vmem>> -> memref<256x64xf32, #tpu.memory_space<vmem>>
      %dma_wait3A_281 = arith.constant 0 : i32
      %dma_wait3A_282 = tpu.memref_slice %arg6[%dma_wait3A_275, %dma_wait3A_281] : memref<2x25600xi32, #tpu.memory_space<vmem>> -> memref<1x256xi32, #tpu.memory_space<vmem>>
      %dma_wait3A_283 = tpu.memref_squeeze %dma_wait3A_282 : memref<1x256xi32, #tpu.memory_space<vmem>> -> memref<256xi32, #tpu.memory_space<vmem>>
      %dma_wait3A_284 = arith.constant 0 : i32
      %dma_wait3A_285 = arith.constant 0 : i32
      %dma_wait3A_286 = tpu.memref_slice %arg2[%dma_wait3A_284, %dma_wait3A_285] : memref<1000000x64xf32, #tpu.memory_space<hbm>> -> memref<1000000x64xf32, #tpu.memory_space<hbm>>
      tpu.wait_indirect_dma semaphore(%arg13 : memref<!tpu.dma_semaphore, #tpu.memory_space<semaphore_mem>>) src(%dma_wait3A_286 : memref<1000000x64xf32, #tpu.memory_space<hbm>>) dst(%dma_wait3A_280 : memref<256x64xf32, #tpu.memory_space<vmem>>)
      %scan3A_287 = arith.constant 0 : i32
      %scan3A_288 = arith.constant 32 : i32
      %scan3A_289 = arith.addi %scan3A_287, %scan3A_288 : i32
      %scan3A_290 = arith.constant 1 : i32
      %scan3A_291:8 = scf.for %scan3A_300 = %scan3A_287 to %scan3A_289 step %scan3A_290 iter_args(%scan3A_301 = %scan3A_262#0, %scan3A_302 = %scan3A_262#1, %scan3A_303 = %scan3A_262#2, %scan3A_304 = %scan3A_262#3, %scan3A_305 = %scan3A_262#4, %scan3A_306 = %scan3A_262#5, %scan3A_307 = %scan3A_262#6, %scan3A_308 = %scan3A_262#7) -> (vector<16xf32>, vector<16xf32>, vector<16xf32>, vector<16xf32>, vector<16xf32>, vector<16xf32>, vector<16xf32>, vector<16xf32>)  : i32 {
        %mul3A_309 = arith.constant 8 : i32
        %mul3A_310 = arith.muli %scan3A_300, %mul3A_309 : i32
        %add3A_311 = arith.constant 0 : i32
        %add3A_312 = arith.addi %mul3A_310, %add3A_311 : i32
        %get3A = arith.constant 3 : i32
        %get3A_313 = arith.index_cast %get3A : i32 to index
        %get3A_314 = arith.index_cast %add3A_312 : i32 to index
        %get3A_315 = arith.constant 0 : index
        %get3A_316 = tpu.vector_load %arg7[%get3A_313, %get3A_314, %get3A_315] {strides = array<i32>} : memref<4x256x64xf32, #tpu.memory_space<vmem>>, vector<1x1x16xf32>,
        %get3A_317 = vector.shape_cast %get3A_316 : vector<1x1x16xf32> to vector<16xf32>
        %add3A_318 = arith.addf %scan3A_301, %get3A_317 : vector<16xf32>
        %add3A_319 = arith.constant 0 : i32
        %add3A_320 = arith.addi %mul3A_310, %add3A_319 : i32
        %get3A_321 = arith.constant 3 : i32
        %get3A_322 = arith.index_cast %get3A_321 : i32 to index
        %get3A_323 = arith.index_cast %add3A_320 : i32 to index
        %get3A_324 = arith.constant 16 : index
        %get3A_325 = tpu.vector_load %arg7[%get3A_322, %get3A_323, %get3A_324] {strides = array<i32>} : memref<4x256x64xf32, #tpu.memory_space<vmem>>, vector<1x1x16xf32>,
        %get3A_326 = vector.shape_cast %get3A_325 : vector<1x1x16xf32> to vector<16xf32>
        %add3A_327 = arith.addf %scan3A_302, %get3A_326 : vector<16xf32>
        %add3A_328 = arith.constant 0 : i32
        %add3A_329 = arith.addi %mul3A_310, %add3A_328 : i32
        %get3A_330 = arith.constant 3 : i32
        %get3A_331 = arith.index_cast %get3A_330 : i32 to index
        %get3A_332 = arith.index_cast %add3A_329 : i32 to index
        %get3A_333 = arith.constant 32 : index
        %get3A_334 = tpu.vector_load %arg7[%get3A_331, %get3A_332, %get3A_333] {strides = array<i32>} : memref<4x256x64xf32, #tpu.memory_space<vmem>>, vector<1x1x16xf32>,
        %get3A_335 = vector.shape_cast %get3A_334 : vector<1x1x16xf32> to vector<16xf32>
        %add3A_336 = arith.addf %scan3A_303, %get3A_335 : vector<16xf32>
        %add3A_337 = arith.constant 0 : i32
        %add3A_338 = arith.addi %mul3A_310, %add3A_337 : i32
        %get3A_339 = arith.constant 3 : i32
        %get3A_340 = arith.index_cast %get3A_339 : i32 to index
        %get3A_341 = arith.index_cast %add3A_338 : i32 to index
        %get3A_342 = arith.constant 48 : index
        %get3A_343 = tpu.vector_load %arg7[%get3A_340, %get3A_341, %get3A_342] {strides = array<i32>} : memref<4x256x64xf32, #tpu.memory_space<vmem>>, vector<1x1x16xf32>,
        %get3A_344 = vector.shape_cast %get3A_343 : vector<1x1x16xf32> to vector<16xf32>
        %add3A_345 = arith.addf %scan3A_304, %get3A_344 : vector<16xf32>
        %add3A_346 = arith.constant 1 : i32
        %add3A_347 = arith.addi %mul3A_310, %add3A_346 : i32
        %get3A_348 = arith.constant 3 : i32
        %get3A_349 = arith.index_cast %get3A_348 : i32 to index
        %get3A_350 = arith.index_cast %add3A_347 : i32 to index
        %get3A_351 = arith.constant 0 : index
        %get3A_352 = tpu.vector_load %arg7[%get3A_349, %get3A_350, %get3A_351] {strides = array<i32>} : memref<4x256x64xf32, #tpu.memory_space<vmem>>, vector<1x1x16xf32>,
        %get3A_353 = vector.shape_cast %get3A_352 : vector<1x1x16xf32> to vector<16xf32>
        %add3A_354 = arith.addf %scan3A_305, %get3A_353 : vector<16xf32>
        %add3A_355 = arith.constant 1 : i32
        %add3A_356 = arith.addi %mul3A_310, %add3A_355 : i32
        %get3A_357 = arith.constant 3 : i32
        %get3A_358 = arith.index_cast %get3A_357 : i32 to index
        %get3A_359 = arith.index_cast %add3A_356 : i32 to index
        %get3A_360 = arith.constant 16 : index
        %get3A_361 = tpu.vector_load %arg7[%get3A_358, %get3A_359, %get3A_360] {strides = array<i32>} : memref<4x256x64xf32, #tpu.memory_space<vmem>>, vector<1x1x16xf32>,
        %get3A_362 = vector.shape_cast %get3A_361 : vector<1x1x16xf32> to vector<16xf32>
        %add3A_363 = arith.addf %scan3A_306, %get3A_362 : vector<16xf32>
        %add3A_364 = arith.constant 1 : i32
        %add3A_365 = arith.addi %mul3A_310, %add3A_364 : i32
        %get3A_366 = arith.constant 3 : i32
        %get3A_367 = arith.index_cast %get3A_366 : i32 to index
        %get3A_368 = arith.index_cast %add3A_365 : i32 to index
        %get3A_369 = arith.constant 32 : index
        %get3A_370 = tpu.vector_load %arg7[%get3A_367, %get3A_368, %get3A_369] {strides = array<i32>} : memref<4x256x64xf32, #tpu.memory_space<vmem>>, vector<1x1x16xf32>,
        %get3A_371 = vector.shape_cast %get3A_370 : vector<1x1x16xf32> to vector<16xf32>
        %add3A_372 = arith.addf %scan3A_307, %get3A_371 : vector<16xf32>
        %add3A_373 = arith.constant 1 : i32
        %add3A_374 = arith.addi %mul3A_310, %add3A_373 : i32
        %get3A_375 = arith.constant 3 : i32
        %get3A_376 = arith.index_cast %get3A_375 : i32 to index
        %get3A_377 = arith.index_cast %add3A_374 : i32 to index
        %get3A_378 = arith.constant 48 : index
        %get3A_379 = tpu.vector_load %arg7[%get3A_376, %get3A_377, %get3A_378] {strides = array<i32>} : memref<4x256x64xf32, #tpu.memory_space<vmem>>, vector<1x1x16xf32>,
        %get3A_380 = vector.shape_cast %get3A_379 : vector<1x1x16xf32> to vector<16xf32>
        %add3A_381 = arith.addf %scan3A_308, %get3A_380 : vector<16xf32>
        %add3A_382 = arith.constant 2 : i32
        %add3A_383 = arith.addi %mul3A_310, %add3A_382 : i32
        %get3A_384 = arith.constant 3 : i32
        %get3A_385 = arith.index_cast %get3A_384 : i32 to index
        %get3A_386 = arith.index_cast %add3A_383 : i32 to index
        %get3A_387 = arith.constant 0 : index
        %get3A_388 = tpu.vector_load %arg7[%get3A_385, %get3A_386, %get3A_387] {strides = array<i32>} : memref<4x256x64xf32, #tpu.memory_space<vmem>>, vector<1x1x16xf32>,
        %get3A_389 = vector.shape_cast %get3A_388 : vector<1x1x16xf32> to vector<16xf32>
        %add3A_390 = arith.addf %add3A_318, %get3A_389 : vector<16xf32>
        %add3A_391 = arith.constant 2 : i32
        %add3A_392 = arith.addi %mul3A_310, %add3A_391 : i32
        %get3A_393 = arith.constant 3 : i32
        %get3A_394 = arith.index_cast %get3A_393 : i32 to index
        %get3A_395 = arith.index_cast %add3A_392 : i32 to index
        %get3A_396 = arith.constant 16 : index
        %get3A_397 = tpu.vector_load %arg7[%get3A_394, %get3A_395, %get3A_396] {strides = array<i32>} : memref<4x256x64xf32, #tpu.memory_space<vmem>>, vector<1x1x16xf32>,
        %get3A_398 = vector.shape_cast %get3A_397 : vector<1x1x16xf32> to vector<16xf32>
        %add3A_399 = arith.addf %add3A_327, %get3A_398 : vector<16xf32>
        %add3A_400 = arith.constant 2 : i32
        %add3A_401 = arith.addi %mul3A_310, %add3A_400 : i32
        %get3A_402 = arith.constant 3 : i32
        %get3A_403 = arith.index_cast %get3A_402 : i32 to index
        %get3A_404 = arith.index_cast %add3A_401 : i32 to index
        %get3A_405 = arith.constant 32 : index
        %get3A_406 = tpu.vector_load %arg7[%get3A_403, %get3A_404, %get3A_405] {strides = array<i32>} : memref<4x256x64xf32, #tpu.memory_space<vmem>>, vector<1x1x16xf32>,
        %get3A_407 = vector.shape_cast %get3A_406 : vector<1x1x16xf32> to vector<16xf32>
        %add3A_408 = arith.addf %add3A_336, %get3A_407 : vector<16xf32>
        %add3A_409 = arith.constant 2 : i32
        %add3A_410 = arith.addi %mul3A_310, %add3A_409 : i32
        %get3A_411 = arith.constant 3 : i32
        %get3A_412 = arith.index_cast %get3A_411 : i32 to index
        %get3A_413 = arith.index_cast %add3A_410 : i32 to index
        %get3A_414 = arith.constant 48 : index
        %get3A_415 = tpu.vector_load %arg7[%get3A_412, %get3A_413, %get3A_414] {strides = array<i32>} : memref<4x256x64xf32, #tpu.memory_space<vmem>>, vector<1x1x16xf32>,
        %get3A_416 = vector.shape_cast %get3A_415 : vector<1x1x16xf32> to vector<16xf32>
        %add3A_417 = arith.addf %add3A_345, %get3A_416 : vector<16xf32>
        %add3A_418 = arith.constant 3 : i32
        %add3A_419 = arith.addi %mul3A_310, %add3A_418 : i32
        %get3A_420 = arith.constant 3 : i32
        %get3A_421 = arith.index_cast %get3A_420 : i32 to index
        %get3A_422 = arith.index_cast %add3A_419 : i32 to index
        %get3A_423 = arith.constant 0 : index
        %get3A_424 = tpu.vector_load %arg7[%get3A_421, %get3A_422, %get3A_423] {strides = array<i32>} : memref<4x256x64xf32, #tpu.memory_space<vmem>>, vector<1x1x16xf32>,
        %get3A_425 = vector.shape_cast %get3A_424 : vector<1x1x16xf32> to vector<16xf32>
        %add3A_426 = arith.addf %add3A_354, %get3A_425 : vector<16xf32>
        %add3A_427 = arith.constant 3 : i32
        %add3A_428 = arith.addi %mul3A_310, %add3A_427 : i32
        %get3A_429 = arith.constant 3 : i32
        %get3A_430 = arith.index_cast %get3A_429 : i32 to index
        %get3A_431 = arith.index_cast %add3A_428 : i32 to index
        %get3A_432 = arith.constant 16 : index
        %get3A_433 = tpu.vector_load %arg7[%get3A_430, %get3A_431, %get3A_432] {strides = array<i32>} : memref<4x256x64xf32, #tpu.memory_space<vmem>>, vector<1x1x16xf32>,
        %get3A_434 = vector.shape_cast %get3A_433 : vector<1x1x16xf32> to vector<16xf32>
        %add3A_435 = arith.addf %add3A_363, %get3A_434 : vector<16xf32>
        %add3A_436 = arith.constant 3 : i32
        %add3A_437 = arith.addi %mul3A_310, %add3A_436 : i32
        %get3A_438 = arith.constant 3 : i32
        %get3A_439 = arith.index_cast %get3A_438 : i32 to index
        %get3A_440 = arith.index_cast %add3A_437 : i32 to index
        %get3A_441 = arith.constant 32 : index
        %get3A_442 = tpu.vector_load %arg7[%get3A_439, %get3A_440, %get3A_441] {strides = array<i32>} : memref<4x256x64xf32, #tpu.memory_space<vmem>>, vector<1x1x16xf32>,
        %get3A_443 = vector.shape_cast %get3A_442 : vector<1x1x16xf32> to vector<16xf32>
        %add3A_444 = arith.addf %add3A_372, %get3A_443 : vector<16xf32>
        %add3A_445 = arith.constant 3 : i32
        %add3A_446 = arith.addi %mul3A_310, %add3A_445 : i32
        %get3A_447 = arith.constant 3 : i32
        %get3A_448 = arith.index_cast %get3A_447 : i32 to index
        %get3A_449 = arith.index_cast %add3A_446 : i32 to index
        %get3A_450 = arith.constant 48 : index
        %get3A_451 = tpu.vector_load %arg7[%get3A_448, %get3A_449, %get3A_450] {strides = array<i32>} : memref<4x256x64xf32, #tpu.memory_space<vmem>>, vector<1x1x16xf32>,
        %get3A_452 = vector.shape_cast %get3A_451 : vector<1x1x16xf32> to vector<16xf32>
        %add3A_453 = arith.addf %add3A_381, %get3A_452 : vector<16xf32>
        %add3A_454 = arith.constant 4 : i32
        %add3A_455 = arith.addi %mul3A_310, %add3A_454 : i32
        %get3A_456 = arith.constant 3 : i32
        %get3A_457 = arith.index_cast %get3A_456 : i32 to index
        %get3A_458 = arith.index_cast %add3A_455 : i32 to index
        %get3A_459 = arith.constant 0 : index
        %get3A_460 = tpu.vector_load %arg7[%get3A_457, %get3A_458, %get3A_459] {strides = array<i32>} : memref<4x256x64xf32, #tpu.memory_space<vmem>>, vector<1x1x16xf32>,
        %get3A_461 = vector.shape_cast %get3A_460 : vector<1x1x16xf32> to vector<16xf32>
        %add3A_462 = arith.addf %add3A_390, %get3A_461 : vector<16xf32>
        %add3A_463 = arith.constant 4 : i32
        %add3A_464 = arith.addi %mul3A_310, %add3A_463 : i32
        %get3A_465 = arith.constant 3 : i32
        %get3A_466 = arith.index_cast %get3A_465 : i32 to index
        %get3A_467 = arith.index_cast %add3A_464 : i32 to index
        %get3A_468 = arith.constant 16 : index
        %get3A_469 = tpu.vector_load %arg7[%get3A_466, %get3A_467, %get3A_468] {strides = array<i32>} : memref<4x256x64xf32, #tpu.memory_space<vmem>>, vector<1x1x16xf32>,
        %get3A_470 = vector.shape_cast %get3A_469 : vector<1x1x16xf32> to vector<16xf32>
        %add3A_471 = arith.addf %add3A_399, %get3A_470 : vector<16xf32>
        %add3A_472 = arith.constant 4 : i32
        %add3A_473 = arith.addi %mul3A_310, %add3A_472 : i32
        %get3A_474 = arith.constant 3 : i32
        %get3A_475 = arith.index_cast %get3A_474 : i32 to index
        %get3A_476 = arith.index_cast %add3A_473 : i32 to index
        %get3A_477 = arith.constant 32 : index
        %get3A_478 = tpu.vector_load %arg7[%get3A_475, %get3A_476, %get3A_477] {strides = array<i32>} : memref<4x256x64xf32, #tpu.memory_space<vmem>>, vector<1x1x16xf32>,
        %get3A_479 = vector.shape_cast %get3A_478 : vector<1x1x16xf32> to vector<16xf32>
        %add3A_480 = arith.addf %add3A_408, %get3A_479 : vector<16xf32>
        %add3A_481 = arith.constant 4 : i32
        %add3A_482 = arith.addi %mul3A_310, %add3A_481 : i32
        %get3A_483 = arith.constant 3 : i32
        %get3A_484 = arith.index_cast %get3A_483 : i32 to index
        %get3A_485 = arith.index_cast %add3A_482 : i32 to index
        %get3A_486 = arith.constant 48 : index
        %get3A_487 = tpu.vector_load %arg7[%get3A_484, %get3A_485, %get3A_486] {strides = array<i32>} : memref<4x256x64xf32, #tpu.memory_space<vmem>>, vector<1x1x16xf32>,
        %get3A_488 = vector.shape_cast %get3A_487 : vector<1x1x16xf32> to vector<16xf32>
        %add3A_489 = arith.addf %add3A_417, %get3A_488 : vector<16xf32>
        %add3A_490 = arith.constant 5 : i32
        %add3A_491 = arith.addi %mul3A_310, %add3A_490 : i32
        %get3A_492 = arith.constant 3 : i32
        %get3A_493 = arith.index_cast %get3A_492 : i32 to index
        %get3A_494 = arith.index_cast %add3A_491 : i32 to index
        %get3A_495 = arith.constant 0 : index
        %get3A_496 = tpu.vector_load %arg7[%get3A_493, %get3A_494, %get3A_495] {strides = array<i32>} : memref<4x256x64xf32, #tpu.memory_space<vmem>>, vector<1x1x16xf32>,
        %get3A_497 = vector.shape_cast %get3A_496 : vector<1x1x16xf32> to vector<16xf32>
        %add3A_498 = arith.addf %add3A_426, %get3A_497 : vector<16xf32>
        %add3A_499 = arith.constant 5 : i32
        %add3A_500 = arith.addi %mul3A_310, %add3A_499 : i32
        %get3A_501 = arith.constant 3 : i32
        %get3A_502 = arith.index_cast %get3A_501 : i32 to index
        %get3A_503 = arith.index_cast %add3A_500 : i32 to index
        %get3A_504 = arith.constant 16 : index
        %get3A_505 = tpu.vector_load %arg7[%get3A_502, %get3A_503, %get3A_504] {strides = array<i32>} : memref<4x256x64xf32, #tpu.memory_space<vmem>>, vector<1x1x16xf32>,
        %get3A_506 = vector.shape_cast %get3A_505 : vector<1x1x16xf32> to vector<16xf32>
        %add3A_507 = arith.addf %add3A_435, %get3A_506 : vector<16xf32>
        %add3A_508 = arith.constant 5 : i32
        %add3A_509 = arith.addi %mul3A_310, %add3A_508 : i32
        %get3A_510 = arith.constant 3 : i32
        %get3A_511 = arith.index_cast %get3A_510 : i32 to index
        %get3A_512 = arith.index_cast %add3A_509 : i32 to index
        %get3A_513 = arith.constant 32 : index
        %get3A_514 = tpu.vector_load %arg7[%get3A_511, %get3A_512, %get3A_513] {strides = array<i32>} : memref<4x256x64xf32, #tpu.memory_space<vmem>>, vector<1x1x16xf32>,
        %get3A_515 = vector.shape_cast %get3A_514 : vector<1x1x16xf32> to vector<16xf32>
        %add3A_516 = arith.addf %add3A_444, %get3A_515 : vector<16xf32>
        %add3A_517 = arith.constant 5 : i32
        %add3A_518 = arith.addi %mul3A_310, %add3A_517 : i32
        %get3A_519 = arith.constant 3 : i32
        %get3A_520 = arith.index_cast %get3A_519 : i32 to index
        %get3A_521 = arith.index_cast %add3A_518 : i32 to index
        %get3A_522 = arith.constant 48 : index
        %get3A_523 = tpu.vector_load %arg7[%get3A_520, %get3A_521, %get3A_522] {strides = array<i32>} : memref<4x256x64xf32, #tpu.memory_space<vmem>>, vector<1x1x16xf32>,
        %get3A_524 = vector.shape_cast %get3A_523 : vector<1x1x16xf32> to vector<16xf32>
        %add3A_525 = arith.addf %add3A_453, %get3A_524 : vector<16xf32>
        %add3A_526 = arith.constant 6 : i32
        %add3A_527 = arith.addi %mul3A_310, %add3A_526 : i32
        %get3A_528 = arith.constant 3 : i32
        %get3A_529 = arith.index_cast %get3A_528 : i32 to index
        %get3A_530 = arith.index_cast %add3A_527 : i32 to index
        %get3A_531 = arith.constant 0 : index
        %get3A_532 = tpu.vector_load %arg7[%get3A_529, %get3A_530, %get3A_531] {strides = array<i32>} : memref<4x256x64xf32, #tpu.memory_space<vmem>>, vector<1x1x16xf32>,
        %get3A_533 = vector.shape_cast %get3A_532 : vector<1x1x16xf32> to vector<16xf32>
        %add3A_534 = arith.addf %add3A_462, %get3A_533 : vector<16xf32>
        %add3A_535 = arith.constant 6 : i32
        %add3A_536 = arith.addi %mul3A_310, %add3A_535 : i32
        %get3A_537 = arith.constant 3 : i32
        %get3A_538 = arith.index_cast %get3A_537 : i32 to index
        %get3A_539 = arith.index_cast %add3A_536 : i32 to index
        %get3A_540 = arith.constant 16 : index
        %get3A_541 = tpu.vector_load %arg7[%get3A_538, %get3A_539, %get3A_540] {strides = array<i32>} : memref<4x256x64xf32, #tpu.memory_space<vmem>>, vector<1x1x16xf32>,
        %get3A_542 = vector.shape_cast %get3A_541 : vector<1x1x16xf32> to vector<16xf32>
        %add3A_543 = arith.addf %add3A_471, %get3A_542 : vector<16xf32>
        %add3A_544 = arith.constant 6 : i32
        %add3A_545 = arith.addi %mul3A_310, %add3A_544 : i32
        %get3A_546 = arith.constant 3 : i32
        %get3A_547 = arith.index_cast %get3A_546 : i32 to index
        %get3A_548 = arith.index_cast %add3A_545 : i32 to index
        %get3A_549 = arith.constant 32 : index
        %get3A_550 = tpu.vector_load %arg7[%get3A_547, %get3A_548, %get3A_549] {strides = array<i32>} : memref<4x256x64xf32, #tpu.memory_space<vmem>>, vector<1x1x16xf32>,
        %get3A_551 = vector.shape_cast %get3A_550 : vector<1x1x16xf32> to vector<16xf32>
        %add3A_552 = arith.addf %add3A_480, %get3A_551 : vector<16xf32>
        %add3A_553 = arith.constant 6 : i32
        %add3A_554 = arith.addi %mul3A_310, %add3A_553 : i32
        %get3A_555 = arith.constant 3 : i32
        %get3A_556 = arith.index_cast %get3A_555 : i32 to index
        %get3A_557 = arith.index_cast %add3A_554 : i32 to index
        %get3A_558 = arith.constant 48 : index
        %get3A_559 = tpu.vector_load %arg7[%get3A_556, %get3A_557, %get3A_558] {strides = array<i32>} : memref<4x256x64xf32, #tpu.memory_space<vmem>>, vector<1x1x16xf32>,
        %get3A_560 = vector.shape_cast %get3A_559 : vector<1x1x16xf32> to vector<16xf32>
        %add3A_561 = arith.addf %add3A_489, %get3A_560 : vector<16xf32>
        %add3A_562 = arith.constant 7 : i32
        %add3A_563 = arith.addi %mul3A_310, %add3A_562 : i32
        %get3A_564 = arith.constant 3 : i32
        %get3A_565 = arith.index_cast %get3A_564 : i32 to index
        %get3A_566 = arith.index_cast %add3A_563 : i32 to index
        %get3A_567 = arith.constant 0 : index
        %get3A_568 = tpu.vector_load %arg7[%get3A_565, %get3A_566, %get3A_567] {strides = array<i32>} : memref<4x256x64xf32, #tpu.memory_space<vmem>>, vector<1x1x16xf32>,
        %get3A_569 = vector.shape_cast %get3A_568 : vector<1x1x16xf32> to vector<16xf32>
        %add3A_570 = arith.addf %add3A_498, %get3A_569 : vector<16xf32>
        %add3A_571 = arith.constant 7 : i32
        %add3A_572 = arith.addi %mul3A_310, %add3A_571 : i32
        %get3A_573 = arith.constant 3 : i32
        %get3A_574 = arith.index_cast %get3A_573 : i32 to index
        %get3A_575 = arith.index_cast %add3A_572 : i32 to index
        %get3A_576 = arith.constant 16 : index
        %get3A_577 = tpu.vector_load %arg7[%get3A_574, %get3A_575, %get3A_576] {strides = array<i32>} : memref<4x256x64xf32, #tpu.memory_space<vmem>>, vector<1x1x16xf32>,
        %get3A_578 = vector.shape_cast %get3A_577 : vector<1x1x16xf32> to vector<16xf32>
        %add3A_579 = arith.addf %add3A_507, %get3A_578 : vector<16xf32>
        %add3A_580 = arith.constant 7 : i32
        %add3A_581 = arith.addi %mul3A_310, %add3A_580 : i32
        %get3A_582 = arith.constant 3 : i32
        %get3A_583 = arith.index_cast %get3A_582 : i32 to index
        %get3A_584 = arith.index_cast %add3A_581 : i32 to index
        %get3A_585 = arith.constant 32 : index
        %get3A_586 = tpu.vector_load %arg7[%get3A_583, %get3A_584, %get3A_585] {strides = array<i32>} : memref<4x256x64xf32, #tpu.memory_space<vmem>>, vector<1x1x16xf32>,
        %get3A_587 = vector.shape_cast %get3A_586 : vector<1x1x16xf32> to vector<16xf32>
        %add3A_588 = arith.addf %add3A_516, %get3A_587 : vector<16xf32>
        %add3A_589 = arith.constant 7 : i32
        %add3A_590 = arith.addi %mul3A_310, %add3A_589 : i32
        %get3A_591 = arith.constant 3 : i32
        %get3A_592 = arith.index_cast %get3A_591 : i32 to index
        %get3A_593 = arith.index_cast %add3A_590 : i32 to index
        %get3A_594 = arith.constant 48 : index
        %get3A_595 = tpu.vector_load %arg7[%get3A_592, %get3A_593, %get3A_594] {strides = array<i32>} : memref<4x256x64xf32, #tpu.memory_space<vmem>>, vector<1x1x16xf32>,
        %get3A_596 = vector.shape_cast %get3A_595 : vector<1x1x16xf32> to vector<16xf32>
        %add3A_597 = arith.addf %add3A_525, %get3A_596 : vector<16xf32>
        scf.yield %add3A_534, %add3A_543, %add3A_552, %add3A_561, %add3A_570, %add3A_579, %add3A_588, %add3A_597 : vector<16xf32>, vector<16xf32>, vector<16xf32>, vector<16xf32>, vector<16xf32>, vector<16xf32>, vector<16xf32>, vector<16xf32>
      }
      %scan3A_292 = arith.constant 32 : i32
      %add3A_293 = arith.constant 4 : i32
      %add3A_294 = arith.addi %add3A_274, %add3A_293 : i32
      %lt3A_295 = arith.constant 100 : i32
      %lt3A_296 = arith.cmpi slt, %add3A_294, %lt3A_295 : i32
      %convert_element_type3A_297 = arith.extui %lt3A_296 : i1 to i32
      %cond3A_298 = arith.constant 0 : i32
      %cond3A_299 = arith.cmpi ne, %convert_element_type3A_297, %cond3A_298 : i32
      scf.if %cond3A_299 {
        %mul3A_300 = arith.constant 256 : i32
        %mul3A_301 = arith.muli %add3A_294, %mul3A_300 : i32
        %dma_start3A_302 = arith.constant 1 : i32
        %dma_start3A_303 = arith.constant 3 : i32
        %dma_start3A_304 = arith.constant 0 : i32
        %dma_start3A_305 = arith.constant 0 : i32
        %dma_start3A_306 = tpu.memref_slice %arg7[%dma_start3A_303, %dma_start3A_304, %dma_start3A_305] : memref<4x256x64xf32, #tpu.memory_space<vmem>> -> memref<1x256x64xf32, #tpu.memory_space<vmem>>
        %dma_start3A_307 = tpu.memref_squeeze %dma_start3A_306 : memref<1x256x64xf32, #tpu.memory_space<vmem>> -> memref<256x64xf32, #tpu.memory_space<vmem>>
        %dma_start3A_308 = tpu.memref_slice %arg6[%dma_start3A_302, %mul3A_301] : memref<2x25600xi32, #tpu.memory_space<vmem>> -> memref<1x256xi32, #tpu.memory_space<vmem>>
        %dma_start3A_309 = tpu.memref_squeeze %dma_start3A_308 : memref<1x256xi32, #tpu.memory_space<vmem>> -> memref<256xi32, #tpu.memory_space<vmem>>
        %dma_start3A_310 = arith.constant 0 : i32
        %dma_start3A_311 = arith.constant 0 : i32
        %dma_start3A_312 = tpu.memref_slice %arg2[%dma_start3A_310, %dma_start3A_311] : memref<1000000x64xf32, #tpu.memory_space<hbm>> -> memref<1000000x64xf32, #tpu.memory_space<hbm>>
        tpu.enqueue_indirect_dma source(%dma_start3A_312 : memref<1000000x64xf32, #tpu.memory_space<hbm>>) target(%dma_start3A_307 : memref<256x64xf32, #tpu.memory_space<vmem>>) offsets(%dma_start3A_309 : memref<256xi32, #tpu.memory_space<vmem>>) semaphore(%arg13 : memref<!tpu.dma_semaphore, #tpu.memory_space<semaphore_mem>>)
      } else {
      }
      scf.yield %scan3A_291#0, %scan3A_291#1, %scan3A_291#2, %scan3A_291#3, %scan3A_291#4, %scan3A_291#5, %scan3A_291#6, %scan3A_291#7 : vector<16xf32>, vector<16xf32>, vector<16xf32>, vector<16xf32>, vector<16xf32>, vector<16xf32>, vector<16xf32>, vector<16xf32>
    }
    %scan3A_153 = arith.constant 25 : i32
    %add3A_154 = arith.addf %scan3A_152#0, %scan3A_152#4 : vector<16xf32>
    %mul3A_155 = arith.mulf %add3A_154, %broadcast_in_dim3A_3 : vector<16xf32>
    %swap3A_156 = arith.constant 64 : index
    %swap3A_157 = tpu.vector_load %arg8[%swap3A_156] {strides = array<i32>} : memref<128xf32, #tpu.memory_space<vmem>>, vector<16xf32>,
    %swap3A_158 = vector.shape_cast %swap3A_157 : vector<16xf32> to vector<16xf32>
    %swap3A_159 = vector.shape_cast %mul3A_155 : vector<16xf32> to vector<16xf32>
    tpu.vector_store %arg8[%swap3A_156], %swap3A_159 {strides = array<i32>} : memref<128xf32, #tpu.memory_space<vmem>>, vector<16xf32>,
    %add3A_160 = arith.addf %scan3A_152#1, %scan3A_152#5 : vector<16xf32>
    %mul3A_161 = arith.mulf %add3A_160, %broadcast_in_dim3A_3 : vector<16xf32>
    %swap3A_162 = arith.constant 80 : index
    %swap3A_163 = tpu.vector_load %arg8[%swap3A_162] {strides = array<i32>} : memref<128xf32, #tpu.memory_space<vmem>>, vector<16xf32>,
    %swap3A_164 = vector.shape_cast %swap3A_163 : vector<16xf32> to vector<16xf32>
    %swap3A_165 = vector.shape_cast %mul3A_161 : vector<16xf32> to vector<16xf32>
    tpu.vector_store %arg8[%swap3A_162], %swap3A_165 {strides = array<i32>} : memref<128xf32, #tpu.memory_space<vmem>>, vector<16xf32>,
    %add3A_166 = arith.addf %scan3A_152#2, %scan3A_152#6 : vector<16xf32>
    %mul3A_167 = arith.mulf %add3A_166, %broadcast_in_dim3A_3 : vector<16xf32>
    %swap3A_168 = arith.constant 96 : index
    %swap3A_169 = tpu.vector_load %arg8[%swap3A_168] {strides = array<i32>} : memref<128xf32, #tpu.memory_space<vmem>>, vector<16xf32>,
    %swap3A_170 = vector.shape_cast %swap3A_169 : vector<16xf32> to vector<16xf32>
    %swap3A_171 = vector.shape_cast %mul3A_167 : vector<16xf32> to vector<16xf32>
    tpu.vector_store %arg8[%swap3A_168], %swap3A_171 {strides = array<i32>} : memref<128xf32, #tpu.memory_space<vmem>>, vector<16xf32>,
    %add3A_172 = arith.addf %scan3A_152#3, %scan3A_152#7 : vector<16xf32>
    %mul3A_173 = arith.mulf %add3A_172, %broadcast_in_dim3A_3 : vector<16xf32>
    %swap3A_174 = arith.constant 112 : index
    %swap3A_175 = tpu.vector_load %arg8[%swap3A_174] {strides = array<i32>} : memref<128xf32, #tpu.memory_space<vmem>>, vector<16xf32>,
    %swap3A_176 = vector.shape_cast %swap3A_175 : vector<16xf32> to vector<16xf32>
    %swap3A_177 = vector.shape_cast %mul3A_173 : vector<16xf32> to vector<16xf32>
    tpu.vector_store %arg8[%swap3A_174], %swap3A_177 {strides = array<i32>} : memref<128xf32, #tpu.memory_space<vmem>>, vector<16xf32>,
    "tpu.region"() ({
      %run_scoped3A_178 = tpu.sem_alloc : memref<!tpu.dma_semaphore, #tpu.memory_space<semaphore_mem>>
      %dma_start3A_179 = arith.constant 0 : i32
      %dma_start3A_180 = tpu.memref_slice %arg5[%add3A, %dma_start3A_179] : memref<32x128xf32, #tpu.memory_space<hbm>> -> memref<1x128xf32, #tpu.memory_space<hbm>>
      %dma_start3A_181 = tpu.memref_squeeze %dma_start3A_180 : memref<1x128xf32, #tpu.memory_space<hbm>> -> memref<128xf32, #tpu.memory_space<hbm>>
      %dma_start3A_182 = arith.constant 0 : i32
      %dma_start3A_183 = tpu.memref_slice %arg5[%add3A, %dma_start3A_182] : memref<32x128xf32, #tpu.memory_space<hbm>> -> memref<1x128xf32, #tpu.memory_space<hbm>>
      %dma_start3A_184 = tpu.memref_squeeze %dma_start3A_183 : memref<1x128xf32, #tpu.memory_space<hbm>> -> memref<128xf32, #tpu.memory_space<hbm>>
      tpu.enqueue_dma source(%arg8 : memref<128xf32, #tpu.memory_space<vmem>>) target(%dma_start3A_184 : memref<128xf32, #tpu.memory_space<hbm>>) target_semaphore(%run_scoped3A_178 : memref<!tpu.dma_semaphore, #tpu.memory_space<semaphore_mem>>)
      %dma_wait3A_185 = arith.constant 0 : i32
      %dma_wait3A_186 = tpu.memref_slice %arg5[%add3A, %dma_wait3A_185] : memref<32x128xf32, #tpu.memory_space<hbm>> -> memref<1x128xf32, #tpu.memory_space<hbm>>
      %dma_wait3A_187 = tpu.memref_squeeze %dma_wait3A_186 : memref<1x128xf32, #tpu.memory_space<hbm>> -> memref<128xf32, #tpu.memory_space<hbm>>
      %dma_wait3A_188 = arith.constant 0 : i32
      %dma_wait3A_189 = tpu.memref_slice %arg5[%add3A, %dma_wait3A_188] : memref<32x128xf32, #tpu.memory_space<hbm>> -> memref<1x128xf32, #tpu.memory_space<hbm>>
      %dma_wait3A_190 = tpu.memref_squeeze %dma_wait3A_189 : memref<1x128xf32, #tpu.memory_space<hbm>> -> memref<128xf32, #tpu.memory_space<hbm>>
      tpu.wait_dma2 semaphore(%run_scoped3A_178 : memref<!tpu.dma_semaphore, #tpu.memory_space<semaphore_mem>>) src(%arg8 : memref<128xf32, #tpu.memory_space<vmem>>) dst(%dma_wait3A_190 : memref<128xf32, #tpu.memory_space<hbm>>)
      tpu.yield
    }) : () -> ()
    return
  }
}

</mosaic_0001>

<sc_bundles>
// kernel: kernel.3.cloned.1.call-start
scs
__scs_entry_jumppad:
0x0: {  	(pc) =	sbr.rel $0x88, $3  }
0x1: {  	(tag) =	ssettag $0x0;
	lr =	simm.s32 $0x1  }
0x2: {  	[smem:$0x3F9E] =	sst lr;
	_ =	strace $0xD0000000  }
0x3: {  	_ = 	snop  }
0x4: {  	_ = 	snop  }
0x5: {  	_ = 	snop  }
0x6: {  	_ = 	snop  }
0x7: {  	_ = 	snop  }
__scs_overlays_trampoline_lowered:
0x8: {  	[smem:$0x3FAD] =	sst s0  }
0x9: {  	[smem:$0x3FAE] =	sst s1  }
0xa: {  	[smem:$0x3FAF] =	sst s2  }
0xb: {  	[smem:$0x3FB0] =	sst s3  }
0xc: {  	[smem:$0x3FB1] =	sst s4  }
0xd: {  	[smem:$0x3FB2] =	sst s5  }
0xe: {  	[smem:$0x3FB3] =	sst s6  }
0xf: {  	[smem:$0x3FB4] =	sst s7  }
0x10: {  	[smem:$0x3FB5] =	sst s8  }
0x11: {  	[smem:$0x3FB6] =	sst s9;
	s0 =	simm.s32 @!p0 $0x0  }
0x12: {  	s1 =	sld [smem:$0x3F9C];
	s0 =	simm.s32 @p0 $0x1  }
0x13: {  	[smem:$0x3FB7] =	sst s0;
	s0 =	simm.s32 @!p1 $0x0  }
0x14: {  	s2 =	sld [smem:$0x3F9B];
	s0 =	simm.s32 @p1 $0x1  }
0x15: {  	[smem:$0x3FB8] =	sst s0;
	s0 =	simm.s32 @!p2 $0x0  }
0x16: {  	s3 =	sld [smem:$0x3FDB];
	s0 =	simm.s32 @p2 $0x1  }
0x17: {  	s4 =	simm.s32 $0x1BF5;
	[smem:$0x3FBA] =	sst s0  }
0x18: {  	s0 =	sld [smem:$0x3F9D];
	_ =	swait.ge [sflag:s4], $0x0  }
0x19: {  	s7 =	sld [smem:$0x3F9E]  }
0x1a: {  	s8 =	sadd.s32 $0xFFFFE003, lr  }
0x1b: {  	s9 =	sadd.s32 $0xFFFFFEF7, lr;
	s5 =	simm.s32 $0xFFFFFFFF;
	p2 =	slt.u32 s8, $0xFFFFF086  }
0x1c: {  	p1 =	slt.u32 s9, $0xF7A;
	s5 =	simm.s32 @!p2 $0x0  }
0x1d: {  	s5 =	simm.s32 @p1 $0x1;
	p0 =	seq.s32 s7, s2  }
0x1e: {  	s7 =	smul.u32 @!p0 $0xF7A, s2;
	p2 =	seq.s32 @!p0 s5, $0x0  }
0x1f: {  	s9 =	smul.u32 $0xF7A, s1;
	s8 =	simm.s32 @!p0 $0x1BF5;
	p2 =	por !p2, p0  }
0x20: {  	[sflag:s8] =	ssyncset.s32 @!p0 $0xFFFFF086;
	s6 =	sadd.s32 @!p0 s3, s7;
	s7 =	simm.s32 @!p0 $0x108  }
0x21: {  	s3 =	sadd.s32 s3, s9;
	s6 =	sadd.s32 @!p0 $0x88, s6;
	s7 =	simm.s32 @p2 $0x1082  }
0x22: {  	[simem:s7], [sflag:s8] =	dma.local @!p0 [hbm:s6], $0xF7A  }
0x23: {  	s9 =	sor.u32 $0xD0000000, s2;
	s6 =	simm.s32 $0x108;
	_ =	swait.ge @!p0 [sflag:s8], $0x0  }
0x24: {  	s3 =	sadd.s32 $0x88, s3;
	s6 =	simm.s32 @!p1 $0x1082;
	[sflag:s4] =	ssyncset.s32 $0xFFFFF086  }
0x25: {  	[simem:s6], [sflag:s4] =	dma.local [hbm:s3], $0xF7A  }
0x26: {  	[smem:$0x3F9E] =	sst s1;
	(tag) =	ssettag s2;
	_ =	strace s9  }
0x27: {  	s1 =	sld [smem:$0x3FAE]  }
0x28: {  	s2 =	sld [smem:$0x3FAF]  }
0x29: {  	s4 =	sld [smem:$0x3FB1]  }
0x2a: {  	p0 =	seq.s32 s5, $0x0;
	s5 =	sld [smem:$0x3FB2]  }
0x2b: {  	s6 =	sld [smem:$0x3FB3]  }
0x2c: {  	s7 =	sld [smem:$0x3FB4]  }
0x2d: {  	s3 =	simm.s32 $0x108;
	s8 =	sld [smem:$0x3FB5]  }
0x2e: {  	s3 =	simm.s32 @!p0 $0x1082;
	s9 =	sld [smem:$0x3FB6]  }
0x2f: {  	lr =	sadd.s32 s0, s3;
	s0 =	sld [smem:$0x3FAD]  }
0x30: {  	s3 =	sld [smem:$0x3FB0]  }
0x31: {  	[smem:$0x3FB9] =	sst s10  }
0x32: {  	s10 =	sld [smem:$0x3FB7];
	_ =	sdelay $0x3  }
0x33: {  	p0 =	seq.s32 s10, $0x1;
	s10 =	sld [smem:$0x3FB9];
	_ =	sdelay $0x3  }
0x34: {  	[smem:$0x3FB9] =	sst s10  }
0x35: {  	s10 =	sld [smem:$0x3FB8];
	_ =	sdelay $0x3  }
0x36: {  	p1 =	seq.s32 s10, $0x1;
	s10 =	sld [smem:$0x3FB9];
	_ =	sdelay $0x3  }
0x37: {  	[smem:$0x3FB9] =	sst s10  }
0x38: {  	s10 =	sld [smem:$0x3FBA]  }
0x39: {  	_ = 	snop;
	(pc) =	sbr.ind lr, $3  }
0x3a: {  	_ = 	snop  }
0x3b: {  	_ = 	snop  }
0x3c: {  	p2 =	seq.s32 s10, $0x1;
	s10 =	sld [smem:$0x3FB9]  }
0x3d: {  	_ =	shalt  }
0x3e: {  	_ =	shalt  }
0x3f: {  	_ =	shalt  }
0x40: {  	_ =	shalt  }
0x41: {  	_ =	shalt  }
0x42: {  	_ =	shalt  }
0x43: {  	_ =	shalt  }
0x44: {  	_ =	shalt  }
0x45: {  	_ =	shalt  }
0x46: {  	_ =	shalt  }
0x47: {  	_ =	shalt  }
0x48: {  	_ =	shalt  }
0x49: {  	_ =	shalt  }
0x4a: {  	_ =	shalt  }
0x4b: {  	_ =	shalt  }
0x4c: {  	_ =	shalt  }
0x4d: {  	_ =	shalt  }
0x4e: {  	_ =	shalt  }
0x4f: {  	_ =	shalt  }
0x50: {  	_ =	shalt  }
0x51: {  	_ =	shalt  }
0x52: {  	_ =	shalt  }
0x53: {  	_ =	shalt  }
0x54: {  	_ =	shalt  }
0x55: {  	_ =	shalt  }
0x56: {  	_ =	shalt  }
0x57: {  	_ =	shalt  }
0x58: {  	_ =	shalt  }
0x59: {  	_ =	shalt  }
0x5a: {  	_ =	shalt  }
0x5b: {  	_ =	shalt  }
0x5c: {  	_ =	shalt  }
0x5d: {  	_ =	shalt  }
0x5e: {  	_ =	shalt  }
0x5f: {  	_ =	shalt  }
0x60: {  	_ =	shalt  }
0x61: {  	_ =	shalt  }
0x62: {  	_ =	shalt  }
0x63: {  	_ =	shalt  }
0x64: {  	_ =	shalt  }
0x65: {  	_ =	shalt  }
0x66: {  	_ =	shalt  }
0x67: {  	_ =	shalt  }
0x68: {  	_ =	shalt  }
0x69: {  	_ =	shalt  }
0x6a: {  	_ =	shalt  }
0x6b: {  	_ =	shalt  }
0x6c: {  	_ =	shalt  }
0x6d: {  	_ =	shalt  }
0x6e: {  	_ =	shalt  }
0x6f: {  	_ =	shalt  }
0x70: {  	_ =	shalt  }
0x71: {  	_ =	shalt  }
0x72: {  	_ =	shalt  }
0x73: {  	_ =	shalt  }
0x74: {  	_ =	shalt  }
0x75: {  	_ =	shalt  }
0x76: {  	_ =	shalt  }
0x77: {  	_ =	shalt  }
0x78: {  	_ =	shalt  }
0x79: {  	_ =	shalt  }
0x7a: {  	_ =	shalt  }
0x7b: {  	_ =	shalt  }
0x7c: {  	_ =	shalt  }
0x7d: {  	_ =	shalt  }
0x7e: {  	_ =	shalt  }
0x7f: {  	_ =	shalt  }
0x80: {  	_ =	shalt  }
0x81: {  	_ =	shalt  }
0x82: {  	_ =	shalt  }
0x83: {  	_ =	shalt  }
0x84: {  	_ =	shalt  }
0x85: {  	_ =	shalt  }
0x86: {  	_ =	shalt  }
0x87: {  	_ =	shalt  }
.Lfunc_end0:
.L_simem_size_0:
called_computation_lowered:
.L_overlay_start_0:
0x88: {  	s2 =	sld [smem:$0x3FD9]  }
0x89: {  	s3 =	sld [smem:$0x3FFE];
	_ =	sdelay $0x1  }
0x8a: {  	s1 =	srdreg.scid  }
0x8b: {  	s0 =	sand.u32 $0x1, s1  }
0x8c: {  	s17 =	sshll.u32 s0, $0xA;
	s2 =	sadd.s32 s3, s2  }
0x8d: {  	s2 =	sadd.s32 s2, s17  }
0x8e: {  	[smem:$0x3FC5] =	sst s2  }
0x8f: {  	_ = 	snop  }
0x90: {  	s2 =	sld [smem:$0x3FC8]  }
0x91: {  	s18 =	sld [smem:$0x3FC7];
	(tm) =	ssettm $0x1  }
0x92: {  	s4 =	sld [smem:$0x3FFB];
	_ =	sdelay $0x3  }
0x93: {  	_ =	strace s4  }
0x94: {  	s4 =	sld [smem:$0x3FFC];
	_ =	sdelay $0x3  }
0x95: {  	_ =	strace s4  }
0x96: {  	s4 =	sld [smem:$0x3FFD];
	_ =	sdelay $0x3  }
0x97: {  	_ =	strace s4  }
0x98: {  	_ =	strace $0x8FFFFFFF  }
0x99: {  	s19 =	sld [smem:$0x3FDB];
	_ =	sdelay $0x1  }
0x9a: {  	s5 =	simm.s32 $_scs_section_size  }
0x9b: {  	s6 =	simm.s32 $_size__tile_overlayer_lowered;
	s7 =	simm.s32 $_tile_overlayer_lowered  }
0x9c: {  	s22 =	simm.s32 $0x1BFF;
	s21 =	sshll.u32 s7, $0x1;
	s4 =	sadd.s32 s5, s19  }
0x9d: {  	s8 =	simm.s32 $0x0;
	s20 =	sshll.u32 s6, $0x1;
	s6 =	sadd.s32 s21, s4  }
0x9e: {  	[timem:s8], [sflag:s22] =	dma.local [hbm:s6], s20  }
0x9f: {  	_ =	swait.ge [sflag:s22], s20  }
0xa0: {  	s5 =	ssub.s32 $0x0, s20;
	[sflag:s22] =	ssyncset.done $0x0  }
0xa1: {  	[sflag:s22] =	ssyncadd.s32 s5;
	_ =	sdelay $0x1  }
0xa2: {  	s23 =	simm.s32 $0x1B8B  }
0xa3: {  	_ =	swait.ge [sflag:s23], $0x1  }
0xa4: {  	[sflag:s23] =	ssyncset.done $0x0  }
0xa5: {  	s25 =	simm.s32 $0x1B8E;
	s24 =	sld [smem:$0x3FFE];
	[sflag:s23] =	ssyncadd.s32 $0xFFFFFFFF  }
0xa6: {  	s26 =	simm.s32 $execute0_lowered;
	[smem:$0x3FD2] =	sst s25  }
0xa7: {  	s6 =	sshll.u32 s26, $0x1;
	_ =	strace $0x80000046;
	[dreg:$0x1] =	wrdreg $0xFFFFFFFF  }
0xa8: {  	s28 =	simm.s32 $_size_execute0_lowered;
	s4 =	sadd.s32 s4, s6;
	[dreg:$0x0] =	wrdreg $0x0  }
0xa9: {  	s6 =	sshll.u32 s28, $0x1;
	[dreg:$0x2] =	wrdreg s4  }
0xaa: {  	[dreg:$0x3] =	wrdreg s6  }
0xab: {  	[dreg:$0x4] =	wrdreg $0xC0  }
0xac: {  	_ =	task [dreg:s8], $0x5FFFF  }
0xad: {  	[dreg:$0x1] =	wrdreg $0xFFFFFFFF  }
0xae: {  	[dreg:$0x0] =	wrdreg $0x60  }
0xaf: {  	[dreg:$0x2] =	wrdreg s24  }
0xb0: {  	[dreg:$0x3] =	wrdreg s2  }
0xb1: {  	[dreg:$0x4] =	wrdreg s18  }
0xb2: {  	[dreg:$0x5] =	wrdreg $0x9  }
0xb3: {  	_ =	task.clear_ibuf [dreg:s8], $0x6FFFF;
	_ =	strace $0x90000046  }
0xb4: {  	s29 =	simm.s32 $0x9;
	_ =	strace $0x80000048  }
0xb5: {  	_ =	swait.ge [sflag:s29], $0x1  }
0xb6: {  	[sflag:s29] =	ssyncadd.s32 $0xFFFFFFFF  }
0xb7: {  	_ =	strace $0x90000048  }
0xb8: {  	_ =	sfence  }
0xb9: {  	s30 =	sld [smem:$0x0];
	_ =	sdelay $0x2  }
0xba: {  	s31 =	sshll.u32 s1, $0xD;
	s1 =	sshrl.u32 s1, $0x2  }
0xbb: {  	s3 =	sand.u32 $0x4000, s31;
	s1 =	sadd.s32 s1, s30  }
0xbc: {  	s0 =	sor.u32 s3, s0;
	s1 =	sshll.u32 s1, $0x11  }
0xbd: {  	s0 =	sor.u32 s1, s0  }
0xbe: {  	s0 =	sadd.s32 $0x8F2B, s0  }
0xbf: {  	[sflag:s0] =	ssyncadd.remote.s32 $0x1  }
0xc0: {  	_ =	sfence.sel $0xFFFF  }
0xc1: {  	[dreg:$0x0] =	wrdreg $0xFFFFFFFF;
	(pc) =	sbr.abs _section_cstart, $3  }
0xc2: {  	[dreg:$0x1] =	wrdreg $0xFFFFFFFF  }
0xc3: {  	_ =	task.clear_ibuf [dreg:s8], $0x2FFFF;
	_ =	strace $0x9FFFFFFF  }
0xc4: {  	(tm) =	ssettm $0x7FFFFFFF  }
0xc5: {  	_ =	shalt  }
tec
execute0_lowered:
.L_overlay_start_1:
0x0: {  	(tag) =	ssettag $0x1  }
0x1: {  	s0 =	rddreg [dreg:$0x0]  }
0x2: {  	s4 =	rddreg [dreg:$0x1]  }
0x3: {  	s5 =	rddreg [dreg:$0x2]  }
0x4: {  	s2 =	srdreg.scid;
	s1 =	stileid.u32  }
0x5: {  	s10 =	simm.s32 $0x100;
	s11 =	simm.s32 $0xC800;
	s12 =	simm.s32 $0x10800  }
0x6: {  	s13 =	simm.s32 $0x200;
	s14 =	simm.s32 $0x14800;
	s15 =	simm.s32 $0x300  }
0x7: {  	s16 =	simm.s32 $0x18800;
	s17 =	simm.s32 $0x2;
	s18 =	simm.s32 $0x3  }
0x8: {  	s19 =	simm.s32 $0x4;
	s20 =	simm.s32 $0x5;
	s21 =	simm.s32 $0x1  }
0x9: {  	s22 =	simm.s32 $0x6500;
	s23 =	simm.s32 $0x6600;
	s24 =	simm.s32 $0x6700  }
0xa: {  	s25 =	simm.s32 $0x1C800;
	s26 =	simm.s32 $0x0;
	s3 =	sand.u32 $0x1, s2  }
0xb: {  	s6 =	sshll.u32 s1, $0x1;
	s2 =	simm.s32 $0x0;
	s7 =	ssub.s32 $0x2, s3  }
.Ltmp0:
0xc: {  	s6 =	sor.u32 s3, s6;
	[smem:$0x7FF] =	sst s2;
	(pc) =	sbr.rel .LBB2_1-.Ltmp0, $4  }
0xd: {  	s3 =	sadd.s32 $0xF42400, s0;
	s8 =	sshrl.u32 s7, $0x1;
	s9 =	smul.u32 $0xC80, s6  }
0xe: {  	_ =	strace $0x80000047;
	s6 =	sshll.u32 s6, $0x4;
	s7 =	ssub.s32 s7, s8  }
0xf: {  	s6 =	sadd.s32 s0, s6;
	s8 =	simm.s32 $0x6;
	s4 =	sadd.s32 s4, s9  }
0x10: {  	s5 =	sadd.s32 s5, s9;
	s7 =	smax.u32 s7, $0x1;
	s9 =	simm.s32 $0x6400  }
.LBB2_23:
0x11: {  	v0 =	vadd.f32 v7, v21  }
0x12: {  	v1 =	vadd.f32 v6, v19  }
0x13: {  	v2 =	vadd.f32 v5, v11;
	v0 =	vmul.f32 $1.220703100e-06, v0  }
0x14: {  	v3 =	vadd.f32 v4, v10;
	v1 =	vmul.f32 $1.220703100e-06, v1  }
0x15: {  	v62 =	vmul.f32 $1.220703100e-06, v2;
	[tilespmem:$0x1C840] =	vst v0  }
0x16: {  	s26 =	sadd.s32 $0x1, s26;
	v63 =	vmul.f32 $1.220703100e-06, v3;
	[tilespmem:$0x1C850] =	vst v1  }
0x17: {  	p0 =	sne.s32 s26, s7;
	[tilespmem:$0x1C860] =	vst v62  }
.Ltmp1:
0x18: {  	[tilespmem:$0x1C870] =	vst v63;
	(pc) =	sbr.rel @!p0 .LBB2_24-.Ltmp1, $4  }
0x19: {  	[hbm4b:s6+s2] =	stream.linear.scatter [tilespmem:s25], [sflag:$0x6], $0x80, $0x38;
	[tilespmem:$0x1C880] =	vst v63  }
0x1a: {  	_ =	swait.ge [sflag:s8], $0x80  }
0x1b: {  	[sflag:s8] =	ssyncset.done $0x0  }
0x1c: {  	[sflag:s8] =	ssyncadd.s32 $0xFFFFFF80  }
.LBB2_1:
0x1d: {  	[tilespmem:s2], [sflag:$0x6] =	stream.linear.gather [hbm4b:s4+s2], $0x6400, $0x38;
	[tilespmem:$0x1C880] =	vst v63  }
0x1e: {  	_ =	swait.ge [sflag:s8], $0x6400  }
0x1f: {  	[sflag:s8] =	ssyncset.done $0x0  }
0x20: {  	[sflag:s8] =	ssyncadd.s32 $0xFFFF9C00  }
0x21: {  	[tilespmem:s9], [sflag:$0x1] =	stream.linear.gather [hbm4b:s5+s2], $0x6400, $0x38;
	[tilespmem:$0x1C880] =	vst v63  }
0x22: {  	_ = 	snop  }
0x23: {  	[tilespmem:s11], [sflag:$0x2] =	stream.indirect.gather [hbm4b:s3+s10], $0x40, s2, s10, $0xb8;
	[tilespmem:$0x1C880] =	vst v63  }
0x24: {  	_ = 	snop  }
0x25: {  	[tilespmem:s12], [sflag:$0x3] =	stream.indirect.gather [hbm4b:s3+s10], $0x40, s10, s10, $0xb8;
	[tilespmem:$0x1C880] =	vst v63  }
0x26: {  	_ = 	snop  }
0x27: {  	v4 =	vimm.f32 $0.0e+00;
	v5 =	vimm.f32 $0.0e+00;
	[tilespmem:s14], [sflag:$0x4] =	stream.indirect.gather [hbm4b:s3+s10], $0x40, s13, s10, $0xb8;
	[tilespmem:$0x1C880] =	vst v63  }
0x28: {  	v6 =	vimm.f32 $0.0e+00;
	v7 =	vimm.f32 $0.0e+00;
	v10 =	vimm.f32 $0.0e+00;
	s28 =	simm.s32 $0x0  }
0x29: {  	v11 =	vimm.f32 $0.0e+00;
	v19 =	vimm.f32 $0.0e+00;
	v21 =	vimm.f32 $0.0e+00;
	[tilespmem:s16], [sflag:$0x5] =	stream.indirect.gather [hbm4b:s3+s10], $0x40, s15, s10, $0xb8;
	[tilespmem:$0x1C880] =	vst v63  }
.LBB2_2:
0x2a: {  	_ =	swait.ge [sflag:s17], $0x4000  }
0x2b: {  	[sflag:s17] =	ssyncset.done $0x0  }
0x2c: {  	s31 =	simm.s32 $0x0;
	[sflag:s17] =	ssyncadd.s32 $0xFFFFC000  }
0x2d: {  	v12 =	vld [tilespmem:s31+$0xC980]  }
0x2e: {  	v16 =	vld [tilespmem:s31+$0xC990]  }
0x2f: {  	v17 =	vld [tilespmem:s31+$0xC9A0]  }
0x30: {  	v18 =	vld [tilespmem:s31+$0xC9B0]  }
0x31: {  	v1 =	vld [tilespmem:s31+$0xC9C0]  }
0x32: {  	v3 =	vld [tilespmem:s31+$0xC9D0]  }
0x33: {  	v20 =	vld [tilespmem:s31+$0xC900]  }
0x34: {  	v24 =	vld [tilespmem:s31+$0xC910]  }
0x35: {  	v9 =	vld [tilespmem:s31+$0xC920]  }
0x36: {  	v22 =	vld [tilespmem:s31+$0xC930]  }
0x37: {  	v14 =	vld [tilespmem:s31+$0xC940]  }
0x38: {  	v15 =	vld [tilespmem:s31+$0xC950]  }
0x39: {  	v0 =	vld [tilespmem:s31+$0xC880]  }
0x3a: {  	v2 =	vld [tilespmem:s31+$0xC890]  }
0x3b: {  	v8 =	vld [tilespmem:s31+$0xC800]  }
0x3c: {  	v13 =	vld [tilespmem:s31+$0xC810]  }
0x3d: {  	v23 =	vld [tilespmem:s31+$0xC820]  }
0x3e: {  	v25 =	vld [tilespmem:s31+$0xC830]  }
0x3f: {  	v32 =	vld [tilespmem:s31+$0xC8A0]  }
0x40: {  	v33 =	vld [tilespmem:s31+$0xC8B0]  }
0x41: {  	v26 =	vld [tilespmem:s31+$0xC8C0]  }
0x42: {  	v27 =	vld [tilespmem:s31+$0xC8D0];
	v8 =	vadd.f32 v8, v21;
	v13 =	vadd.f32 v13, v19  }
0x43: {  	v28 =	vld [tilespmem:s31+$0xC840];
	v11 =	vadd.f32 v23, v11;
	v10 =	vadd.f32 v25, v10  }
0x44: {  	v29 =	vld [tilespmem:s31+$0xC850];
	v25 =	vadd.f32 v0, v8;
	v31 =	vadd.f32 v2, v13  }
0x45: {  	s29 =	simm.s32 $0x800;
	v30 =	vld [tilespmem:s31+$0xC860];
	v32 =	vadd.f32 v32, v11;
	v33 =	vadd.f32 v33, v10  }
.LBB2_3:
0x46: {  	p0 =	sne.s32 s29, $0xF800;
	v0 =	vld [tilespmem:s31+$0xC870];
	v2 =	vadd.f32 v20, v25;
	v8 =	vadd.f32 v24, v31  }
0x47: {  	v10 =	vld [tilespmem:s31+$0xC8E0];
	v9 =	vadd.f32 v9, v32;
	v11 =	vadd.f32 v22, v33  }
0x48: {  	v13 =	vld [tilespmem:s31+$0xC8F0];
	v2 =	vadd.f32 v12, v2;
	v8 =	vadd.f32 v16, v8  }
0x49: {  	v19 =	vld [tilespmem:s31+$0xC960];
	v21 =	vadd.f32 v17, v9;
	v11 =	vadd.f32 v18, v11  }
0x4a: {  	v7 =	vadd.f32 v28, v7;
	v6 =	vadd.f32 v29, v6;
	v9 =	vld [tilespmem:s31+$0xC970]  }
0x4b: {  	v5 =	vadd.f32 v30, v5;
	v0 =	vadd.f32 v0, v4;
	v4 =	vld [tilespmem:s31+$0xC9E0]  }
0x4c: {  	v7 =	vadd.f32 v26, v7;
	v6 =	vadd.f32 v27, v6;
	v20 =	vld [tilespmem:s31+$0xC9F0];
	s31 =	sshra.s32 s29, $0x2  }
0x4d: {  	v5 =	vadd.f32 v10, v5;
	v12 =	vld [tilespmem:s31+$0xC980];
	v0 =	vadd.f32 v13, v0  }
0x4e: {  	v7 =	vadd.f32 v14, v7;
	v6 =	vadd.f32 v15, v6;
	v16 =	vld [tilespmem:s31+$0xC990]  }
0x4f: {  	v5 =	vadd.f32 v19, v5;
	v17 =	vld [tilespmem:s31+$0xC9A0];
	v0 =	vadd.f32 v9, v0  }
0x50: {  	v7 =	vadd.f32 v1, v7;
	v6 =	vadd.f32 v3, v6;
	v18 =	vld [tilespmem:s31+$0xC9B0]  }
0x51: {  	v5 =	vadd.f32 v4, v5;
	v1 =	vld [tilespmem:s31+$0xC9C0];
	v4 =	vadd.f32 v20, v0  }
0x52: {  	v3 =	vld [tilespmem:s31+$0xC9D0]  }
0x53: {  	v20 =	vld [tilespmem:s31+$0xC900]  }
0x54: {  	v24 =	vld [tilespmem:s31+$0xC910]  }
0x55: {  	v9 =	vld [tilespmem:s31+$0xC920]  }
0x56: {  	v22 =	vld [tilespmem:s31+$0xC930]  }
0x57: {  	v14 =	vld [tilespmem:s31+$0xC940]  }
0x58: {  	v15 =	vld [tilespmem:s31+$0xC950]  }
0x59: {  	v0 =	vld [tilespmem:s31+$0xC880]  }
0x5a: {  	v10 =	vld [tilespmem:s31+$0xC890]  }
0x5b: {  	v13 =	vld [tilespmem:s31+$0xC800]  }
0x5c: {  	v19 =	vld [tilespmem:s31+$0xC810]  }
0x5d: {  	v23 =	vld [tilespmem:s31+$0xC820]  }
0x5e: {  	v25 =	vld [tilespmem:s31+$0xC830]  }
0x5f: {  	v32 =	vld [tilespmem:s31+$0xC8A0]  }
0x60: {  	v33 =	vld [tilespmem:s31+$0xC8B0]  }
.Ltmp2:
0x61: {  	v26 =	vld [tilespmem:s31+$0xC8C0];
	(pc) =	sbr.rel @p0 .LBB2_3-.Ltmp2, $4  }
0x62: {  	v2 =	vadd.f32 v13, v2;
	v8 =	vadd.f32 v19, v8;
	v27 =	vld [tilespmem:s31+$0xC8D0]  }
0x63: {  	v13 =	vadd.f32 v23, v21;
	v11 =	vadd.f32 v25, v11;
	v28 =	vld [tilespmem:s31+$0xC840]  }
0x64: {  	v25 =	vadd.f32 v0, v2;
	v31 =	vadd.f32 v10, v8;
	v29 =	vld [tilespmem:s31+$0xC850]  }
0x65: {  	s29 =	sadd.s32 $0x800, s29;
	v32 =	vadd.f32 v32, v13;
	v30 =	vld [tilespmem:s31+$0xC860];
	v33 =	vadd.f32 v33, v11  }
0x66: {  	v34 =	vld [tilespmem:s31+$0xC870]  }
0x67: {  	v35 =	vld [tilespmem:s31+$0xC8E0]  }
0x68: {  	v36 =	vld [tilespmem:s31+$0xC8F0]  }
0x69: {  	v37 =	vld [tilespmem:s31+$0xC960]  }
0x6a: {  	v38 =	vld [tilespmem:s31+$0xC970];
	s29 =	sshll.u32 s28, $0xC;
	p0 =	seq.s32 s28, $0x18  }
0x6b: {  	v39 =	vld [tilespmem:s31+$0xC9E0];
	s30 =	sshrl.u32 @!p0 s29, $0x2  }
0x6c: {  	v40 =	vld [tilespmem:s31+$0xC9F0];
	s31 =	simm.s32 @!p0 $0x100;
	s1 =	simm.s32 @!p0 $0xC800;
	s0 =	sadd.s32 @!p0 $0x400, s30  }
0x6d: {  	[tilespmem:s1], [sflag:$0x2] =	stream.indirect.gather @!p0 [hbm4b:s3+s31], $0x40, s0, s31, $0xb8;
	[tilespmem:$0x1C880] =	vst v63  }
0x6e: {  	_ =	swait.ge [sflag:s18], $0x4000  }
0x6f: {  	[sflag:s18] =	ssyncset.done $0x0  }
0x70: {  	s31 =	simm.s32 $0x0;
	[sflag:s18] =	ssyncadd.s32 $0xFFFFC000  }
0x71: {  	v8 =	vld [tilespmem:s31+$0x10980]  }
0x72: {  	v10 =	vld [tilespmem:s31+$0x10990]  }
0x73: {  	v11 =	vld [tilespmem:s31+$0x109A0]  }
0x74: {  	v13 =	vld [tilespmem:s31+$0x109B0]  }
0x75: {  	v0 =	vld [tilespmem:s31+$0x109C0]  }
0x76: {  	v2 =	vld [tilespmem:s31+$0x109D0]  }
0x77: {  	v21 =	vld [tilespmem:s31+$0x10900]  }
0x78: {  	v23 =	vld [tilespmem:s31+$0x10910]  }
0x79: {  	v19 =	vld [tilespmem:s31+$0x10920]  }
0x7a: {  	v20 =	vadd.f32 v20, v25;
	v24 =	vadd.f32 v24, v31;
	v25 =	vld [tilespmem:s31+$0x10930]  }
0x7b: {  	v31 =	vadd.f32 v9, v32;
	v22 =	vadd.f32 v22, v33;
	v9 =	vld [tilespmem:s31+$0x10940]  }
0x7c: {  	v20 =	vadd.f32 v12, v20;
	v24 =	vadd.f32 v16, v24;
	v12 =	vld [tilespmem:s31+$0x10950]  }
0x7d: {  	v7 =	vadd.f32 v28, v7;
	v31 =	vadd.f32 v17, v31;
	v61 =	vld [tilespmem:s31+$0x10880]  }
0x7e: {  	v22 =	vadd.f32 v18, v22;
	v6 =	vadd.f32 v29, v6;
	v62 =	vld [tilespmem:s31+$0x10890]  }
0x7f: {  	v5 =	vadd.f32 v30, v5;
	v4 =	vadd.f32 v34, v4;
	v28 =	vld [tilespmem:s31+$0x10800]  }
0x80: {  	v7 =	vadd.f32 v26, v7;
	v6 =	vadd.f32 v27, v6;
	v27 =	vld [tilespmem:s31+$0x10810]  }
0x81: {  	v5 =	vadd.f32 v35, v5;
	v4 =	vadd.f32 v36, v4;
	v29 =	vld [tilespmem:s31+$0x10820]  }
0x82: {  	v7 =	vadd.f32 v14, v7;
	v6 =	vadd.f32 v15, v6;
	v14 =	vld [tilespmem:s31+$0x10830]  }
0x83: {  	v63 =	vld [tilespmem:s31+$0x108A0];
	v5 =	vadd.f32 v37, v5;
	v4 =	vadd.f32 v38, v4  }
0x84: {  	v15 =	vadd.f32 v1, v7;
	v1 =	vld [tilespmem:s31+$0x108B0];
	v16 =	vadd.f32 v3, v6  }
0x85: {  	v26 =	vld [tilespmem:s31+$0x108C0];
	v17 =	vadd.f32 v39, v5;
	v18 =	vadd.f32 v40, v4  }
0x86: {  	v30 =	vld [tilespmem:s31+$0x10860];
	v3 =	vadd.f32 v28, v20;
	v4 =	vadd.f32 v27, v24  }
0x87: {  	v27 =	vld [tilespmem:s31+$0x108D0];
	v6 =	vadd.f32 v29, v31;
	v7 =	vadd.f32 v14, v22  }
0x88: {  	v28 =	vld [tilespmem:s31+$0x10840];
	v5 =	vadd.f32 v61, v3;
	v31 =	vadd.f32 v62, v4  }
0x89: {  	s0 =	simm.s32 $0x800;
	v29 =	vld [tilespmem:s31+$0x10850];
	v32 =	vadd.f32 v63, v6;
	v33 =	vadd.f32 v1, v7  }
.LBB2_5:
0x8a: {  	p1 =	sne.s32 s0, $0xF800;
	v1 =	vld [tilespmem:s31+$0x10870];
	v3 =	vadd.f32 v21, v5;
	v4 =	vadd.f32 v23, v31  }
0x8b: {  	v5 =	vld [tilespmem:s31+$0x108E0];
	v6 =	vadd.f32 v19, v32;
	v7 =	vadd.f32 v25, v33  }
0x8c: {  	v14 =	vld [tilespmem:s31+$0x108F0];
	v3 =	vadd.f32 v8, v3;
	v4 =	vadd.f32 v10, v4  }
0x8d: {  	v19 =	vld [tilespmem:s31+$0x10960];
	v6 =	vadd.f32 v11, v6;
	v7 =	vadd.f32 v13, v7  }
0x8e: {  	v8 =	vadd.f32 v28, v15;
	v10 =	vadd.f32 v29, v16;
	v13 =	vld [tilespmem:s31+$0x10970]  }
0x8f: {  	v11 =	vadd.f32 v30, v17;
	v1 =	vadd.f32 v1, v18;
	v17 =	vld [tilespmem:s31+$0x109E0]  }
0x90: {  	v15 =	vadd.f32 v26, v8;
	v16 =	vadd.f32 v27, v10;
	v18 =	vld [tilespmem:s31+$0x109F0];
	s31 =	sshra.s32 s0, $0x2  }
0x91: {  	v5 =	vadd.f32 v5, v11;
	v8 =	vld [tilespmem:s31+$0x10980];
	v1 =	vadd.f32 v14, v1  }
0x92: {  	v9 =	vadd.f32 v9, v15;
	v12 =	vadd.f32 v12, v16;
	v10 =	vld [tilespmem:s31+$0x10990]  }
0x93: {  	v5 =	vadd.f32 v19, v5;
	v11 =	vld [tilespmem:s31+$0x109A0];
	v1 =	vadd.f32 v13, v1  }
0x94: {  	v15 =	vadd.f32 v0, v9;
	v16 =	vadd.f32 v2, v12;
	v13 =	vld [tilespmem:s31+$0x109B0]  }
0x95: {  	v17 =	vadd.f32 v17, v5;
	v0 =	vld [tilespmem:s31+$0x109C0];
	v18 =	vadd.f32 v18, v1  }
0x96: {  	v2 =	vld [tilespmem:s31+$0x109D0]  }
0x97: {  	v21 =	vld [tilespmem:s31+$0x10900]  }
0x98: {  	v23 =	vld [tilespmem:s31+$0x10910]  }
0x99: {  	v19 =	vld [tilespmem:s31+$0x10920]  }
0x9a: {  	v25 =	vld [tilespmem:s31+$0x10930]  }
0x9b: {  	v9 =	vld [tilespmem:s31+$0x10940]  }
0x9c: {  	v12 =	vld [tilespmem:s31+$0x10950]  }
0x9d: {  	v1 =	vld [tilespmem:s31+$0x10880]  }
0x9e: {  	v14 =	vld [tilespmem:s31+$0x10890]  }
0x9f: {  	v5 =	vld [tilespmem:s31+$0x10800]  }
0xa0: {  	v20 =	vld [tilespmem:s31+$0x10810]  }
0xa1: {  	v22 =	vld [tilespmem:s31+$0x10820]  }
0xa2: {  	v24 =	vld [tilespmem:s31+$0x10830]  }
0xa3: {  	v32 =	vld [tilespmem:s31+$0x108A0]  }
0xa4: {  	v33 =	vld [tilespmem:s31+$0x108B0]  }
.Ltmp3:
0xa5: {  	v26 =	vld [tilespmem:s31+$0x108C0];
	(pc) =	sbr.rel @p1 .LBB2_5-.Ltmp3, $4  }
0xa6: {  	v3 =	vadd.f32 v5, v3;
	v4 =	vadd.f32 v20, v4;
	v27 =	vld [tilespmem:s31+$0x108D0]  }
0xa7: {  	v6 =	vadd.f32 v22, v6;
	v7 =	vadd.f32 v24, v7;
	v28 =	vld [tilespmem:s31+$0x10840]  }
0xa8: {  	v5 =	vadd.f32 v1, v3;
	v31 =	vadd.f32 v14, v4;
	v29 =	vld [tilespmem:s31+$0x10850]  }
0xa9: {  	s0 =	sadd.s32 $0x800, s0;
	v32 =	vadd.f32 v32, v6;
	v30 =	vld [tilespmem:s31+$0x10860];
	v33 =	vadd.f32 v33, v7  }
0xaa: {  	v34 =	vld [tilespmem:s31+$0x10870]  }
0xab: {  	v35 =	vld [tilespmem:s31+$0x108E0]  }
0xac: {  	v36 =	vld [tilespmem:s31+$0x108F0]  }
0xad: {  	v37 =	vld [tilespmem:s31+$0x10960]  }
0xae: {  	v38 =	vld [tilespmem:s31+$0x10970]  }
0xaf: {  	v39 =	vld [tilespmem:s31+$0x109E0]  }
0xb0: {  	v40 =	vld [tilespmem:s31+$0x109F0];
	s0 =	sadd.s32 @!p0 $0x500, s30;
	s1 =	simm.s32 @!p0 $0x100;
	s31 =	simm.s32 @!p0 $0x10800  }
0xb1: {  	[tilespmem:s31], [sflag:$0x3] =	stream.indirect.gather @!p0 [hbm4b:s3+s1], $0x40, s0, s1, $0xb8;
	[tilespmem:$0x1C880] =	vst v63  }
0xb2: {  	_ =	swait.ge [sflag:s19], $0x4000  }
0xb3: {  	[sflag:s19] =	ssyncset.done $0x0  }
0xb4: {  	s31 =	simm.s32 $0x0;
	[sflag:s19] =	ssyncadd.s32 $0xFFFFC000  }
0xb5: {  	v4 =	vld [tilespmem:s31+$0x14980]  }
0xb6: {  	v6 =	vld [tilespmem:s31+$0x14990]  }
0xb7: {  	v7 =	vld [tilespmem:s31+$0x149A0]  }
0xb8: {  	v14 =	vld [tilespmem:s31+$0x149B0]  }
0xb9: {  	v1 =	vld [tilespmem:s31+$0x149C0]  }
0xba: {  	v3 =	vld [tilespmem:s31+$0x149D0]  }
0xbb: {  	v22 =	vld [tilespmem:s31+$0x14900]  }
0xbc: {  	v24 =	vld [tilespmem:s31+$0x14910]  }
0xbd: {  	v20 =	vld [tilespmem:s31+$0x14920]  }
0xbe: {  	v41 =	vadd.f32 v21, v5;
	v23 =	vadd.f32 v23, v31;
	v21 =	vld [tilespmem:s31+$0x14930]  }
0xbf: {  	v19 =	vadd.f32 v19, v32;
	v25 =	vadd.f32 v25, v33;
	v5 =	vld [tilespmem:s31+$0x14940]  }
0xc0: {  	v31 =	vadd.f32 v8, v41;
	v10 =	vadd.f32 v10, v23;
	v8 =	vld [tilespmem:s31+$0x14950]  }
0xc1: {  	v15 =	vadd.f32 v28, v15;
	v11 =	vadd.f32 v11, v19;
	v19 =	vld [tilespmem:s31+$0x14880]  }
0xc2: {  	v13 =	vadd.f32 v13, v25;
	v16 =	vadd.f32 v29, v16;
	v23 =	vld [tilespmem:s31+$0x14890]  }
0xc3: {  	v17 =	vadd.f32 v30, v17;
	v15 =	vadd.f32 v26, v15;
	v25 =	vld [tilespmem:s31+$0x14800]  }
0xc4: {  	v18 =	vadd.f32 v34, v18;
	v16 =	vadd.f32 v27, v16;
	v27 =	vld [tilespmem:s31+$0x14810]  }
0xc5: {  	v28 =	vld [tilespmem:s31+$0x14820];
	v17 =	vadd.f32 v35, v17;
	v9 =	vadd.f32 v9, v15  }
0xc6: {  	v29 =	vld [tilespmem:s31+$0x14830];
	v18 =	vadd.f32 v36, v18;
	v12 =	vadd.f32 v12, v16  }
0xc7: {  	v63 =	vld [tilespmem:s31+$0x148A0];
	v17 =	vadd.f32 v37, v17;
	v15 =	vadd.f32 v0, v9  }
0xc8: {  	v0 =	vld [tilespmem:s31+$0x148B0];
	v18 =	vadd.f32 v38, v18;
	v16 =	vadd.f32 v2, v12  }
0xc9: {  	v26 =	vld [tilespmem:s31+$0x148C0];
	v17 =	vadd.f32 v39, v17;
	v2 =	vadd.f32 v25, v31  }
0xca: {  	v30 =	vld [tilespmem:s31+$0x14860];
	v9 =	vadd.f32 v27, v10;
	v10 =	vadd.f32 v28, v11  }
0xcb: {  	v27 =	vld [tilespmem:s31+$0x148D0];
	v11 =	vadd.f32 v29, v13;
	v18 =	vadd.f32 v40, v18  }
0xcc: {  	v28 =	vld [tilespmem:s31+$0x14840];
	v12 =	vadd.f32 v19, v2;
	v31 =	vadd.f32 v23, v9  }
0xcd: {  	s0 =	simm.s32 $0x800;
	v29 =	vld [tilespmem:s31+$0x14850];
	v32 =	vadd.f32 v63, v10;
	v33 =	vadd.f32 v0, v11  }
.LBB2_7:
0xce: {  	p1 =	sne.s32 s0, $0xF800;
	v0 =	vld [tilespmem:s31+$0x14870];
	v2 =	vadd.f32 v22, v12;
	v9 =	vadd.f32 v24, v31  }
0xcf: {  	v10 =	vld [tilespmem:s31+$0x148E0];
	v11 =	vadd.f32 v20, v32;
	v12 =	vadd.f32 v21, v33  }
0xd0: {  	v13 =	vld [tilespmem:s31+$0x148F0];
	v2 =	vadd.f32 v4, v2;
	v9 =	vadd.f32 v6, v9  }
0xd1: {  	v19 =	vld [tilespmem:s31+$0x14960];
	v11 =	vadd.f32 v7, v11;
	v12 =	vadd.f32 v14, v12  }
0xd2: {  	v4 =	vadd.f32 v28, v15;
	v6 =	vadd.f32 v29, v16;
	v14 =	vld [tilespmem:s31+$0x14970]  }
0xd3: {  	v7 =	vadd.f32 v30, v17;
	v0 =	vadd.f32 v0, v18;
	v17 =	vld [tilespmem:s31+$0x149E0]  }
0xd4: {  	v15 =	vadd.f32 v26, v4;
	v16 =	vadd.f32 v27, v6;
	v18 =	vld [tilespmem:s31+$0x149F0];
	s31 =	sshra.s32 s0, $0x2  }
0xd5: {  	v10 =	vadd.f32 v10, v7;
	v4 =	vld [tilespmem:s31+$0x14980];
	v0 =	vadd.f32 v13, v0  }
0xd6: {  	v5 =	vadd.f32 v5, v15;
	v8 =	vadd.f32 v8, v16;
	v6 =	vld [tilespmem:s31+$0x14990]  }
0xd7: {  	v10 =	vadd.f32 v19, v10;
	v7 =	vld [tilespmem:s31+$0x149A0];
	v0 =	vadd.f32 v14, v0  }
0xd8: {  	v15 =	vadd.f32 v1, v5;
	v16 =	vadd.f32 v3, v8;
	v14 =	vld [tilespmem:s31+$0x149B0]  }
0xd9: {  	v17 =	vadd.f32 v17, v10;
	v1 =	vld [tilespmem:s31+$0x149C0];
	v18 =	vadd.f32 v18, v0  }
0xda: {  	v3 =	vld [tilespmem:s31+$0x149D0]  }
0xdb: {  	v22 =	vld [tilespmem:s31+$0x14900]  }
0xdc: {  	v24 =	vld [tilespmem:s31+$0x14910]  }
0xdd: {  	v20 =	vld [tilespmem:s31+$0x14920]  }
0xde: {  	v21 =	vld [tilespmem:s31+$0x14930]  }
0xdf: {  	v5 =	vld [tilespmem:s31+$0x14940]  }
0xe0: {  	v8 =	vld [tilespmem:s31+$0x14950]  }
0xe1: {  	v0 =	vld [tilespmem:s31+$0x14880]  }
0xe2: {  	v10 =	vld [tilespmem:s31+$0x14890]  }
0xe3: {  	v13 =	vld [tilespmem:s31+$0x14800]  }
0xe4: {  	v19 =	vld [tilespmem:s31+$0x14810]  }
0xe5: {  	v23 =	vld [tilespmem:s31+$0x14820]  }
0xe6: {  	v25 =	vld [tilespmem:s31+$0x14830]  }
0xe7: {  	v32 =	vld [tilespmem:s31+$0x148A0]  }
0xe8: {  	v33 =	vld [tilespmem:s31+$0x148B0]  }
.Ltmp4:
0xe9: {  	v26 =	vld [tilespmem:s31+$0x148C0];
	(pc) =	sbr.rel @p1 .LBB2_7-.Ltmp4, $4  }
0xea: {  	v2 =	vadd.f32 v13, v2;
	v9 =	vadd.f32 v19, v9;
	v27 =	vld [tilespmem:s31+$0x148D0]  }
0xeb: {  	v11 =	vadd.f32 v23, v11;
	v13 =	vadd.f32 v25, v12;
	v28 =	vld [tilespmem:s31+$0x14840]  }
0xec: {  	v12 =	vadd.f32 v0, v2;
	v31 =	vadd.f32 v10, v9;
	v29 =	vld [tilespmem:s31+$0x14850]  }
0xed: {  	s0 =	sadd.s32 $0x800, s0;
	v32 =	vadd.f32 v32, v11;
	v30 =	vld [tilespmem:s31+$0x14860];
	v33 =	vadd.f32 v33, v13  }
0xee: {  	v34 =	vld [tilespmem:s31+$0x14870]  }
0xef: {  	v35 =	vld [tilespmem:s31+$0x148E0]  }
0xf0: {  	v36 =	vld [tilespmem:s31+$0x148F0]  }
0xf1: {  	v37 =	vld [tilespmem:s31+$0x14960]  }
0xf2: {  	v38 =	vld [tilespmem:s31+$0x14970]  }
0xf3: {  	v39 =	vld [tilespmem:s31+$0x149E0];
	s0 =	sadd.s32 @!p0 $0x600, s30;
	s1 =	simm.s32 @!p0 $0x100;
	s30 =	simm.s32 @!p0 $0x14800  }
0xf4: {  	v40 =	vld [tilespmem:s31+$0x149F0];
	[tilespmem:s30], [sflag:$0x4] =	stream.indirect.gather @!p0 [hbm4b:s3+s1], $0x40, s0, s1, $0xb8  }
0xf5: {  	_ =	swait.ge [sflag:s20], $0x4000  }
0xf6: {  	[sflag:s20] =	ssyncset.done $0x0  }
0xf7: {  	s30 =	simm.s32 $0x0;
	[sflag:s20] =	ssyncadd.s32 $0xFFFFC000  }
0xf8: {  	v9 =	vld [tilespmem:s30+$0x18980]  }
0xf9: {  	v10 =	vld [tilespmem:s30+$0x18990]  }
0xfa: {  	v11 =	vld [tilespmem:s30+$0x189A0]  }
0xfb: {  	v13 =	vld [tilespmem:s30+$0x189B0]  }
0xfc: {  	v0 =	vld [tilespmem:s30+$0x189C0]  }
0xfd: {  	v2 =	vld [tilespmem:s30+$0x189D0]  }
0xfe: {  	v23 =	vld [tilespmem:s30+$0x18900]  }
0xff: {  	v25 =	vld [tilespmem:s30+$0x18910]  }
0x100: {  	v41 =	vadd.f32 v22, v12;
	v19 =	vld [tilespmem:s30+$0x18920]  }
0x101: {  	v24 =	vadd.f32 v24, v31;
	v20 =	vadd.f32 v20, v32;
	v22 =	vld [tilespmem:s30+$0x18930]  }
0x102: {  	v21 =	vadd.f32 v21, v33;
	v60 =	vadd.f32 v4, v41;
	v12 =	vld [tilespmem:s30+$0x18940]  }
0x103: {  	v24 =	vadd.f32 v6, v24;
	v6 =	vadd.f32 v28, v15;
	v4 =	vld [tilespmem:s30+$0x18950]  }
0x104: {  	v20 =	vadd.f32 v7, v20;
	v14 =	vadd.f32 v14, v21;
	v21 =	vld [tilespmem:s30+$0x18880]  }
0x105: {  	v7 =	vadd.f32 v29, v16;
	v15 =	vadd.f32 v30, v17;
	v16 =	vld [tilespmem:s30+$0x18890]  }
0x106: {  	v6 =	vadd.f32 v26, v6;
	v17 =	vadd.f32 v34, v18;
	v18 =	vld [tilespmem:s30+$0x18800]  }
0x107: {  	v7 =	vadd.f32 v27, v7;
	v26 =	vld [tilespmem:s30+$0x18810]  }
0x108: {  	v27 =	vld [tilespmem:s30+$0x18820];
	v15 =	vadd.f32 v35, v15;
	v5 =	vadd.f32 v5, v6  }
0x109: {  	v61 =	vld [tilespmem:s30+$0x18830];
	v17 =	vadd.f32 v36, v17;
	v6 =	vadd.f32 v8, v7  }
0x10a: {  	v62 =	vld [tilespmem:s30+$0x188A0];
	v7 =	vadd.f32 v37, v15;
	v1 =	vadd.f32 v1, v5  }
0x10b: {  	v63 =	vld [tilespmem:s30+$0x188B0];
	v8 =	vadd.f32 v38, v17;
	v3 =	vadd.f32 v3, v6  }
0x10c: {  	v15 =	vld [tilespmem:s30+$0x18850];
	v5 =	vadd.f32 v39, v7;
	v17 =	vadd.f32 v18, v60  }
0x10d: {  	v7 =	vld [tilespmem:s30+$0x188C0];
	v18 =	vadd.f32 v26, v24;
	v20 =	vadd.f32 v27, v20  }
0x10e: {  	v24 =	vadd.f32 v61, v14;
	v14 =	vld [tilespmem:s30+$0x18840];
	v6 =	vadd.f32 v40, v8  }
0x10f: {  	v8 =	vld [tilespmem:s30+$0x188D0];
	v17 =	vadd.f32 v21, v17;
	v18 =	vadd.f32 v16, v18  }
0x110: {  	s0 =	simm.s32 $0x800;
	v16 =	vld [tilespmem:s30+$0x18860];
	v20 =	vadd.f32 v62, v20;
	v21 =	vadd.f32 v63, v24  }
.LBB2_9:
0x111: {  	p1 =	sne.s32 s0, $0xF800;
	v24 =	vld [tilespmem:s30+$0x18870];
	v17 =	vadd.f32 v23, v17;
	v18 =	vadd.f32 v25, v18  }
0x112: {  	v23 =	vld [tilespmem:s30+$0x188E0];
	v19 =	vadd.f32 v19, v20;
	v20 =	vadd.f32 v22, v21  }
0x113: {  	v21 =	vld [tilespmem:s30+$0x188F0];
	v17 =	vadd.f32 v9, v17;
	v18 =	vadd.f32 v10, v18  }
0x114: {  	v22 =	vld [tilespmem:s30+$0x18960];
	v26 =	vadd.f32 v11, v19;
	v20 =	vadd.f32 v13, v20  }
0x115: {  	v1 =	vadd.f32 v14, v1;
	v3 =	vadd.f32 v15, v3;
	v13 =	vld [tilespmem:s30+$0x18970]  }
0x116: {  	v5 =	vadd.f32 v16, v5;
	v6 =	vadd.f32 v24, v6;
	v14 =	vld [tilespmem:s30+$0x189E0]  }
0x117: {  	v1 =	vadd.f32 v7, v1;
	v3 =	vadd.f32 v8, v3;
	v7 =	vld [tilespmem:s30+$0x189F0];
	s30 =	sshra.s32 s0, $0x2  }
0x118: {  	v5 =	vadd.f32 v23, v5;
	v9 =	vld [tilespmem:s30+$0x18980];
	v6 =	vadd.f32 v21, v6  }
0x119: {  	v1 =	vadd.f32 v12, v1;
	v3 =	vadd.f32 v4, v3;
	v10 =	vld [tilespmem:s30+$0x18990]  }
0x11a: {  	v4 =	vadd.f32 v22, v5;
	v11 =	vld [tilespmem:s30+$0x189A0];
	v6 =	vadd.f32 v13, v6  }
0x11b: {  	v1 =	vadd.f32 v0, v1;
	v3 =	vadd.f32 v2, v3;
	v13 =	vld [tilespmem:s30+$0x189B0]  }
0x11c: {  	v5 =	vadd.f32 v14, v4;
	v0 =	vld [tilespmem:s30+$0x189C0];
	v6 =	vadd.f32 v7, v6  }
0x11d: {  	v2 =	vld [tilespmem:s30+$0x189D0]  }
0x11e: {  	v23 =	vld [tilespmem:s30+$0x18900]  }
0x11f: {  	v25 =	vld [tilespmem:s30+$0x18910]  }
0x120: {  	v19 =	vld [tilespmem:s30+$0x18920]  }
0x121: {  	v22 =	vld [tilespmem:s30+$0x18930]  }
0x122: {  	v12 =	vld [tilespmem:s30+$0x18940]  }
0x123: {  	v4 =	vld [tilespmem:s30+$0x18950]  }
0x124: {  	v16 =	vld [tilespmem:s30+$0x18880]  }
0x125: {  	v21 =	vld [tilespmem:s30+$0x18890]  }
0x126: {  	v8 =	vld [tilespmem:s30+$0x18800]  }
0x127: {  	v14 =	vld [tilespmem:s30+$0x18810]  }
0x128: {  	v15 =	vld [tilespmem:s30+$0x18820]  }
0x129: {  	v24 =	vld [tilespmem:s30+$0x18830]  }
0x12a: {  	v27 =	vld [tilespmem:s30+$0x188A0]  }
0x12b: {  	v28 =	vld [tilespmem:s30+$0x188B0]  }
.Ltmp5:
0x12c: {  	v7 =	vld [tilespmem:s30+$0x188C0];
	(pc) =	sbr.rel @p1 .LBB2_9-.Ltmp5, $4  }
0x12d: {  	v17 =	vadd.f32 v8, v17;
	v18 =	vadd.f32 v14, v18;
	v8 =	vld [tilespmem:s30+$0x188D0]  }
0x12e: {  	v26 =	vadd.f32 v15, v26;
	v24 =	vadd.f32 v24, v20;
	v14 =	vld [tilespmem:s30+$0x18840]  }
0x12f: {  	v17 =	vadd.f32 v16, v17;
	v18 =	vadd.f32 v21, v18;
	v15 =	vld [tilespmem:s30+$0x18850]  }
0x130: {  	s0 =	sadd.s32 $0x800, s0;
	v20 =	vadd.f32 v27, v26;
	v16 =	vld [tilespmem:s30+$0x18860];
	v21 =	vadd.f32 v28, v24  }
0x131: {  	v24 =	vld [tilespmem:s30+$0x18870];
	v17 =	vadd.f32 v23, v17;
	v18 =	vadd.f32 v25, v18  }
0x132: {  	v23 =	vld [tilespmem:s30+$0x188E0];
	v20 =	vadd.f32 v19, v20;
	v22 =	vadd.f32 v22, v21  }
0x133: {  	v61 =	vld [tilespmem:s30+$0x188F0];
	v21 =	vadd.f32 v9, v17;
	v19 =	vadd.f32 v10, v18  }
0x134: {  	v62 =	vld [tilespmem:s30+$0x18970];
	v1 =	vadd.f32 v14, v1;
	v11 =	vadd.f32 v11, v20  }
0x135: {  	v9 =	vld [tilespmem:s30+$0x18960];
	v10 =	vadd.f32 v13, v22;
	v3 =	vadd.f32 v15, v3  }
0x136: {  	v63 =	vld [tilespmem:s30+$0x189E0];
	v5 =	vadd.f32 v16, v5;
	v6 =	vadd.f32 v24, v6  }
0x137: {  	v1 =	vadd.f32 v7, v1;
	v3 =	vadd.f32 v8, v3;
	v8 =	vld [tilespmem:s30+$0x189F0]  }
.Ltmp6:
0x138: {  	v5 =	vadd.f32 v23, v5;
	v6 =	vadd.f32 v61, v6;
	(pc) =	sbr.rel @p0 .LBB2_12-.Ltmp6, $4  }
0x139: {  	v1 =	vadd.f32 v12, v1;
	v3 =	vadd.f32 v4, v3  }
0x13a: {  	v4 =	vadd.f32 v9, v5;
	v9 =	vadd.f32 v62, v6  }
0x13b: {  	v7 =	vadd.f32 v0, v1;
	v6 =	vadd.f32 v2, v3  }
0x13c: {  	v5 =	vadd.f32 v63, v4;
	v4 =	vadd.f32 v8, v9  }
.Ltmp7:
0x13d: {  	(pc) =	sbr.rel .LBB2_2-.Ltmp7, $4  }
0x13e: {  	_ = 	snop  }
0x13f: {  	s0 =	sshrl.u32 s29, $0x2  }
0x140: {  	s28 =	sadd.s32 $0x1, s28;
	s0 =	sadd.s32 $0x700, s0  }
0x141: {  	[tilespmem:s16], [sflag:$0x5] =	stream.indirect.gather [hbm4b:s3+s10], $0x40, s0, s10, $0xb8;
	[tilespmem:$0x1C880] =	vst v63  }
.LBB2_12:
0x142: {  	v0 =	vadd.f32 v7, v21  }
0x143: {  	v1 =	vadd.f32 v6, v19  }
0x144: {  	v2 =	vadd.f32 v5, v11;
	v0 =	vmul.f32 $1.220703100e-06, v0  }
0x145: {  	v3 =	vadd.f32 v4, v10;
	v1 =	vmul.f32 $1.220703100e-06, v1  }
0x146: {  	v62 =	vmul.f32 $1.220703100e-06, v2;
	[tilespmem:$0x1C800] =	vst v0  }
0x147: {  	v63 =	vmul.f32 $1.220703100e-06, v3;
	[tilespmem:$0x1C810] =	vst v1  }
0x148: {  	[tilespmem:$0x1C820] =	vst v62  }
0x149: {  	[tilespmem:$0x1C830] =	vst v63  }
0x14a: {  	_ =	swait.ge [sflag:s21], $0x6400  }
0x14b: {  	[sflag:s21] =	ssyncset.done $0x0  }
0x14c: {  	[sflag:s21] =	ssyncadd.s32 $0xFFFF9C00  }
0x14d: {  	[tilespmem:s11], [sflag:$0x2] =	stream.indirect.gather [hbm4b:s3+s10], $0x40, s9, s10, $0xb8;
	[tilespmem:$0x1C880] =	vst v63  }
0x14e: {  	_ = 	snop  }
0x14f: {  	[tilespmem:s12], [sflag:$0x3] =	stream.indirect.gather [hbm4b:s3+s10], $0x40, s22, s10, $0xb8;
	[tilespmem:$0x1C880] =	vst v63  }
0x150: {  	_ = 	snop  }
0x151: {  	v6 =	vimm.f32 $0.0e+00;
	v7 =	vimm.f32 $0.0e+00;
	[tilespmem:s14], [sflag:$0x4] =	stream.indirect.gather [hbm4b:s3+s10], $0x40, s23, s10, $0xb8;
	[tilespmem:$0x1C880] =	vst v63  }
0x152: {  	s28 =	simm.s32 $0x0;
	v19 =	vimm.f32 $0.0e+00;
	v21 =	vimm.f32 $0.0e+00;
	v4 =	vimm.f32 $0.0e+00  }
0x153: {  	v5 =	vimm.f32 $0.0e+00;
	v10 =	vimm.f32 $0.0e+00;
	v11 =	vimm.f32 $0.0e+00;
	[tilespmem:s16], [sflag:$0x5] =	stream.indirect.gather [hbm4b:s3+s10], $0x40, s24, s10, $0xb8;
	[tilespmem:$0x1C880] =	vst v63  }
.LBB2_13:
0x154: {  	_ =	swait.ge [sflag:s17], $0x4000  }
0x155: {  	[sflag:s17] =	ssyncset.done $0x0  }
0x156: {  	s31 =	simm.s32 $0x0;
	[sflag:s17] =	ssyncadd.s32 $0xFFFFC000  }
0x157: {  	v12 =	vld [tilespmem:s31+$0xC980]  }
0x158: {  	v16 =	vld [tilespmem:s31+$0xC990]  }
0x159: {  	v17 =	vld [tilespmem:s31+$0xC9A0]  }
0x15a: {  	v18 =	vld [tilespmem:s31+$0xC9B0]  }
0x15b: {  	v1 =	vld [tilespmem:s31+$0xC9C0]  }
0x15c: {  	v3 =	vld [tilespmem:s31+$0xC9D0]  }
0x15d: {  	v20 =	vld [tilespmem:s31+$0xC900]  }
0x15e: {  	v24 =	vld [tilespmem:s31+$0xC910]  }
0x15f: {  	v9 =	vld [tilespmem:s31+$0xC920]  }
0x160: {  	v22 =	vld [tilespmem:s31+$0xC930]  }
0x161: {  	v14 =	vld [tilespmem:s31+$0xC940]  }
0x162: {  	v15 =	vld [tilespmem:s31+$0xC950]  }
0x163: {  	v0 =	vld [tilespmem:s31+$0xC880]  }
0x164: {  	v2 =	vld [tilespmem:s31+$0xC890]  }
0x165: {  	v8 =	vld [tilespmem:s31+$0xC800]  }
0x166: {  	v13 =	vld [tilespmem:s31+$0xC810]  }
0x167: {  	v23 =	vld [tilespmem:s31+$0xC820]  }
0x168: {  	v25 =	vld [tilespmem:s31+$0xC830]  }
0x169: {  	v32 =	vld [tilespmem:s31+$0xC8A0]  }
0x16a: {  	v33 =	vld [tilespmem:s31+$0xC8B0]  }
0x16b: {  	v26 =	vld [tilespmem:s31+$0xC8C0]  }
0x16c: {  	v27 =	vld [tilespmem:s31+$0xC8D0];
	v8 =	vadd.f32 v8, v21;
	v13 =	vadd.f32 v13, v19  }
0x16d: {  	v28 =	vld [tilespmem:s31+$0xC840];
	v11 =	vadd.f32 v23, v11;
	v10 =	vadd.f32 v25, v10  }
0x16e: {  	v29 =	vld [tilespmem:s31+$0xC850];
	v25 =	vadd.f32 v0, v8;
	v31 =	vadd.f32 v2, v13  }
0x16f: {  	s0 =	simm.s32 $0x800;
	v30 =	vld [tilespmem:s31+$0xC860];
	v32 =	vadd.f32 v32, v11;
	v33 =	vadd.f32 v33, v10  }
.LBB2_14:
0x170: {  	p0 =	sne.s32 s0, $0xF800;
	v0 =	vld [tilespmem:s31+$0xC870];
	v2 =	vadd.f32 v20, v25;
	v8 =	vadd.f32 v24, v31  }
0x171: {  	v10 =	vld [tilespmem:s31+$0xC8E0];
	v9 =	vadd.f32 v9, v32;
	v11 =	vadd.f32 v22, v33  }
0x172: {  	v13 =	vld [tilespmem:s31+$0xC8F0];
	v2 =	vadd.f32 v12, v2;
	v8 =	vadd.f32 v16, v8  }
0x173: {  	v19 =	vld [tilespmem:s31+$0xC960];
	v21 =	vadd.f32 v17, v9;
	v11 =	vadd.f32 v18, v11  }
0x174: {  	v7 =	vadd.f32 v28, v7;
	v6 =	vadd.f32 v29, v6;
	v9 =	vld [tilespmem:s31+$0xC970]  }
0x175: {  	v5 =	vadd.f32 v30, v5;
	v0 =	vadd.f32 v0, v4;
	v4 =	vld [tilespmem:s31+$0xC9E0]  }
0x176: {  	v7 =	vadd.f32 v26, v7;
	v6 =	vadd.f32 v27, v6;
	v20 =	vld [tilespmem:s31+$0xC9F0];
	s31 =	sshra.s32 s0, $0x2  }
0x177: {  	v5 =	vadd.f32 v10, v5;
	v12 =	vld [tilespmem:s31+$0xC980];
	v0 =	vadd.f32 v13, v0  }
0x178: {  	v7 =	vadd.f32 v14, v7;
	v6 =	vadd.f32 v15, v6;
	v16 =	vld [tilespmem:s31+$0xC990]  }
0x179: {  	v5 =	vadd.f32 v19, v5;
	v17 =	vld [tilespmem:s31+$0xC9A0];
	v0 =	vadd.f32 v9, v0  }
0x17a: {  	v7 =	vadd.f32 v1, v7;
	v6 =	vadd.f32 v3, v6;
	v18 =	vld [tilespmem:s31+$0xC9B0]  }
0x17b: {  	v5 =	vadd.f32 v4, v5;
	v1 =	vld [tilespmem:s31+$0xC9C0];
	v4 =	vadd.f32 v20, v0  }
0x17c: {  	v3 =	vld [tilespmem:s31+$0xC9D0]  }
0x17d: {  	v20 =	vld [tilespmem:s31+$0xC900]  }
0x17e: {  	v24 =	vld [tilespmem:s31+$0xC910]  }
0x17f: {  	v9 =	vld [tilespmem:s31+$0xC920]  }
0x180: {  	v22 =	vld [tilespmem:s31+$0xC930]  }
0x181: {  	v14 =	vld [tilespmem:s31+$0xC940]  }
0x182: {  	v15 =	vld [tilespmem:s31+$0xC950]  }
0x183: {  	v0 =	vld [tilespmem:s31+$0xC880]  }
0x184: {  	v10 =	vld [tilespmem:s31+$0xC890]  }
0x185: {  	v13 =	vld [tilespmem:s31+$0xC800]  }
0x186: {  	v19 =	vld [tilespmem:s31+$0xC810]  }
0x187: {  	v23 =	vld [tilespmem:s31+$0xC820]  }
0x188: {  	v25 =	vld [tilespmem:s31+$0xC830]  }
0x189: {  	v32 =	vld [tilespmem:s31+$0xC8A0]  }
0x18a: {  	v33 =	vld [tilespmem:s31+$0xC8B0]  }
.Ltmp8:
0x18b: {  	v26 =	vld [tilespmem:s31+$0xC8C0];
	(pc) =	sbr.rel @p0 .LBB2_14-.Ltmp8, $4  }
0x18c: {  	v2 =	vadd.f32 v13, v2;
	v8 =	vadd.f32 v19, v8;
	v27 =	vld [tilespmem:s31+$0xC8D0]  }
0x18d: {  	v13 =	vadd.f32 v23, v21;
	v11 =	vadd.f32 v25, v11;
	v28 =	vld [tilespmem:s31+$0xC840]  }
0x18e: {  	v25 =	vadd.f32 v0, v2;
	v31 =	vadd.f32 v10, v8;
	v29 =	vld [tilespmem:s31+$0xC850]  }
0x18f: {  	s0 =	sadd.s32 $0x800, s0;
	v32 =	vadd.f32 v32, v13;
	v30 =	vld [tilespmem:s31+$0xC860];
	v33 =	vadd.f32 v33, v11  }
0x190: {  	v34 =	vld [tilespmem:s31+$0xC870]  }
0x191: {  	v35 =	vld [tilespmem:s31+$0xC8E0]  }
0x192: {  	v36 =	vld [tilespmem:s31+$0xC8F0]  }
0x193: {  	v37 =	vld [tilespmem:s31+$0xC960]  }
0x194: {  	v38 =	vld [tilespmem:s31+$0xC970];
	s29 =	sshll.u32 s28, $0xC;
	p0 =	seq.s32 s28, $0x18  }
0x195: {  	v39 =	vld [tilespmem:s31+$0xC9E0];
	s30 =	sshrl.u32 @!p0 s29, $0x2  }
0x196: {  	v40 =	vld [tilespmem:s31+$0xC9F0];
	s1 =	simm.s32 @!p0 $0x100;
	s31 =	simm.s32 @!p0 $0xC800;
	s0 =	sadd.s32 @!p0 $0x6800, s30  }
0x197: {  	[tilespmem:s31], [sflag:$0x2] =	stream.indirect.gather @!p0 [hbm4b:s3+s1], $0x40, s0, s1, $0xb8;
	[tilespmem:$0x1C880] =	vst v63  }
0x198: {  	_ =	swait.ge [sflag:s18], $0x4000  }
0x199: {  	[sflag:s18] =	ssyncset.done $0x0  }
0x19a: {  	s31 =	simm.s32 $0x0;
	[sflag:s18] =	ssyncadd.s32 $0xFFFFC000  }
0x19b: {  	v8 =	vld [tilespmem:s31+$0x10980]  }
0x19c: {  	v10 =	vld [tilespmem:s31+$0x10990]  }
0x19d: {  	v11 =	vld [tilespmem:s31+$0x109A0]  }
0x19e: {  	v13 =	vld [tilespmem:s31+$0x109B0]  }
0x19f: {  	v0 =	vld [tilespmem:s31+$0x109C0]  }
0x1a0: {  	v2 =	vld [tilespmem:s31+$0x109D0]  }
0x1a1: {  	v21 =	vld [tilespmem:s31+$0x10900]  }
0x1a2: {  	v23 =	vld [tilespmem:s31+$0x10910]  }
0x1a3: {  	v19 =	vld [tilespmem:s31+$0x10920]  }
0x1a4: {  	v20 =	vadd.f32 v20, v25;
	v24 =	vadd.f32 v24, v31;
	v25 =	vld [tilespmem:s31+$0x10930]  }
0x1a5: {  	v31 =	vadd.f32 v9, v32;
	v22 =	vadd.f32 v22, v33;
	v9 =	vld [tilespmem:s31+$0x10940]  }
0x1a6: {  	v20 =	vadd.f32 v12, v20;
	v24 =	vadd.f32 v16, v24;
	v12 =	vld [tilespmem:s31+$0x10950]  }
0x1a7: {  	v7 =	vadd.f32 v28, v7;
	v31 =	vadd.f32 v17, v31;
	v61 =	vld [tilespmem:s31+$0x10880]  }
0x1a8: {  	v22 =	vadd.f32 v18, v22;
	v6 =	vadd.f32 v29, v6;
	v62 =	vld [tilespmem:s31+$0x10890]  }
0x1a9: {  	v5 =	vadd.f32 v30, v5;
	v4 =	vadd.f32 v34, v4;
	v28 =	vld [tilespmem:s31+$0x10800]  }
0x1aa: {  	v7 =	vadd.f32 v26, v7;
	v6 =	vadd.f32 v27, v6;
	v27 =	vld [tilespmem:s31+$0x10810]  }
0x1ab: {  	v5 =	vadd.f32 v35, v5;
	v4 =	vadd.f32 v36, v4;
	v29 =	vld [tilespmem:s31+$0x10820]  }
0x1ac: {  	v7 =	vadd.f32 v14, v7;
	v6 =	vadd.f32 v15, v6;
	v14 =	vld [tilespmem:s31+$0x10830]  }
0x1ad: {  	v63 =	vld [tilespmem:s31+$0x108A0];
	v5 =	vadd.f32 v37, v5;
	v4 =	vadd.f32 v38, v4  }
0x1ae: {  	v15 =	vadd.f32 v1, v7;
	v1 =	vld [tilespmem:s31+$0x108B0];
	v16 =	vadd.f32 v3, v6  }
0x1af: {  	v26 =	vld [tilespmem:s31+$0x108C0];
	v17 =	vadd.f32 v39, v5;
	v18 =	vadd.f32 v40, v4  }
0x1b0: {  	v30 =	vld [tilespmem:s31+$0x10860];
	v3 =	vadd.f32 v28, v20;
	v4 =	vadd.f32 v27, v24  }
0x1b1: {  	v27 =	vld [tilespmem:s31+$0x108D0];
	v6 =	vadd.f32 v29, v31;
	v7 =	vadd.f32 v14, v22  }
0x1b2: {  	v28 =	vld [tilespmem:s31+$0x10840];
	v5 =	vadd.f32 v61, v3;
	v31 =	vadd.f32 v62, v4  }
0x1b3: {  	s0 =	simm.s32 $0x800;
	v29 =	vld [tilespmem:s31+$0x10850];
	v32 =	vadd.f32 v63, v6;
	v33 =	vadd.f32 v1, v7  }
.LBB2_16:
0x1b4: {  	p1 =	sne.s32 s0, $0xF800;
	v1 =	vld [tilespmem:s31+$0x10870];
	v3 =	vadd.f32 v21, v5;
	v4 =	vadd.f32 v23, v31  }
0x1b5: {  	v5 =	vld [tilespmem:s31+$0x108E0];
	v6 =	vadd.f32 v19, v32;
	v7 =	vadd.f32 v25, v33  }
0x1b6: {  	v14 =	vld [tilespmem:s31+$0x108F0];
	v3 =	vadd.f32 v8, v3;
	v4 =	vadd.f32 v10, v4  }
0x1b7: {  	v19 =	vld [tilespmem:s31+$0x10960];
	v6 =	vadd.f32 v11, v6;
	v7 =	vadd.f32 v13, v7  }
0x1b8: {  	v8 =	vadd.f32 v28, v15;
	v10 =	vadd.f32 v29, v16;
	v13 =	vld [tilespmem:s31+$0x10970]  }
0x1b9: {  	v11 =	vadd.f32 v30, v17;
	v1 =	vadd.f32 v1, v18;
	v17 =	vld [tilespmem:s31+$0x109E0]  }
0x1ba: {  	v15 =	vadd.f32 v26, v8;
	v16 =	vadd.f32 v27, v10;
	v18 =	vld [tilespmem:s31+$0x109F0];
	s31 =	sshra.s32 s0, $0x2  }
0x1bb: {  	v5 =	vadd.f32 v5, v11;
	v8 =	vld [tilespmem:s31+$0x10980];
	v1 =	vadd.f32 v14, v1  }
0x1bc: {  	v9 =	vadd.f32 v9, v15;
	v12 =	vadd.f32 v12, v16;
	v10 =	vld [tilespmem:s31+$0x10990]  }
0x1bd: {  	v5 =	vadd.f32 v19, v5;
	v11 =	vld [tilespmem:s31+$0x109A0];
	v1 =	vadd.f32 v13, v1  }
0x1be: {  	v15 =	vadd.f32 v0, v9;
	v16 =	vadd.f32 v2, v12;
	v13 =	vld [tilespmem:s31+$0x109B0]  }
0x1bf: {  	v17 =	vadd.f32 v17, v5;
	v0 =	vld [tilespmem:s31+$0x109C0];
	v18 =	vadd.f32 v18, v1  }
0x1c0: {  	v2 =	vld [tilespmem:s31+$0x109D0]  }
0x1c1: {  	v21 =	vld [tilespmem:s31+$0x10900]  }
0x1c2: {  	v23 =	vld [tilespmem:s31+$0x10910]  }
0x1c3: {  	v19 =	vld [tilespmem:s31+$0x10920]  }
0x1c4: {  	v25 =	vld [tilespmem:s31+$0x10930]  }
0x1c5: {  	v9 =	vld [tilespmem:s31+$0x10940]  }
0x1c6: {  	v12 =	vld [tilespmem:s31+$0x10950]  }
0x1c7: {  	v1 =	vld [tilespmem:s31+$0x10880]  }
0x1c8: {  	v14 =	vld [tilespmem:s31+$0x10890]  }
0x1c9: {  	v5 =	vld [tilespmem:s31+$0x10800]  }
0x1ca: {  	v20 =	vld [tilespmem:s31+$0x10810]  }
0x1cb: {  	v22 =	vld [tilespmem:s31+$0x10820]  }
0x1cc: {  	v24 =	vld [tilespmem:s31+$0x10830]  }
0x1cd: {  	v32 =	vld [tilespmem:s31+$0x108A0]  }
0x1ce: {  	v33 =	vld [tilespmem:s31+$0x108B0]  }
.Ltmp9:
0x1cf: {  	v26 =	vld [tilespmem:s31+$0x108C0];
	(pc) =	sbr.rel @p1 .LBB2_16-.Ltmp9, $4  }
0x1d0: {  	v3 =	vadd.f32 v5, v3;
	v4 =	vadd.f32 v20, v4;
	v27 =	vld [tilespmem:s31+$0x108D0]  }
0x1d1: {  	v6 =	vadd.f32 v22, v6;
	v7 =	vadd.f32 v24, v7;
	v28 =	vld [tilespmem:s31+$0x10840]  }
0x1d2: {  	v5 =	vadd.f32 v1, v3;
	v31 =	vadd.f32 v14, v4;
	v29 =	vld [tilespmem:s31+$0x10850]  }
0x1d3: {  	s0 =	sadd.s32 $0x800, s0;
	v32 =	vadd.f32 v32, v6;
	v30 =	vld [tilespmem:s31+$0x10860];
	v33 =	vadd.f32 v33, v7  }
0x1d4: {  	v34 =	vld [tilespmem:s31+$0x10870]  }
0x1d5: {  	v35 =	vld [tilespmem:s31+$0x108E0]  }
0x1d6: {  	v36 =	vld [tilespmem:s31+$0x108F0]  }
0x1d7: {  	v37 =	vld [tilespmem:s31+$0x10960]  }
0x1d8: {  	v38 =	vld [tilespmem:s31+$0x10970]  }
0x1d9: {  	v39 =	vld [tilespmem:s31+$0x109E0]  }
0x1da: {  	v40 =	vld [tilespmem:s31+$0x109F0];
	s0 =	sadd.s32 @!p0 $0x6900, s30;
	s1 =	simm.s32 @!p0 $0x100;
	s31 =	simm.s32 @!p0 $0x10800  }
0x1db: {  	[tilespmem:s31], [sflag:$0x3] =	stream.indirect.gather @!p0 [hbm4b:s3+s1], $0x40, s0, s1, $0xb8;
	[tilespmem:$0x1C880] =	vst v63  }
0x1dc: {  	_ =	swait.ge [sflag:s19], $0x4000  }
0x1dd: {  	[sflag:s19] =	ssyncset.done $0x0  }
0x1de: {  	s31 =	simm.s32 $0x0;
	[sflag:s19] =	ssyncadd.s32 $0xFFFFC000  }
0x1df: {  	v4 =	vld [tilespmem:s31+$0x14980]  }
0x1e0: {  	v6 =	vld [tilespmem:s31+$0x14990]  }
0x1e1: {  	v7 =	vld [tilespmem:s31+$0x149A0]  }
0x1e2: {  	v14 =	vld [tilespmem:s31+$0x149B0]  }
0x1e3: {  	v1 =	vld [tilespmem:s31+$0x149C0]  }
0x1e4: {  	v3 =	vld [tilespmem:s31+$0x149D0]  }
0x1e5: {  	v22 =	vld [tilespmem:s31+$0x14900]  }
0x1e6: {  	v24 =	vld [tilespmem:s31+$0x14910]  }
0x1e7: {  	v20 =	vld [tilespmem:s31+$0x14920]  }
0x1e8: {  	v41 =	vadd.f32 v21, v5;
	v23 =	vadd.f32 v23, v31;
	v21 =	vld [tilespmem:s31+$0x14930]  }
0x1e9: {  	v19 =	vadd.f32 v19, v32;
	v25 =	vadd.f32 v25, v33;
	v5 =	vld [tilespmem:s31+$0x14940]  }
0x1ea: {  	v31 =	vadd.f32 v8, v41;
	v10 =	vadd.f32 v10, v23;
	v8 =	vld [tilespmem:s31+$0x14950]  }
0x1eb: {  	v15 =	vadd.f32 v28, v15;
	v11 =	vadd.f32 v11, v19;
	v19 =	vld [tilespmem:s31+$0x14880]  }
0x1ec: {  	v13 =	vadd.f32 v13, v25;
	v16 =	vadd.f32 v29, v16;
	v23 =	vld [tilespmem:s31+$0x14890]  }
0x1ed: {  	v17 =	vadd.f32 v30, v17;
	v15 =	vadd.f32 v26, v15;
	v25 =	vld [tilespmem:s31+$0x14800]  }
0x1ee: {  	v18 =	vadd.f32 v34, v18;
	v16 =	vadd.f32 v27, v16;
	v27 =	vld [tilespmem:s31+$0x14810]  }
0x1ef: {  	v28 =	vld [tilespmem:s31+$0x14820];
	v17 =	vadd.f32 v35, v17;
	v9 =	vadd.f32 v9, v15  }
0x1f0: {  	v29 =	vld [tilespmem:s31+$0x14830];
	v18 =	vadd.f32 v36, v18;
	v12 =	vadd.f32 v12, v16  }
0x1f1: {  	v63 =	vld [tilespmem:s31+$0x148A0];
	v17 =	vadd.f32 v37, v17;
	v15 =	vadd.f32 v0, v9  }
0x1f2: {  	v0 =	vld [tilespmem:s31+$0x148B0];
	v18 =	vadd.f32 v38, v18;
	v16 =	vadd.f32 v2, v12  }
0x1f3: {  	v26 =	vld [tilespmem:s31+$0x148C0];
	v17 =	vadd.f32 v39, v17;
	v2 =	vadd.f32 v25, v31  }
0x1f4: {  	v30 =	vld [tilespmem:s31+$0x14860];
	v9 =	vadd.f32 v27, v10;
	v10 =	vadd.f32 v28, v11  }
0x1f5: {  	v27 =	vld [tilespmem:s31+$0x148D0];
	v11 =	vadd.f32 v29, v13;
	v18 =	vadd.f32 v40, v18  }
0x1f6: {  	v28 =	vld [tilespmem:s31+$0x14840];
	v12 =	vadd.f32 v19, v2;
	v31 =	vadd.f32 v23, v9  }
0x1f7: {  	s0 =	simm.s32 $0x800;
	v29 =	vld [tilespmem:s31+$0x14850];
	v32 =	vadd.f32 v63, v10;
	v33 =	vadd.f32 v0, v11  }
.LBB2_18:
0x1f8: {  	p1 =	sne.s32 s0, $0xF800;
	v0 =	vld [tilespmem:s31+$0x14870];
	v2 =	vadd.f32 v22, v12;
	v9 =	vadd.f32 v24, v31  }
0x1f9: {  	v10 =	vld [tilespmem:s31+$0x148E0];
	v11 =	vadd.f32 v20, v32;
	v12 =	vadd.f32 v21, v33  }
0x1fa: {  	v13 =	vld [tilespmem:s31+$0x148F0];
	v2 =	vadd.f32 v4, v2;
	v9 =	vadd.f32 v6, v9  }
0x1fb: {  	v19 =	vld [tilespmem:s31+$0x14960];
	v11 =	vadd.f32 v7, v11;
	v12 =	vadd.f32 v14, v12  }
0x1fc: {  	v4 =	vadd.f32 v28, v15;
	v6 =	vadd.f32 v29, v16;
	v14 =	vld [tilespmem:s31+$0x14970]  }
0x1fd: {  	v7 =	vadd.f32 v30, v17;
	v0 =	vadd.f32 v0, v18;
	v17 =	vld [tilespmem:s31+$0x149E0]  }
0x1fe: {  	v15 =	vadd.f32 v26, v4;
	v16 =	vadd.f32 v27, v6;
	v18 =	vld [tilespmem:s31+$0x149F0];
	s31 =	sshra.s32 s0, $0x2  }
0x1ff: {  	v10 =	vadd.f32 v10, v7;
	v4 =	vld [tilespmem:s31+$0x14980];
	v0 =	vadd.f32 v13, v0  }
0x200: {  	v5 =	vadd.f32 v5, v15;
	v8 =	vadd.f32 v8, v16;
	v6 =	vld [tilespmem:s31+$0x14990]  }
0x201: {  	v10 =	vadd.f32 v19, v10;
	v7 =	vld [tilespmem:s31+$0x149A0];
	v0 =	vadd.f32 v14, v0  }
0x202: {  	v15 =	vadd.f32 v1, v5;
	v16 =	vadd.f32 v3, v8;
	v14 =	vld [tilespmem:s31+$0x149B0]  }
0x203: {  	v17 =	vadd.f32 v17, v10;
	v1 =	vld [tilespmem:s31+$0x149C0];
	v18 =	vadd.f32 v18, v0  }
0x204: {  	v3 =	vld [tilespmem:s31+$0x149D0]  }
0x205: {  	v22 =	vld [tilespmem:s31+$0x14900]  }
0x206: {  	v24 =	vld [tilespmem:s31+$0x14910]  }
0x207: {  	v20 =	vld [tilespmem:s31+$0x14920]  }
0x208: {  	v21 =	vld [tilespmem:s31+$0x14930]  }
0x209: {  	v5 =	vld [tilespmem:s31+$0x14940]  }
0x20a: {  	v8 =	vld [tilespmem:s31+$0x14950]  }
0x20b: {  	v0 =	vld [tilespmem:s31+$0x14880]  }
0x20c: {  	v10 =	vld [tilespmem:s31+$0x14890]  }
0x20d: {  	v13 =	vld [tilespmem:s31+$0x14800]  }
0x20e: {  	v19 =	vld [tilespmem:s31+$0x14810]  }
0x20f: {  	v23 =	vld [tilespmem:s31+$0x14820]  }
0x210: {  	v25 =	vld [tilespmem:s31+$0x14830]  }
0x211: {  	v32 =	vld [tilespmem:s31+$0x148A0]  }
0x212: {  	v33 =	vld [tilespmem:s31+$0x148B0]  }
.Ltmp10:
0x213: {  	v26 =	vld [tilespmem:s31+$0x148C0];
	(pc) =	sbr.rel @p1 .LBB2_18-.Ltmp10, $4  }
0x214: {  	v2 =	vadd.f32 v13, v2;
	v9 =	vadd.f32 v19, v9;
	v27 =	vld [tilespmem:s31+$0x148D0]  }
0x215: {  	v11 =	vadd.f32 v23, v11;
	v13 =	vadd.f32 v25, v12;
	v28 =	vld [tilespmem:s31+$0x14840]  }
0x216: {  	v12 =	vadd.f32 v0, v2;
	v31 =	vadd.f32 v10, v9;
	v29 =	vld [tilespmem:s31+$0x14850]  }
0x217: {  	s0 =	sadd.s32 $0x800, s0;
	v32 =	vadd.f32 v32, v11;
	v30 =	vld [tilespmem:s31+$0x14860];
	v33 =	vadd.f32 v33, v13  }
0x218: {  	v34 =	vld [tilespmem:s31+$0x14870]  }
0x219: {  	v35 =	vld [tilespmem:s31+$0x148E0]  }
0x21a: {  	v36 =	vld [tilespmem:s31+$0x148F0]  }
0x21b: {  	v37 =	vld [tilespmem:s31+$0x14960]  }
0x21c: {  	v38 =	vld [tilespmem:s31+$0x14970]  }
0x21d: {  	v39 =	vld [tilespmem:s31+$0x149E0];
	s0 =	sadd.s32 @!p0 $0x6A00, s30;
	s1 =	simm.s32 @!p0 $0x100;
	s30 =	simm.s32 @!p0 $0x14800  }
0x21e: {  	v40 =	vld [tilespmem:s31+$0x149F0];
	[tilespmem:s30], [sflag:$0x4] =	stream.indirect.gather @!p0 [hbm4b:s3+s1], $0x40, s0, s1, $0xb8  }
0x21f: {  	_ =	swait.ge [sflag:s20], $0x4000  }
0x220: {  	[sflag:s20] =	ssyncset.done $0x0  }
0x221: {  	s30 =	simm.s32 $0x0;
	[sflag:s20] =	ssyncadd.s32 $0xFFFFC000  }
0x222: {  	v9 =	vld [tilespmem:s30+$0x18980]  }
0x223: {  	v10 =	vld [tilespmem:s30+$0x18990]  }
0x224: {  	v11 =	vld [tilespmem:s30+$0x189A0]  }
0x225: {  	v13 =	vld [tilespmem:s30+$0x189B0]  }
0x226: {  	v0 =	vld [tilespmem:s30+$0x189C0]  }
0x227: {  	v2 =	vld [tilespmem:s30+$0x189D0]  }
0x228: {  	v23 =	vld [tilespmem:s30+$0x18900]  }
0x229: {  	v25 =	vld [tilespmem:s30+$0x18910]  }
0x22a: {  	v41 =	vadd.f32 v22, v12;
	v19 =	vld [tilespmem:s30+$0x18920]  }
0x22b: {  	v24 =	vadd.f32 v24, v31;
	v20 =	vadd.f32 v20, v32;
	v22 =	vld [tilespmem:s30+$0x18930]  }
0x22c: {  	v21 =	vadd.f32 v21, v33;
	v60 =	vadd.f32 v4, v41;
	v12 =	vld [tilespmem:s30+$0x18940]  }
0x22d: {  	v24 =	vadd.f32 v6, v24;
	v6 =	vadd.f32 v28, v15;
	v4 =	vld [tilespmem:s30+$0x18950]  }
0x22e: {  	v20 =	vadd.f32 v7, v20;
	v14 =	vadd.f32 v14, v21;
	v21 =	vld [tilespmem:s30+$0x18880]  }
0x22f: {  	v7 =	vadd.f32 v29, v16;
	v15 =	vadd.f32 v30, v17;
	v16 =	vld [tilespmem:s30+$0x18890]  }
0x230: {  	v6 =	vadd.f32 v26, v6;
	v17 =	vadd.f32 v34, v18;
	v18 =	vld [tilespmem:s30+$0x18800]  }
0x231: {  	v7 =	vadd.f32 v27, v7;
	v26 =	vld [tilespmem:s30+$0x18810]  }
0x232: {  	v27 =	vld [tilespmem:s30+$0x18820];
	v15 =	vadd.f32 v35, v15;
	v5 =	vadd.f32 v5, v6  }
0x233: {  	v61 =	vld [tilespmem:s30+$0x18830];
	v17 =	vadd.f32 v36, v17;
	v6 =	vadd.f32 v8, v7  }
0x234: {  	v62 =	vld [tilespmem:s30+$0x188A0];
	v7 =	vadd.f32 v37, v15;
	v1 =	vadd.f32 v1, v5  }
0x235: {  	v63 =	vld [tilespmem:s30+$0x188B0];
	v8 =	vadd.f32 v38, v17;
	v3 =	vadd.f32 v3, v6  }
0x236: {  	v15 =	vld [tilespmem:s30+$0x18850];
	v5 =	vadd.f32 v39, v7;
	v17 =	vadd.f32 v18, v60  }
0x237: {  	v7 =	vld [tilespmem:s30+$0x188C0];
	v18 =	vadd.f32 v26, v24;
	v20 =	vadd.f32 v27, v20  }
0x238: {  	v24 =	vadd.f32 v61, v14;
	v14 =	vld [tilespmem:s30+$0x18840];
	v6 =	vadd.f32 v40, v8  }
0x239: {  	v8 =	vld [tilespmem:s30+$0x188D0];
	v17 =	vadd.f32 v21, v17;
	v18 =	vadd.f32 v16, v18  }
0x23a: {  	s0 =	simm.s32 $0x800;
	v16 =	vld [tilespmem:s30+$0x18860];
	v20 =	vadd.f32 v62, v20;
	v21 =	vadd.f32 v63, v24  }
.LBB2_20:
0x23b: {  	p1 =	sne.s32 s0, $0xF800;
	v24 =	vld [tilespmem:s30+$0x18870];
	v17 =	vadd.f32 v23, v17;
	v18 =	vadd.f32 v25, v18  }
0x23c: {  	v23 =	vld [tilespmem:s30+$0x188E0];
	v19 =	vadd.f32 v19, v20;
	v20 =	vadd.f32 v22, v21  }
0x23d: {  	v21 =	vld [tilespmem:s30+$0x188F0];
	v17 =	vadd.f32 v9, v17;
	v18 =	vadd.f32 v10, v18  }
0x23e: {  	v22 =	vld [tilespmem:s30+$0x18960];
	v26 =	vadd.f32 v11, v19;
	v20 =	vadd.f32 v13, v20  }
0x23f: {  	v1 =	vadd.f32 v14, v1;
	v3 =	vadd.f32 v15, v3;
	v13 =	vld [tilespmem:s30+$0x18970]  }
0x240: {  	v5 =	vadd.f32 v16, v5;
	v6 =	vadd.f32 v24, v6;
	v14 =	vld [tilespmem:s30+$0x189E0]  }
0x241: {  	v1 =	vadd.f32 v7, v1;
	v3 =	vadd.f32 v8, v3;
	v7 =	vld [tilespmem:s30+$0x189F0];
	s30 =	sshra.s32 s0, $0x2  }
0x242: {  	v5 =	vadd.f32 v23, v5;
	v9 =	vld [tilespmem:s30+$0x18980];
	v6 =	vadd.f32 v21, v6  }
0x243: {  	v1 =	vadd.f32 v12, v1;
	v3 =	vadd.f32 v4, v3;
	v10 =	vld [tilespmem:s30+$0x18990]  }
0x244: {  	v4 =	vadd.f32 v22, v5;
	v11 =	vld [tilespmem:s30+$0x189A0];
	v6 =	vadd.f32 v13, v6  }
0x245: {  	v1 =	vadd.f32 v0, v1;
	v3 =	vadd.f32 v2, v3;
	v13 =	vld [tilespmem:s30+$0x189B0]  }
0x246: {  	v5 =	vadd.f32 v14, v4;
	v0 =	vld [tilespmem:s30+$0x189C0];
	v6 =	vadd.f32 v7, v6  }
0x247: {  	v2 =	vld [tilespmem:s30+$0x189D0]  }
0x248: {  	v23 =	vld [tilespmem:s30+$0x18900]  }
0x249: {  	v25 =	vld [tilespmem:s30+$0x18910]  }
0x24a: {  	v19 =	vld [tilespmem:s30+$0x18920]  }
0x24b: {  	v22 =	vld [tilespmem:s30+$0x18930]  }
0x24c: {  	v12 =	vld [tilespmem:s30+$0x18940]  }
0x24d: {  	v4 =	vld [tilespmem:s30+$0x18950]  }
0x24e: {  	v16 =	vld [tilespmem:s30+$0x18880]  }
0x24f: {  	v21 =	vld [tilespmem:s30+$0x18890]  }
0x250: {  	v8 =	vld [tilespmem:s30+$0x18800]  }
0x251: {  	v14 =	vld [tilespmem:s30+$0x18810]  }
0x252: {  	v15 =	vld [tilespmem:s30+$0x18820]  }
0x253: {  	v24 =	vld [tilespmem:s30+$0x18830]  }
0x254: {  	v27 =	vld [tilespmem:s30+$0x188A0]  }
0x255: {  	v28 =	vld [tilespmem:s30+$0x188B0]  }
.Ltmp11:
0x256: {  	v7 =	vld [tilespmem:s30+$0x188C0];
	(pc) =	sbr.rel @p1 .LBB2_20-.Ltmp11, $4  }
0x257: {  	v17 =	vadd.f32 v8, v17;
	v18 =	vadd.f32 v14, v18;
	v8 =	vld [tilespmem:s30+$0x188D0]  }
0x258: {  	v26 =	vadd.f32 v15, v26;
	v24 =	vadd.f32 v24, v20;
	v14 =	vld [tilespmem:s30+$0x18840]  }
0x259: {  	v17 =	vadd.f32 v16, v17;
	v18 =	vadd.f32 v21, v18;
	v15 =	vld [tilespmem:s30+$0x18850]  }
0x25a: {  	s0 =	sadd.s32 $0x800, s0;
	v20 =	vadd.f32 v27, v26;
	v16 =	vld [tilespmem:s30+$0x18860];
	v21 =	vadd.f32 v28, v24  }
0x25b: {  	v24 =	vld [tilespmem:s30+$0x18870];
	v17 =	vadd.f32 v23, v17;
	v18 =	vadd.f32 v25, v18  }
0x25c: {  	v23 =	vld [tilespmem:s30+$0x188E0];
	v20 =	vadd.f32 v19, v20;
	v22 =	vadd.f32 v22, v21  }
0x25d: {  	v61 =	vld [tilespmem:s30+$0x188F0];
	v21 =	vadd.f32 v9, v17;
	v19 =	vadd.f32 v10, v18  }
0x25e: {  	v62 =	vld [tilespmem:s30+$0x18970];
	v1 =	vadd.f32 v14, v1;
	v11 =	vadd.f32 v11, v20  }
0x25f: {  	v9 =	vld [tilespmem:s30+$0x18960];
	v10 =	vadd.f32 v13, v22;
	v3 =	vadd.f32 v15, v3  }
0x260: {  	v63 =	vld [tilespmem:s30+$0x189E0];
	v5 =	vadd.f32 v16, v5;
	v6 =	vadd.f32 v24, v6  }
0x261: {  	v1 =	vadd.f32 v7, v1;
	v3 =	vadd.f32 v8, v3;
	v8 =	vld [tilespmem:s30+$0x189F0]  }
.Ltmp12:
0x262: {  	v5 =	vadd.f32 v23, v5;
	v6 =	vadd.f32 v61, v6;
	(pc) =	sbr.rel @p0 .LBB2_23-.Ltmp12, $4  }
0x263: {  	v1 =	vadd.f32 v12, v1;
	v3 =	vadd.f32 v4, v3  }
0x264: {  	v4 =	vadd.f32 v9, v5;
	v9 =	vadd.f32 v62, v6  }
0x265: {  	v7 =	vadd.f32 v0, v1;
	v6 =	vadd.f32 v2, v3  }
0x266: {  	v5 =	vadd.f32 v63, v4;
	v4 =	vadd.f32 v8, v9  }
.Ltmp13:
0x267: {  	(pc) =	sbr.rel .LBB2_13-.Ltmp13, $4  }
0x268: {  	_ = 	snop  }
0x269: {  	s0 =	sshrl.u32 s29, $0x2  }
0x26a: {  	s28 =	sadd.s32 $0x1, s28;
	s0 =	sadd.s32 $0x6B00, s0  }
0x26b: {  	[tilespmem:s16], [sflag:$0x5] =	stream.indirect.gather [hbm4b:s3+s10], $0x40, s0, s10, $0xb8;
	[tilespmem:$0x1C880] =	vst v63  }
.LBB2_24:
0x26c: {  	_ =	sfence.sel $0x180000  }
0x26d: {  	[bflag:$0x0] =	sbarrier.arrive $0xFFFF  }
0x26e: {  	_ =	strace $0x90000047  }
0x26f: {  	s0 =	stileid.u32;
	[bflag:$0x2] =	sbarrier.arrive $0xFFFF  }
0x270: {  	p0 =	sne.s32 s0, $0x0;
	s0 =	rddreg [dreg:$0x3]  }
0x271: {  	s0 =	sadd.s32 @!p0 $0x100000, s0  }
0x272: {  	[sflag:s0] =	ssyncadd.tile.s32 @!p0 $0x1;
	_ =	shalt  }
.Lfunc_end2:
_tile_overlayer_lowered:
.L_overlay_start_2:
0x273: {  	(tag) =	ssettag $0x2  }
0x274: {  	s0 =	rddreg [dreg:$0x0];
	s2 =	stileid.u32  }
0x275: {  	s1 =	rddreg [dreg:$0x1];
	p0 =	sne.s32 s2, $0x0  }
0x276: {  	s3 =	rddreg [dreg:$0x2];
	[bflag:$0x3] =	sbarrier.arrive $0xFFFF;
	s2 =	simm.s32 @!p0 $0x1C06  }
0x277: {  	[timem:s3], [sflag:s2] =	dma.local @!p0 [hbm:s0], s1  }
0x278: {  	s0 =	simm.s32 @!p0 $0x6  }
0x279: {  	_ =	swait.ge @!p0 [sflag:s0], s1  }
0x27a: {  	s1 =	ssub.s32 @!p0 $0x0, s1;
	[sflag:s0] =	ssyncset.done @!p0 $0x0  }
0x27b: {  	[sflag:s0] =	ssyncadd.s32 @!p0 s1  }
0x27c: {  	[bflag:$0x3] =	sbarrier.arrive $0xFFFF  }
0x27d: {  	_ =	shalt  }

</sc_bundles>
